<compile_context>
chip_gen: v7x
topology: tpu7x:2x2x1
jax: 0.10.2.dev20260603
libtpu: 0.0.44.dev20260713+nightly
codegen_flags: <defaults>
</compile_context>

<pallas_src>
import functools

import jax
import jax.numpy as jnp
from jax import lax
from jax.experimental import pallas as pl
from jax.experimental.pallas import tpu as pltpu
from jax.experimental.pallas import tpu_sc as plsc

EMBEDDING_DIM = 32
NUM_CORES = 2
NUM_SUBCORES = 16
NUM_WORKERS = NUM_CORES * NUM_SUBCORES
BATCH, SEQ = 16384, 50
ROWS_PER_W = BATCH // NUM_WORKERS
SLOT = 64
IDX_ROWS = ROWS_PER_W * SLOT // 128
RPC = 8
N_CHUNKS = ROWS_PER_W // RPC
NBUF = 6
DEPTH = 5

_mesh = plsc.VectorSubcoreMesh(core_axis_name="c", subcore_axis_name="s")


@functools.partial(
    pl.kernel,
    mesh=_mesh,
    out_type=jax.ShapeDtypeStruct((NUM_WORKERS, IDX_ROWS, 128), jnp.int32),
    scratch_types=[
        pltpu.VMEM((ROWS_PER_W, SEQ), jnp.int32),
        pltpu.VMEM((IDX_ROWS, 128), jnp.int32),
    ],
    compiler_params=pltpu.CompilerParams(
        use_tc_tiling_on_sc=True, needs_layout_passes=False
    ),
)
def _stage_kernel(tok_hbm, idx_out, tok_v, dense_v):
    wid = lax.axis_index("s") * NUM_CORES + lax.axis_index("c")
    row_base = wid * ROWS_PER_W
    pltpu.sync_copy(tok_hbm.at[pl.ds(row_base, ROWS_PER_W)], tok_v)

    lanes = lax.iota(jnp.int32, 16)

    def body(r, carry):
        rows16 = jnp.full((16,), r, jnp.int32)
        drow16 = jnp.full((16,), r // 2, jnp.int32)
        cbase = (r % 2) * SLOT
        for c0 in (0, 16, 32, 34):
            vals = plsc.load_gather(tok_v, [rows16, c0 + lanes])
            plsc.store_scatter(dense_v, [drow16, cbase + c0 + lanes], vals)
        return carry

    lax.fori_loop(0, ROWS_PER_W, body, 0)
    pltpu.sync_copy(dense_v, idx_out.at[wid])


@functools.partial(
    pl.kernel,
    mesh=_mesh,
    out_type=jax.ShapeDtypeStruct((BATCH, SEQ, EMBEDDING_DIM), jnp.float32),
    scratch_types=[
        pltpu.VMEM((IDX_ROWS, 128), jnp.int32),
        pltpu.VMEM((NBUF, RPC, SEQ, EMBEDDING_DIM), jnp.float32),
        pltpu.SemaphoreType.DMA,
        pltpu.SemaphoreType.DMA,
    ],
    compiler_params=pltpu.CompilerParams(use_tc_tiling_on_sc=False),
)
def _gather_kernel(idx_hbm, table_hbm, out_hbm, idx_v, bufs, gsem, wsem):
    wid = lax.axis_index("s") * NUM_CORES + lax.axis_index("c")
    row_base = wid * ROWS_PER_W
    pltpu.sync_copy(idx_hbm.at[wid], idx_v)

    def gather(j, r, b):
        rr = j * RPC + r
        idx = idx_v.at[rr // 2].at[pl.ds((rr % 2) * SLOT, SEQ)]
        return pltpu.make_async_copy(table_hbm.at[idx], bufs.at[b, r], gsem)

    def start_gathers(j, b):
        for r in range(RPC):
            gather(j, r, b).start()

    def wait_gathers(j, b):
        for r in range(RPC):
            gather(j, r, b).wait()

    def write(j, b):
        dst = out_hbm.at[pl.ds(row_base + j * RPC, RPC)]
        return pltpu.make_async_copy(bufs.at[b], dst, wsem)

    for j in range(DEPTH):
        start_gathers(j, j)

    def body(j, carry):
        b = lax.rem(j, NBUF)
        wait_gathers(j, b)
        write(j, b).start()

        @pl.when(j + DEPTH < N_CHUNKS)
        def _():
            jn = j + DEPTH
            bn = lax.rem(jn, NBUF)

            @pl.when(jn >= NBUF)
            def _():
                write(jn - NBUF, bn).wait()

            start_gathers(jn, bn)

        return carry

    lax.fori_loop(0, N_CHUNKS, body, 0)

    for jw in range(N_CHUNKS - NBUF, N_CHUNKS):
        write(jw, jw % NBUF).wait()


def kernel(token_ids, weight):
    idx = _stage_kernel(token_ids)
    return _gather_kernel(idx, weight)

# --- scband reference (transcript-rebuilt; emitter-appended) ---
"""Pipeline reference for scband-embedding-58978490909332 (READ-ONLY COPY).

The authoritative reference and input builder live on the scoring server;
editing this copy changes nothing except your own understanding.
"""

import jax, jax.numpy as jnp
import numpy as np

NUM_EMBEDDINGS = 1000000
EMBEDDING_DIM = 32

def setup_inputs(seed: int = 0) -> dict:
    key = jax.random.key(seed)
    k1, k2 = jax.random.split(key)
    token_ids = jax.random.randint(k1, (16384, 50), 0, NUM_EMBEDDINGS, dtype=jnp.int64 if jax.config.read('jax_enable_x64') else jnp.int32)
    # trunc_normal_(mean=0, std=1, a=-3, b=3)
    weight = jax.random.truncated_normal(k2, -3.0, 3.0, (NUM_EMBEDDINGS, EMBEDDING_DIM), dtype=jnp.float32)
    return {"token_ids": token_ids, "weight": weight}

def reference(token_ids, weight):
    # Embedding lookup: weight[token_ids]
    return jnp.take(weight, token_ids, axis=0)

if __name__ == "__main__":
    import jax
    _d = setup_inputs()
    print(jax.jit(kernel)(*tuple(_d.values())))

</pallas_src>

<mosaic_0001>
#map = affine_map<(d0, d1) -> (0, 0)>
#map1 = affine_map<(d0, d1) -> (0, 0, 0)>
module attributes {stable_mosaic.version = 14 : i64} {
  func.func @_stage_kernel(%arg0: i32, %arg1: i32, %arg2: memref<16384x50xi32, #tpu.memory_space<hbm>>, %arg3: memref<32x256x128xi32, #tpu.memory_space<hbm>>, %arg4: memref<512x50xi32, #tpu.memory_space<vmem>>, %arg5: memref<256x128xi32, #tpu.memory_space<vmem>>) attributes {dimension_semantics = [#tpu.dimension_semantics<core_parallel>, #tpu.dimension_semantics<subcore_parallel>], iteration_bounds = array<i64: 2, 16>, scalar_prefetch = 0 : i64, scratch_operands = 2 : i64, tpu.core_type = #tpu.core_type<sc_vector_subcore>, window_params = [{transform_indices = #map}, {transform_indices = #map1}]} {
    %mul3A = arith.constant 2 : i32
    %mul3A_0 = arith.muli %arg1, %mul3A : i32
    %add3A = arith.addi %mul3A_0, %arg0 : i32
    %mul3A_1 = arith.constant 512 : i32
    %mul3A_2 = arith.muli %add3A, %mul3A_1 : i32
    "tpu.region"() ({
      %run_scoped3A = tpu.sem_alloc : memref<!tpu.dma_semaphore, #tpu.memory_space<semaphore_mem>>
      %dma_start3A = arith.constant 0 : i32
      %dma_start3A_8 = tpu.memref_slice %arg2[%mul3A_2, %dma_start3A] : memref<16384x50xi32, #tpu.memory_space<hbm>> -> memref<512x50xi32, #tpu.memory_space<hbm>>
      %dma_start3A_9 = arith.constant 0 : i32
      %dma_start3A_10 = tpu.memref_slice %arg2[%mul3A_2, %dma_start3A_9] : memref<16384x50xi32, #tpu.memory_space<hbm>> -> memref<512x50xi32, #tpu.memory_space<hbm>>
      tpu.enqueue_dma source(%dma_start3A_10 : memref<512x50xi32, #tpu.memory_space<hbm>>) target(%arg4 : memref<512x50xi32, #tpu.memory_space<vmem>>) target_semaphore(%run_scoped3A : memref<!tpu.dma_semaphore, #tpu.memory_space<semaphore_mem>>)
      %dma_wait3A = arith.constant 0 : i32
      %dma_wait3A_11 = tpu.memref_slice %arg2[%mul3A_2, %dma_wait3A] : memref<16384x50xi32, #tpu.memory_space<hbm>> -> memref<512x50xi32, #tpu.memory_space<hbm>>
      %dma_wait3A_12 = arith.constant 0 : i32
      %dma_wait3A_13 = tpu.memref_slice %arg2[%mul3A_2, %dma_wait3A_12] : memref<16384x50xi32, #tpu.memory_space<hbm>> -> memref<512x50xi32, #tpu.memory_space<hbm>>
      tpu.wait_dma2 semaphore(%run_scoped3A : memref<!tpu.dma_semaphore, #tpu.memory_space<semaphore_mem>>) src(%dma_wait3A_13 : memref<512x50xi32, #tpu.memory_space<hbm>>) dst(%arg4 : memref<512x50xi32, #tpu.memory_space<vmem>>)
      tpu.yield
    }) : () -> ()
    %iota3A = tpu.iota {dimensions = array<i32: 0>} : vector<16xi32>
    %scan3A = arith.constant 0 : i32
    %scan3A_3 = arith.constant 0 : i32
    %scan3A_4 = arith.constant 512 : i32
    %scan3A_5 = arith.addi %scan3A_3, %scan3A_4 : i32
    %scan3A_6 = arith.constant 1 : i32
    scf.for %scan3A_8 = %scan3A_3 to %scan3A_5 step %scan3A_6  : i32 {
      %broadcast_in_dim3A = vector.broadcast %scan3A_8 : i32 to vector<16xi32>
      %jit3A = arith.constant 2 : i32
      %div3A = arith.divsi %scan3A_8, %jit3A : i32
      %sign3A = arith.constant 0 : i32
      %sign3A_9 = arith.cmpi sgt, %scan3A_8, %sign3A : i32
      %sign3A_10 = arith.extui %sign3A_9 : i1 to i32
      %sign3A_11 = arith.constant 0 : i32
      %sign3A_12 = arith.cmpi slt, %scan3A_8, %sign3A_11 : i32
      %sign3A_13 = arith.extui %sign3A_12 : i1 to i32
      %sign3A_14 = arith.subi %sign3A_10, %sign3A_13 : i32
      %sign3A_15 = arith.constant 0 : i32
      %sign3A_16 = arith.cmpi sgt, %jit3A, %sign3A_15 : i32
      %sign3A_17 = arith.extui %sign3A_16 : i1 to i32
      %sign3A_18 = arith.constant 0 : i32
      %sign3A_19 = arith.cmpi slt, %jit3A, %sign3A_18 : i32
      %sign3A_20 = arith.extui %sign3A_19 : i1 to i32
      %sign3A_21 = arith.subi %sign3A_17, %sign3A_20 : i32
      %ne3A = arith.cmpi ne, %sign3A_14, %sign3A_21 : i32
      %rem3A = arith.remsi %scan3A_8, %jit3A : i32
      %ne3A_22 = arith.constant 0 : i32
      %ne3A_23 = arith.cmpi ne, %rem3A, %ne3A_22 : i32
      %and3A = arith.andi %ne3A, %ne3A_23 : i1
      %sub3A = arith.constant 1 : i32
      %sub3A_24 = arith.subi %div3A, %sub3A : i32
      %select_n3A = arith.select %and3A, %sub3A_24, %div3A : i32
      %broadcast_in_dim3A_25 = vector.broadcast %select_n3A : i32 to vector<16xi32>
      %jit3A_26 = arith.constant 2 : i32
      %eq3A = arith.constant 0 : i32
      %eq3A_27 = arith.cmpi eq, %jit3A_26, %eq3A : i32
      %jit3A_28 = arith.constant 1 : i32
      %select_n3A_29 = arith.select %eq3A_27, %jit3A_28, %jit3A_26 : i32
      %rem3A_30 = arith.remsi %scan3A_8, %select_n3A_29 : i32
      %ne3A_31 = arith.constant 0 : i32
      %ne3A_32 = arith.cmpi ne, %rem3A_30, %ne3A_31 : i32
      %lt3A = arith.constant 0 : i32
      %lt3A_33 = arith.cmpi slt, %rem3A_30, %lt3A : i32
      %lt3A_34 = arith.constant 0 : i32
      %lt3A_35 = arith.cmpi slt, %select_n3A_29, %lt3A_34 : i32
      %ne3A_36 = arith.xori %lt3A_33, %lt3A_35 : i1
      %and3A_37 = arith.andi %ne3A_36, %ne3A_32 : i1
      %add3A_38 = arith.addi %rem3A_30, %select_n3A_29 : i32
      %select_n3A_39 = arith.select %and3A_37, %add3A_38, %rem3A_30 : i32
      %mul3A_40 = arith.constant 64 : i32
      %mul3A_41 = arith.muli %select_n3A_39, %mul3A_40 : i32
      %add3A_42 = arith.constant 0 : i32
      %add3A_43 = vector.broadcast %add3A_42 : i32 to vector<16xi32>
      %add3A_44 = arith.addi %add3A_43, %iota3A : vector<16xi32>
      %gather3A = tpu.vector_load_idx %arg4[%broadcast_in_dim3A, %add3A_44] : memref<512x50xi32, #tpu.memory_space<vmem>>[vector<16xi32>, vector<16xi32>], vector<16xi32>,
      %add3A_45 = arith.constant 0 : i32
      %add3A_46 = arith.addi %mul3A_41, %add3A_45 : i32
      %add3A_47 = vector.broadcast %add3A_46 : i32 to vector<16xi32>
      %add3A_48 = arith.addi %add3A_47, %iota3A : vector<16xi32>
      tpu.vector_store_idx %arg5[%broadcast_in_dim3A_25, %add3A_48], %gather3A : memref<256x128xi32, #tpu.memory_space<vmem>>[vector<16xi32>, vector<16xi32>], vector<16xi32>,
      %add3A_49 = arith.constant 16 : i32
      %add3A_50 = vector.broadcast %add3A_49 : i32 to vector<16xi32>
      %add3A_51 = arith.addi %add3A_50, %iota3A : vector<16xi32>
      %gather3A_52 = tpu.vector_load_idx %arg4[%broadcast_in_dim3A, %add3A_51] : memref<512x50xi32, #tpu.memory_space<vmem>>[vector<16xi32>, vector<16xi32>], vector<16xi32>,
      %add3A_53 = arith.constant 16 : i32
      %add3A_54 = arith.addi %mul3A_41, %add3A_53 : i32
      %add3A_55 = vector.broadcast %add3A_54 : i32 to vector<16xi32>
      %add3A_56 = arith.addi %add3A_55, %iota3A : vector<16xi32>
      tpu.vector_store_idx %arg5[%broadcast_in_dim3A_25, %add3A_56], %gather3A_52 : memref<256x128xi32, #tpu.memory_space<vmem>>[vector<16xi32>, vector<16xi32>], vector<16xi32>,
      %add3A_57 = arith.constant 32 : i32
      %add3A_58 = vector.broadcast %add3A_57 : i32 to vector<16xi32>
      %add3A_59 = arith.addi %add3A_58, %iota3A : vector<16xi32>
      %gather3A_60 = tpu.vector_load_idx %arg4[%broadcast_in_dim3A, %add3A_59] : memref<512x50xi32, #tpu.memory_space<vmem>>[vector<16xi32>, vector<16xi32>], vector<16xi32>,
      %add3A_61 = arith.constant 32 : i32
      %add3A_62 = arith.addi %mul3A_41, %add3A_61 : i32
      %add3A_63 = vector.broadcast %add3A_62 : i32 to vector<16xi32>
      %add3A_64 = arith.addi %add3A_63, %iota3A : vector<16xi32>
      tpu.vector_store_idx %arg5[%broadcast_in_dim3A_25, %add3A_64], %gather3A_60 : memref<256x128xi32, #tpu.memory_space<vmem>>[vector<16xi32>, vector<16xi32>], vector<16xi32>,
      %add3A_65 = arith.constant 34 : i32
      %add3A_66 = vector.broadcast %add3A_65 : i32 to vector<16xi32>
      %add3A_67 = arith.addi %add3A_66, %iota3A : vector<16xi32>
      %gather3A_68 = tpu.vector_load_idx %arg4[%broadcast_in_dim3A, %add3A_67] : memref<512x50xi32, #tpu.memory_space<vmem>>[vector<16xi32>, vector<16xi32>], vector<16xi32>,
      %add3A_69 = arith.constant 34 : i32
      %add3A_70 = arith.addi %mul3A_41, %add3A_69 : i32
      %add3A_71 = vector.broadcast %add3A_70 : i32 to vector<16xi32>
      %add3A_72 = arith.addi %add3A_71, %iota3A : vector<16xi32>
      tpu.vector_store_idx %arg5[%broadcast_in_dim3A_25, %add3A_72], %gather3A_68 : memref<256x128xi32, #tpu.memory_space<vmem>>[vector<16xi32>, vector<16xi32>], vector<16xi32>,
    }
    %scan3A_7 = arith.constant 512 : i32
    "tpu.region"() ({
      %run_scoped3A = tpu.sem_alloc : memref<!tpu.dma_semaphore, #tpu.memory_space<semaphore_mem>>
      %dma_start3A = arith.constant 0 : i32
      %dma_start3A_8 = arith.constant 0 : i32
      %dma_start3A_9 = tpu.memref_slice %arg3[%add3A, %dma_start3A, %dma_start3A_8] : memref<32x256x128xi32, #tpu.memory_space<hbm>> -> memref<1x256x128xi32, #tpu.memory_space<hbm>>
      %dma_start3A_10 = tpu.memref_squeeze %dma_start3A_9 : memref<1x256x128xi32, #tpu.memory_space<hbm>> -> memref<256x128xi32, #tpu.memory_space<hbm>>
      %dma_start3A_11 = arith.constant 0 : i32
      %dma_start3A_12 = arith.constant 0 : i32
      %dma_start3A_13 = tpu.memref_slice %arg3[%add3A, %dma_start3A_11, %dma_start3A_12] : memref<32x256x128xi32, #tpu.memory_space<hbm>> -> memref<1x256x128xi32, #tpu.memory_space<hbm>>
      %dma_start3A_14 = tpu.memref_squeeze %dma_start3A_13 : memref<1x256x128xi32, #tpu.memory_space<hbm>> -> memref<256x128xi32, #tpu.memory_space<hbm>>
      tpu.enqueue_dma source(%arg5 : memref<256x128xi32, #tpu.memory_space<vmem>>) target(%dma_start3A_14 : memref<256x128xi32, #tpu.memory_space<hbm>>) target_semaphore(%run_scoped3A : memref<!tpu.dma_semaphore, #tpu.memory_space<semaphore_mem>>)
      %dma_wait3A = arith.constant 0 : i32
      %dma_wait3A_15 = arith.constant 0 : i32
      %dma_wait3A_16 = tpu.memref_slice %arg3[%add3A, %dma_wait3A, %dma_wait3A_15] : memref<32x256x128xi32, #tpu.memory_space<hbm>> -> memref<1x256x128xi32, #tpu.memory_space<hbm>>
      %dma_wait3A_17 = tpu.memref_squeeze %dma_wait3A_16 : memref<1x256x128xi32, #tpu.memory_space<hbm>> -> memref<256x128xi32, #tpu.memory_space<hbm>>
      %dma_wait3A_18 = arith.constant 0 : i32
      %dma_wait3A_19 = arith.constant 0 : i32
      %dma_wait3A_20 = tpu.memref_slice %arg3[%add3A, %dma_wait3A_18, %dma_wait3A_19] : memref<32x256x128xi32, #tpu.memory_space<hbm>> -> memref<1x256x128xi32, #tpu.memory_space<hbm>>
      %dma_wait3A_21 = tpu.memref_squeeze %dma_wait3A_20 : memref<1x256x128xi32, #tpu.memory_space<hbm>> -> memref<256x128xi32, #tpu.memory_space<hbm>>
      tpu.wait_dma2 semaphore(%run_scoped3A : memref<!tpu.dma_semaphore, #tpu.memory_space<semaphore_mem>>) src(%arg5 : memref<256x128xi32, #tpu.memory_space<vmem>>) dst(%dma_wait3A_21 : memref<256x128xi32, #tpu.memory_space<hbm>>)
      tpu.yield
    }) : () -> ()
    return
  }
}

#map = affine_map<(d0, d1) -> (0, 0, 0)>
#map1 = affine_map<(d0, d1) -> (0, 0)>
module attributes {stable_mosaic.version = 14 : i64} {
  func.func @_gather_kernel(%arg0: i32, %arg1: i32, %arg2: memref<32x256x128xi32, #tpu.memory_space<hbm>>, %arg3: memref<1000000x32xf32, #tpu.memory_space<hbm>>, %arg4: memref<16384x50x32xf32, #tpu.memory_space<hbm>>, %arg5: memref<256x128xi32, #tpu.memory_space<vmem>>, %arg6: memref<6x8x50x32xf32, #tpu.memory_space<vmem>>, %arg7: memref<!tpu.dma_semaphore, #tpu.memory_space<semaphore_mem>>, %arg8: memref<!tpu.dma_semaphore, #tpu.memory_space<semaphore_mem>>) attributes {dimension_semantics = [#tpu.dimension_semantics<core_parallel>, #tpu.dimension_semantics<subcore_parallel>], iteration_bounds = array<i64: 2, 16>, scalar_prefetch = 0 : i64, scratch_operands = 4 : i64, tpu.core_type = #tpu.core_type<sc_vector_subcore>, window_params = [{transform_indices = #map}, {transform_indices = #map1}, {transform_indices = #map}]} {
    %mul3A = arith.constant 2 : i32
    %mul3A_0 = arith.muli %arg1, %mul3A : i32
    %add3A = arith.addi %mul3A_0, %arg0 : i32
    %mul3A_1 = arith.constant 512 : i32
    %mul3A_2 = arith.muli %add3A, %mul3A_1 : i32
    "tpu.region"() ({
      %run_scoped3A = tpu.sem_alloc : memref<!tpu.dma_semaphore, #tpu.memory_space<semaphore_mem>>
      %dma_start3A_720 = arith.constant 0 : i32
      %dma_start3A_721 = arith.constant 0 : i32
      %dma_start3A_722 = tpu.memref_slice %arg2[%add3A, %dma_start3A_720, %dma_start3A_721] : memref<32x256x128xi32, #tpu.memory_space<hbm>> -> memref<1x256x128xi32, #tpu.memory_space<hbm>>
      %dma_start3A_723 = tpu.memref_squeeze %dma_start3A_722 : memref<1x256x128xi32, #tpu.memory_space<hbm>> -> memref<256x128xi32, #tpu.memory_space<hbm>>
      %dma_start3A_724 = arith.constant 0 : i32
      %dma_start3A_725 = arith.constant 0 : i32
      %dma_start3A_726 = tpu.memref_slice %arg2[%add3A, %dma_start3A_724, %dma_start3A_725] : memref<32x256x128xi32, #tpu.memory_space<hbm>> -> memref<1x256x128xi32, #tpu.memory_space<hbm>>
      %dma_start3A_727 = tpu.memref_squeeze %dma_start3A_726 : memref<1x256x128xi32, #tpu.memory_space<hbm>> -> memref<256x128xi32, #tpu.memory_space<hbm>>
      tpu.enqueue_dma source(%dma_start3A_727 : memref<256x128xi32, #tpu.memory_space<hbm>>) target(%arg5 : memref<256x128xi32, #tpu.memory_space<vmem>>) target_semaphore(%run_scoped3A : memref<!tpu.dma_semaphore, #tpu.memory_space<semaphore_mem>>)
      %dma_wait3A_728 = arith.constant 0 : i32
      %dma_wait3A_729 = arith.constant 0 : i32
      %dma_wait3A_730 = tpu.memref_slice %arg2[%add3A, %dma_wait3A_728, %dma_wait3A_729] : memref<32x256x128xi32, #tpu.memory_space<hbm>> -> memref<1x256x128xi32, #tpu.memory_space<hbm>>
      %dma_wait3A_731 = tpu.memref_squeeze %dma_wait3A_730 : memref<1x256x128xi32, #tpu.memory_space<hbm>> -> memref<256x128xi32, #tpu.memory_space<hbm>>
      %dma_wait3A_732 = arith.constant 0 : i32
      %dma_wait3A_733 = arith.constant 0 : i32
      %dma_wait3A_734 = tpu.memref_slice %arg2[%add3A, %dma_wait3A_732, %dma_wait3A_733] : memref<32x256x128xi32, #tpu.memory_space<hbm>> -> memref<1x256x128xi32, #tpu.memory_space<hbm>>
      %dma_wait3A_735 = tpu.memref_squeeze %dma_wait3A_734 : memref<1x256x128xi32, #tpu.memory_space<hbm>> -> memref<256x128xi32, #tpu.memory_space<hbm>>
      tpu.wait_dma2 semaphore(%run_scoped3A : memref<!tpu.dma_semaphore, #tpu.memory_space<semaphore_mem>>) src(%dma_wait3A_735 : memref<256x128xi32, #tpu.memory_space<hbm>>) dst(%arg5 : memref<256x128xi32, #tpu.memory_space<vmem>>)
      tpu.yield
    }) : () -> ()
    %dma_start3A = arith.constant 0 : i32
    %dma_start3A_3 = arith.constant 0 : i32
    %dma_start3A_4 = arith.constant 0 : i32
    %dma_start3A_5 = arith.constant 0 : i32
    %dma_start3A_6 = arith.constant 0 : i32
    %dma_start3A_7 = tpu.memref_slice %arg6[%dma_start3A_3, %dma_start3A_4, %dma_start3A_5, %dma_start3A_6] : memref<6x8x50x32xf32, #tpu.memory_space<vmem>> -> memref<1x1x50x32xf32, #tpu.memory_space<vmem>>
    %dma_start3A_8 = tpu.memref_squeeze %dma_start3A_7 : memref<1x1x50x32xf32, #tpu.memory_space<vmem>> -> memref<50x32xf32, #tpu.memory_space<vmem>>
    %dma_start3A_9 = arith.constant 0 : i32
    %dma_start3A_10 = tpu.memref_slice %arg5[%dma_start3A, %dma_start3A_9] : memref<256x128xi32, #tpu.memory_space<vmem>> -> memref<1x128xi32, #tpu.memory_space<vmem>>
    %dma_start3A_11 = tpu.memref_squeeze %dma_start3A_10 : memref<1x128xi32, #tpu.memory_space<vmem>> -> memref<128xi32, #tpu.memory_space<vmem>>
    %dma_start3A_12 = arith.constant 0 : i32
    %dma_start3A_13 = tpu.memref_slice %dma_start3A_11[%dma_start3A_12] : memref<128xi32, #tpu.memory_space<vmem>> -> memref<50xi32, #tpu.memory_space<vmem>>
    %dma_start3A_14 = arith.constant 0 : i32
    %dma_start3A_15 = arith.constant 0 : i32
    %dma_start3A_16 = tpu.memref_slice %arg3[%dma_start3A_14, %dma_start3A_15] : memref<1000000x32xf32, #tpu.memory_space<hbm>> -> memref<1000000x32xf32, #tpu.memory_space<hbm>>
    tpu.enqueue_indirect_dma source(%dma_start3A_16 : memref<1000000x32xf32, #tpu.memory_space<hbm>>) target(%dma_start3A_8 : memref<50x32xf32, #tpu.memory_space<vmem>>) offsets(%dma_start3A_13 : memref<50xi32, #tpu.memory_space<vmem>>) semaphore(%arg7 : memref<!tpu.dma_semaphore, #tpu.memory_space<semaphore_mem>>)
    %dma_start3A_17 = arith.constant 0 : i32
    %dma_start3A_18 = arith.constant 0 : i32
    %dma_start3A_19 = arith.constant 1 : i32
    %dma_start3A_20 = arith.constant 0 : i32
    %dma_start3A_21 = arith.constant 0 : i32
    %dma_start3A_22 = tpu.memref_slice %arg6[%dma_start3A_18, %dma_start3A_19, %dma_start3A_20, %dma_start3A_21] : memref<6x8x50x32xf32, #tpu.memory_space<vmem>> -> memref<1x1x50x32xf32, #tpu.memory_space<vmem>>
    %dma_start3A_23 = tpu.memref_squeeze %dma_start3A_22 : memref<1x1x50x32xf32, #tpu.memory_space<vmem>> -> memref<50x32xf32, #tpu.memory_space<vmem>>
    %dma_start3A_24 = arith.constant 0 : i32
    %dma_start3A_25 = tpu.memref_slice %arg5[%dma_start3A_17, %dma_start3A_24] : memref<256x128xi32, #tpu.memory_space<vmem>> -> memref<1x128xi32, #tpu.memory_space<vmem>>
    %dma_start3A_26 = tpu.memref_squeeze %dma_start3A_25 : memref<1x128xi32, #tpu.memory_space<vmem>> -> memref<128xi32, #tpu.memory_space<vmem>>
    %dma_start3A_27 = arith.constant 64 : i32
    %dma_start3A_28 = tpu.memref_slice %dma_start3A_26[%dma_start3A_27] : memref<128xi32, #tpu.memory_space<vmem>> -> memref<50xi32, #tpu.memory_space<vmem>>
    %dma_start3A_29 = arith.constant 0 : i32
    %dma_start3A_30 = arith.constant 0 : i32
    %dma_start3A_31 = tpu.memref_slice %arg3[%dma_start3A_29, %dma_start3A_30] : memref<1000000x32xf32, #tpu.memory_space<hbm>> -> memref<1000000x32xf32, #tpu.memory_space<hbm>>
    tpu.enqueue_indirect_dma source(%dma_start3A_31 : memref<1000000x32xf32, #tpu.memory_space<hbm>>) target(%dma_start3A_23 : memref<50x32xf32, #tpu.memory_space<vmem>>) offsets(%dma_start3A_28 : memref<50xi32, #tpu.memory_space<vmem>>) semaphore(%arg7 : memref<!tpu.dma_semaphore, #tpu.memory_space<semaphore_mem>>)
    %dma_start3A_32 = arith.constant 1 : i32
    %dma_start3A_33 = arith.constant 0 : i32
    %dma_start3A_34 = arith.constant 2 : i32
    %dma_start3A_35 = arith.constant 0 : i32
    %dma_start3A_36 = arith.constant 0 : i32
    %dma_start3A_37 = tpu.memref_slice %arg6[%dma_start3A_33, %dma_start3A_34, %dma_start3A_35, %dma_start3A_36] : memref<6x8x50x32xf32, #tpu.memory_space<vmem>> -> memref<1x1x50x32xf32, #tpu.memory_space<vmem>>
    %dma_start3A_38 = tpu.memref_squeeze %dma_start3A_37 : memref<1x1x50x32xf32, #tpu.memory_space<vmem>> -> memref<50x32xf32, #tpu.memory_space<vmem>>
    %dma_start3A_39 = arith.constant 0 : i32
    %dma_start3A_40 = tpu.memref_slice %arg5[%dma_start3A_32, %dma_start3A_39] : memref<256x128xi32, #tpu.memory_space<vmem>> -> memref<1x128xi32, #tpu.memory_space<vmem>>
    %dma_start3A_41 = tpu.memref_squeeze %dma_start3A_40 : memref<1x128xi32, #tpu.memory_space<vmem>> -> memref<128xi32, #tpu.memory_space<vmem>>
    %dma_start3A_42 = arith.constant 0 : i32
    %dma_start3A_43 = tpu.memref_slice %dma_start3A_41[%dma_start3A_42] : memref<128xi32, #tpu.memory_space<vmem>> -> memref<50xi32, #tpu.memory_space<vmem>>
    %dma_start3A_44 = arith.constant 0 : i32
    %dma_start3A_45 = arith.constant 0 : i32
    %dma_start3A_46 = tpu.memref_slice %arg3[%dma_start3A_44, %dma_start3A_45] : memref<1000000x32xf32, #tpu.memory_space<hbm>> -> memref<1000000x32xf32, #tpu.memory_space<hbm>>
    tpu.enqueue_indirect_dma source(%dma_start3A_46 : memref<1000000x32xf32, #tpu.memory_space<hbm>>) target(%dma_start3A_38 : memref<50x32xf32, #tpu.memory_space<vmem>>) offsets(%dma_start3A_43 : memref<50xi32, #tpu.memory_space<vmem>>) semaphore(%arg7 : memref<!tpu.dma_semaphore, #tpu.memory_space<semaphore_mem>>)
    %dma_start3A_47 = arith.constant 1 : i32
    %dma_start3A_48 = arith.constant 0 : i32
    %dma_start3A_49 = arith.constant 3 : i32
    %dma_start3A_50 = arith.constant 0 : i32
    %dma_start3A_51 = arith.constant 0 : i32
    %dma_start3A_52 = tpu.memref_slice %arg6[%dma_start3A_48, %dma_start3A_49, %dma_start3A_50, %dma_start3A_51] : memref<6x8x50x32xf32, #tpu.memory_space<vmem>> -> memref<1x1x50x32xf32, #tpu.memory_space<vmem>>
    %dma_start3A_53 = tpu.memref_squeeze %dma_start3A_52 : memref<1x1x50x32xf32, #tpu.memory_space<vmem>> -> memref<50x32xf32, #tpu.memory_space<vmem>>
    %dma_start3A_54 = arith.constant 0 : i32
    %dma_start3A_55 = tpu.memref_slice %arg5[%dma_start3A_47, %dma_start3A_54] : memref<256x128xi32, #tpu.memory_space<vmem>> -> memref<1x128xi32, #tpu.memory_space<vmem>>
    %dma_start3A_56 = tpu.memref_squeeze %dma_start3A_55 : memref<1x128xi32, #tpu.memory_space<vmem>> -> memref<128xi32, #tpu.memory_space<vmem>>
    %dma_start3A_57 = arith.constant 64 : i32
    %dma_start3A_58 = tpu.memref_slice %dma_start3A_56[%dma_start3A_57] : memref<128xi32, #tpu.memory_space<vmem>> -> memref<50xi32, #tpu.memory_space<vmem>>
    %dma_start3A_59 = arith.constant 0 : i32
    %dma_start3A_60 = arith.constant 0 : i32
    %dma_start3A_61 = tpu.memref_slice %arg3[%dma_start3A_59, %dma_start3A_60] : memref<1000000x32xf32, #tpu.memory_space<hbm>> -> memref<1000000x32xf32, #tpu.memory_space<hbm>>
    tpu.enqueue_indirect_dma source(%dma_start3A_61 : memref<1000000x32xf32, #tpu.memory_space<hbm>>) target(%dma_start3A_53 : memref<50x32xf32, #tpu.memory_space<vmem>>) offsets(%dma_start3A_58 : memref<50xi32, #tpu.memory_space<vmem>>) semaphore(%arg7 : memref<!tpu.dma_semaphore, #tpu.memory_space<semaphore_mem>>)
    %dma_start3A_62 = arith.constant 2 : i32
    %dma_start3A_63 = arith.constant 0 : i32
    %dma_start3A_64 = arith.constant 4 : i32
    %dma_start3A_65 = arith.constant 0 : i32
    %dma_start3A_66 = arith.constant 0 : i32
    %dma_start3A_67 = tpu.memref_slice %arg6[%dma_start3A_63, %dma_start3A_64, %dma_start3A_65, %dma_start3A_66] : memref<6x8x50x32xf32, #tpu.memory_space<vmem>> -> memref<1x1x50x32xf32, #tpu.memory_space<vmem>>
    %dma_start3A_68 = tpu.memref_squeeze %dma_start3A_67 : memref<1x1x50x32xf32, #tpu.memory_space<vmem>> -> memref<50x32xf32, #tpu.memory_space<vmem>>
    %dma_start3A_69 = arith.constant 0 : i32
    %dma_start3A_70 = tpu.memref_slice %arg5[%dma_start3A_62, %dma_start3A_69] : memref<256x128xi32, #tpu.memory_space<vmem>> -> memref<1x128xi32, #tpu.memory_space<vmem>>
    %dma_start3A_71 = tpu.memref_squeeze %dma_start3A_70 : memref<1x128xi32, #tpu.memory_space<vmem>> -> memref<128xi32, #tpu.memory_space<vmem>>
    %dma_start3A_72 = arith.constant 0 : i32
    %dma_start3A_73 = tpu.memref_slice %dma_start3A_71[%dma_start3A_72] : memref<128xi32, #tpu.memory_space<vmem>> -> memref<50xi32, #tpu.memory_space<vmem>>
    %dma_start3A_74 = arith.constant 0 : i32
    %dma_start3A_75 = arith.constant 0 : i32
    %dma_start3A_76 = tpu.memref_slice %arg3[%dma_start3A_74, %dma_start3A_75] : memref<1000000x32xf32, #tpu.memory_space<hbm>> -> memref<1000000x32xf32, #tpu.memory_space<hbm>>
    tpu.enqueue_indirect_dma source(%dma_start3A_76 : memref<1000000x32xf32, #tpu.memory_space<hbm>>) target(%dma_start3A_68 : memref<50x32xf32, #tpu.memory_space<vmem>>) offsets(%dma_start3A_73 : memref<50xi32, #tpu.memory_space<vmem>>) semaphore(%arg7 : memref<!tpu.dma_semaphore, #tpu.memory_space<semaphore_mem>>)
    %dma_start3A_77 = arith.constant 2 : i32
    %dma_start3A_78 = arith.constant 0 : i32
    %dma_start3A_79 = arith.constant 5 : i32
    %dma_start3A_80 = arith.constant 0 : i32
    %dma_start3A_81 = arith.constant 0 : i32
    %dma_start3A_82 = tpu.memref_slice %arg6[%dma_start3A_78, %dma_start3A_79, %dma_start3A_80, %dma_start3A_81] : memref<6x8x50x32xf32, #tpu.memory_space<vmem>> -> memref<1x1x50x32xf32, #tpu.memory_space<vmem>>
    %dma_start3A_83 = tpu.memref_squeeze %dma_start3A_82 : memref<1x1x50x32xf32, #tpu.memory_space<vmem>> -> memref<50x32xf32, #tpu.memory_space<vmem>>
    %dma_start3A_84 = arith.constant 0 : i32
    %dma_start3A_85 = tpu.memref_slice %arg5[%dma_start3A_77, %dma_start3A_84] : memref<256x128xi32, #tpu.memory_space<vmem>> -> memref<1x128xi32, #tpu.memory_space<vmem>>
    %dma_start3A_86 = tpu.memref_squeeze %dma_start3A_85 : memref<1x128xi32, #tpu.memory_space<vmem>> -> memref<128xi32, #tpu.memory_space<vmem>>
    %dma_start3A_87 = arith.constant 64 : i32
    %dma_start3A_88 = tpu.memref_slice %dma_start3A_86[%dma_start3A_87] : memref<128xi32, #tpu.memory_space<vmem>> -> memref<50xi32, #tpu.memory_space<vmem>>
    %dma_start3A_89 = arith.constant 0 : i32
    %dma_start3A_90 = arith.constant 0 : i32
    %dma_start3A_91 = tpu.memref_slice %arg3[%dma_start3A_89, %dma_start3A_90] : memref<1000000x32xf32, #tpu.memory_space<hbm>> -> memref<1000000x32xf32, #tpu.memory_space<hbm>>
    tpu.enqueue_indirect_dma source(%dma_start3A_91 : memref<1000000x32xf32, #tpu.memory_space<hbm>>) target(%dma_start3A_83 : memref<50x32xf32, #tpu.memory_space<vmem>>) offsets(%dma_start3A_88 : memref<50xi32, #tpu.memory_space<vmem>>) semaphore(%arg7 : memref<!tpu.dma_semaphore, #tpu.memory_space<semaphore_mem>>)
    %dma_start3A_92 = arith.constant 3 : i32
    %dma_start3A_93 = arith.constant 0 : i32
    %dma_start3A_94 = arith.constant 6 : i32
    %dma_start3A_95 = arith.constant 0 : i32
    %dma_start3A_96 = arith.constant 0 : i32
    %dma_start3A_97 = tpu.memref_slice %arg6[%dma_start3A_93, %dma_start3A_94, %dma_start3A_95, %dma_start3A_96] : memref<6x8x50x32xf32, #tpu.memory_space<vmem>> -> memref<1x1x50x32xf32, #tpu.memory_space<vmem>>
    %dma_start3A_98 = tpu.memref_squeeze %dma_start3A_97 : memref<1x1x50x32xf32, #tpu.memory_space<vmem>> -> memref<50x32xf32, #tpu.memory_space<vmem>>
    %dma_start3A_99 = arith.constant 0 : i32
    %dma_start3A_100 = tpu.memref_slice %arg5[%dma_start3A_92, %dma_start3A_99] : memref<256x128xi32, #tpu.memory_space<vmem>> -> memref<1x128xi32, #tpu.memory_space<vmem>>
    %dma_start3A_101 = tpu.memref_squeeze %dma_start3A_100 : memref<1x128xi32, #tpu.memory_space<vmem>> -> memref<128xi32, #tpu.memory_space<vmem>>
    %dma_start3A_102 = arith.constant 0 : i32
    %dma_start3A_103 = tpu.memref_slice %dma_start3A_101[%dma_start3A_102] : memref<128xi32, #tpu.memory_space<vmem>> -> memref<50xi32, #tpu.memory_space<vmem>>
    %dma_start3A_104 = arith.constant 0 : i32
    %dma_start3A_105 = arith.constant 0 : i32
    %dma_start3A_106 = tpu.memref_slice %arg3[%dma_start3A_104, %dma_start3A_105] : memref<1000000x32xf32, #tpu.memory_space<hbm>> -> memref<1000000x32xf32, #tpu.memory_space<hbm>>
    tpu.enqueue_indirect_dma source(%dma_start3A_106 : memref<1000000x32xf32, #tpu.memory_space<hbm>>) target(%dma_start3A_98 : memref<50x32xf32, #tpu.memory_space<vmem>>) offsets(%dma_start3A_103 : memref<50xi32, #tpu.memory_space<vmem>>) semaphore(%arg7 : memref<!tpu.dma_semaphore, #tpu.memory_space<semaphore_mem>>)
    %dma_start3A_107 = arith.constant 3 : i32
    %dma_start3A_108 = arith.constant 0 : i32
    %dma_start3A_109 = arith.constant 7 : i32
    %dma_start3A_110 = arith.constant 0 : i32
    %dma_start3A_111 = arith.constant 0 : i32
    %dma_start3A_112 = tpu.memref_slice %arg6[%dma_start3A_108, %dma_start3A_109, %dma_start3A_110, %dma_start3A_111] : memref<6x8x50x32xf32, #tpu.memory_space<vmem>> -> memref<1x1x50x32xf32, #tpu.memory_space<vmem>>
    %dma_start3A_113 = tpu.memref_squeeze %dma_start3A_112 : memref<1x1x50x32xf32, #tpu.memory_space<vmem>> -> memref<50x32xf32, #tpu.memory_space<vmem>>
    %dma_start3A_114 = arith.constant 0 : i32
    %dma_start3A_115 = tpu.memref_slice %arg5[%dma_start3A_107, %dma_start3A_114] : memref<256x128xi32, #tpu.memory_space<vmem>> -> memref<1x128xi32, #tpu.memory_space<vmem>>
    %dma_start3A_116 = tpu.memref_squeeze %dma_start3A_115 : memref<1x128xi32, #tpu.memory_space<vmem>> -> memref<128xi32, #tpu.memory_space<vmem>>
    %dma_start3A_117 = arith.constant 64 : i32
    %dma_start3A_118 = tpu.memref_slice %dma_start3A_116[%dma_start3A_117] : memref<128xi32, #tpu.memory_space<vmem>> -> memref<50xi32, #tpu.memory_space<vmem>>
    %dma_start3A_119 = arith.constant 0 : i32
    %dma_start3A_120 = arith.constant 0 : i32
    %dma_start3A_121 = tpu.memref_slice %arg3[%dma_start3A_119, %dma_start3A_120] : memref<1000000x32xf32, #tpu.memory_space<hbm>> -> memref<1000000x32xf32, #tpu.memory_space<hbm>>
    tpu.enqueue_indirect_dma source(%dma_start3A_121 : memref<1000000x32xf32, #tpu.memory_space<hbm>>) target(%dma_start3A_113 : memref<50x32xf32, #tpu.memory_space<vmem>>) offsets(%dma_start3A_118 : memref<50xi32, #tpu.memory_space<vmem>>) semaphore(%arg7 : memref<!tpu.dma_semaphore, #tpu.memory_space<semaphore_mem>>)
    %dma_start3A_122 = arith.constant 4 : i32
    %dma_start3A_123 = arith.constant 1 : i32
    %dma_start3A_124 = arith.constant 0 : i32
    %dma_start3A_125 = arith.constant 0 : i32
    %dma_start3A_126 = arith.constant 0 : i32
    %dma_start3A_127 = tpu.memref_slice %arg6[%dma_start3A_123, %dma_start3A_124, %dma_start3A_125, %dma_start3A_126] : memref<6x8x50x32xf32, #tpu.memory_space<vmem>> -> memref<1x1x50x32xf32, #tpu.memory_space<vmem>>
    %dma_start3A_128 = tpu.memref_squeeze %dma_start3A_127 : memref<1x1x50x32xf32, #tpu.memory_space<vmem>> -> memref<50x32xf32, #tpu.memory_space<vmem>>
    %dma_start3A_129 = arith.constant 0 : i32
    %dma_start3A_130 = tpu.memref_slice %arg5[%dma_start3A_122, %dma_start3A_129] : memref<256x128xi32, #tpu.memory_space<vmem>> -> memref<1x128xi32, #tpu.memory_space<vmem>>
    %dma_start3A_131 = tpu.memref_squeeze %dma_start3A_130 : memref<1x128xi32, #tpu.memory_space<vmem>> -> memref<128xi32, #tpu.memory_space<vmem>>
    %dma_start3A_132 = arith.constant 0 : i32
    %dma_start3A_133 = tpu.memref_slice %dma_start3A_131[%dma_start3A_132] : memref<128xi32, #tpu.memory_space<vmem>> -> memref<50xi32, #tpu.memory_space<vmem>>
    %dma_start3A_134 = arith.constant 0 : i32
    %dma_start3A_135 = arith.constant 0 : i32
    %dma_start3A_136 = tpu.memref_slice %arg3[%dma_start3A_134, %dma_start3A_135] : memref<1000000x32xf32, #tpu.memory_space<hbm>> -> memref<1000000x32xf32, #tpu.memory_space<hbm>>
    tpu.enqueue_indirect_dma source(%dma_start3A_136 : memref<1000000x32xf32, #tpu.memory_space<hbm>>) target(%dma_start3A_128 : memref<50x32xf32, #tpu.memory_space<vmem>>) offsets(%dma_start3A_133 : memref<50xi32, #tpu.memory_space<vmem>>) semaphore(%arg7 : memref<!tpu.dma_semaphore, #tpu.memory_space<semaphore_mem>>)
    %dma_start3A_137 = arith.constant 4 : i32
    %dma_start3A_138 = arith.constant 1 : i32
    %dma_start3A_139 = arith.constant 1 : i32
    %dma_start3A_140 = arith.constant 0 : i32
    %dma_start3A_141 = arith.constant 0 : i32
    %dma_start3A_142 = tpu.memref_slice %arg6[%dma_start3A_138, %dma_start3A_139, %dma_start3A_140, %dma_start3A_141] : memref<6x8x50x32xf32, #tpu.memory_space<vmem>> -> memref<1x1x50x32xf32, #tpu.memory_space<vmem>>
    %dma_start3A_143 = tpu.memref_squeeze %dma_start3A_142 : memref<1x1x50x32xf32, #tpu.memory_space<vmem>> -> memref<50x32xf32, #tpu.memory_space<vmem>>
    %dma_start3A_144 = arith.constant 0 : i32
    %dma_start3A_145 = tpu.memref_slice %arg5[%dma_start3A_137, %dma_start3A_144] : memref<256x128xi32, #tpu.memory_space<vmem>> -> memref<1x128xi32, #tpu.memory_space<vmem>>
    %dma_start3A_146 = tpu.memref_squeeze %dma_start3A_145 : memref<1x128xi32, #tpu.memory_space<vmem>> -> memref<128xi32, #tpu.memory_space<vmem>>
    %dma_start3A_147 = arith.constant 64 : i32
    %dma_start3A_148 = tpu.memref_slice %dma_start3A_146[%dma_start3A_147] : memref<128xi32, #tpu.memory_space<vmem>> -> memref<50xi32, #tpu.memory_space<vmem>>
    %dma_start3A_149 = arith.constant 0 : i32
    %dma_start3A_150 = arith.constant 0 : i32
    %dma_start3A_151 = tpu.memref_slice %arg3[%dma_start3A_149, %dma_start3A_150] : memref<1000000x32xf32, #tpu.memory_space<hbm>> -> memref<1000000x32xf32, #tpu.memory_space<hbm>>
    tpu.enqueue_indirect_dma source(%dma_start3A_151 : memref<1000000x32xf32, #tpu.memory_space<hbm>>) target(%dma_start3A_143 : memref<50x32xf32, #tpu.memory_space<vmem>>) offsets(%dma_start3A_148 : memref<50xi32, #tpu.memory_space<vmem>>) semaphore(%arg7 : memref<!tpu.dma_semaphore, #tpu.memory_space<semaphore_mem>>)
    %dma_start3A_152 = arith.constant 5 : i32
    %dma_start3A_153 = arith.constant 1 : i32
    %dma_start3A_154 = arith.constant 2 : i32
    %dma_start3A_155 = arith.constant 0 : i32
    %dma_start3A_156 = arith.constant 0 : i32
    %dma_start3A_157 = tpu.memref_slice %arg6[%dma_start3A_153, %dma_start3A_154, %dma_start3A_155, %dma_start3A_156] : memref<6x8x50x32xf32, #tpu.memory_space<vmem>> -> memref<1x1x50x32xf32, #tpu.memory_space<vmem>>
    %dma_start3A_158 = tpu.memref_squeeze %dma_start3A_157 : memref<1x1x50x32xf32, #tpu.memory_space<vmem>> -> memref<50x32xf32, #tpu.memory_space<vmem>>
    %dma_start3A_159 = arith.constant 0 : i32
    %dma_start3A_160 = tpu.memref_slice %arg5[%dma_start3A_152, %dma_start3A_159] : memref<256x128xi32, #tpu.memory_space<vmem>> -> memref<1x128xi32, #tpu.memory_space<vmem>>
    %dma_start3A_161 = tpu.memref_squeeze %dma_start3A_160 : memref<1x128xi32, #tpu.memory_space<vmem>> -> memref<128xi32, #tpu.memory_space<vmem>>
    %dma_start3A_162 = arith.constant 0 : i32
    %dma_start3A_163 = tpu.memref_slice %dma_start3A_161[%dma_start3A_162] : memref<128xi32, #tpu.memory_space<vmem>> -> memref<50xi32, #tpu.memory_space<vmem>>
    %dma_start3A_164 = arith.constant 0 : i32
    %dma_start3A_165 = arith.constant 0 : i32
    %dma_start3A_166 = tpu.memref_slice %arg3[%dma_start3A_164, %dma_start3A_165] : memref<1000000x32xf32, #tpu.memory_space<hbm>> -> memref<1000000x32xf32, #tpu.memory_space<hbm>>
    tpu.enqueue_indirect_dma source(%dma_start3A_166 : memref<1000000x32xf32, #tpu.memory_space<hbm>>) target(%dma_start3A_158 : memref<50x32xf32, #tpu.memory_space<vmem>>) offsets(%dma_start3A_163 : memref<50xi32, #tpu.memory_space<vmem>>) semaphore(%arg7 : memref<!tpu.dma_semaphore, #tpu.memory_space<semaphore_mem>>)
    %dma_start3A_167 = arith.constant 5 : i32
    %dma_start3A_168 = arith.constant 1 : i32
    %dma_start3A_169 = arith.constant 3 : i32
    %dma_start3A_170 = arith.constant 0 : i32
    %dma_start3A_171 = arith.constant 0 : i32
    %dma_start3A_172 = tpu.memref_slice %arg6[%dma_start3A_168, %dma_start3A_169, %dma_start3A_170, %dma_start3A_171] : memref<6x8x50x32xf32, #tpu.memory_space<vmem>> -> memref<1x1x50x32xf32, #tpu.memory_space<vmem>>
    %dma_start3A_173 = tpu.memref_squeeze %dma_start3A_172 : memref<1x1x50x32xf32, #tpu.memory_space<vmem>> -> memref<50x32xf32, #tpu.memory_space<vmem>>
    %dma_start3A_174 = arith.constant 0 : i32
    %dma_start3A_175 = tpu.memref_slice %arg5[%dma_start3A_167, %dma_start3A_174] : memref<256x128xi32, #tpu.memory_space<vmem>> -> memref<1x128xi32, #tpu.memory_space<vmem>>
    %dma_start3A_176 = tpu.memref_squeeze %dma_start3A_175 : memref<1x128xi32, #tpu.memory_space<vmem>> -> memref<128xi32, #tpu.memory_space<vmem>>
    %dma_start3A_177 = arith.constant 64 : i32
    %dma_start3A_178 = tpu.memref_slice %dma_start3A_176[%dma_start3A_177] : memref<128xi32, #tpu.memory_space<vmem>> -> memref<50xi32, #tpu.memory_space<vmem>>
    %dma_start3A_179 = arith.constant 0 : i32
    %dma_start3A_180 = arith.constant 0 : i32
    %dma_start3A_181 = tpu.memref_slice %arg3[%dma_start3A_179, %dma_start3A_180] : memref<1000000x32xf32, #tpu.memory_space<hbm>> -> memref<1000000x32xf32, #tpu.memory_space<hbm>>
    tpu.enqueue_indirect_dma source(%dma_start3A_181 : memref<1000000x32xf32, #tpu.memory_space<hbm>>) target(%dma_start3A_173 : memref<50x32xf32, #tpu.memory_space<vmem>>) offsets(%dma_start3A_178 : memref<50xi32, #tpu.memory_space<vmem>>) semaphore(%arg7 : memref<!tpu.dma_semaphore, #tpu.memory_space<semaphore_mem>>)
    %dma_start3A_182 = arith.constant 6 : i32
    %dma_start3A_183 = arith.constant 1 : i32
    %dma_start3A_184 = arith.constant 4 : i32
    %dma_start3A_185 = arith.constant 0 : i32
    %dma_start3A_186 = arith.constant 0 : i32
    %dma_start3A_187 = tpu.memref_slice %arg6[%dma_start3A_183, %dma_start3A_184, %dma_start3A_185, %dma_start3A_186] : memref<6x8x50x32xf32, #tpu.memory_space<vmem>> -> memref<1x1x50x32xf32, #tpu.memory_space<vmem>>
    %dma_start3A_188 = tpu.memref_squeeze %dma_start3A_187 : memref<1x1x50x32xf32, #tpu.memory_space<vmem>> -> memref<50x32xf32, #tpu.memory_space<vmem>>
    %dma_start3A_189 = arith.constant 0 : i32
    %dma_start3A_190 = tpu.memref_slice %arg5[%dma_start3A_182, %dma_start3A_189] : memref<256x128xi32, #tpu.memory_space<vmem>> -> memref<1x128xi32, #tpu.memory_space<vmem>>
    %dma_start3A_191 = tpu.memref_squeeze %dma_start3A_190 : memref<1x128xi32, #tpu.memory_space<vmem>> -> memref<128xi32, #tpu.memory_space<vmem>>
    %dma_start3A_192 = arith.constant 0 : i32
    %dma_start3A_193 = tpu.memref_slice %dma_start3A_191[%dma_start3A_192] : memref<128xi32, #tpu.memory_space<vmem>> -> memref<50xi32, #tpu.memory_space<vmem>>
    %dma_start3A_194 = arith.constant 0 : i32
    %dma_start3A_195 = arith.constant 0 : i32
    %dma_start3A_196 = tpu.memref_slice %arg3[%dma_start3A_194, %dma_start3A_195] : memref<1000000x32xf32, #tpu.memory_space<hbm>> -> memref<1000000x32xf32, #tpu.memory_space<hbm>>
    tpu.enqueue_indirect_dma source(%dma_start3A_196 : memref<1000000x32xf32, #tpu.memory_space<hbm>>) target(%dma_start3A_188 : memref<50x32xf32, #tpu.memory_space<vmem>>) offsets(%dma_start3A_193 : memref<50xi32, #tpu.memory_space<vmem>>) semaphore(%arg7 : memref<!tpu.dma_semaphore, #tpu.memory_space<semaphore_mem>>)
    %dma_start3A_197 = arith.constant 6 : i32
    %dma_start3A_198 = arith.constant 1 : i32
    %dma_start3A_199 = arith.constant 5 : i32
    %dma_start3A_200 = arith.constant 0 : i32
    %dma_start3A_201 = arith.constant 0 : i32
    %dma_start3A_202 = tpu.memref_slice %arg6[%dma_start3A_198, %dma_start3A_199, %dma_start3A_200, %dma_start3A_201] : memref<6x8x50x32xf32, #tpu.memory_space<vmem>> -> memref<1x1x50x32xf32, #tpu.memory_space<vmem>>
    %dma_start3A_203 = tpu.memref_squeeze %dma_start3A_202 : memref<1x1x50x32xf32, #tpu.memory_space<vmem>> -> memref<50x32xf32, #tpu.memory_space<vmem>>
    %dma_start3A_204 = arith.constant 0 : i32
    %dma_start3A_205 = tpu.memref_slice %arg5[%dma_start3A_197, %dma_start3A_204] : memref<256x128xi32, #tpu.memory_space<vmem>> -> memref<1x128xi32, #tpu.memory_space<vmem>>
    %dma_start3A_206 = tpu.memref_squeeze %dma_start3A_205 : memref<1x128xi32, #tpu.memory_space<vmem>> -> memref<128xi32, #tpu.memory_space<vmem>>
    %dma_start3A_207 = arith.constant 64 : i32
    %dma_start3A_208 = tpu.memref_slice %dma_start3A_206[%dma_start3A_207] : memref<128xi32, #tpu.memory_space<vmem>> -> memref<50xi32, #tpu.memory_space<vmem>>
    %dma_start3A_209 = arith.constant 0 : i32
    %dma_start3A_210 = arith.constant 0 : i32
    %dma_start3A_211 = tpu.memref_slice %arg3[%dma_start3A_209, %dma_start3A_210] : memref<1000000x32xf32, #tpu.memory_space<hbm>> -> memref<1000000x32xf32, #tpu.memory_space<hbm>>
    tpu.enqueue_indirect_dma source(%dma_start3A_211 : memref<1000000x32xf32, #tpu.memory_space<hbm>>) target(%dma_start3A_203 : memref<50x32xf32, #tpu.memory_space<vmem>>) offsets(%dma_start3A_208 : memref<50xi32, #tpu.memory_space<vmem>>) semaphore(%arg7 : memref<!tpu.dma_semaphore, #tpu.memory_space<semaphore_mem>>)
    %dma_start3A_212 = arith.constant 7 : i32
    %dma_start3A_213 = arith.constant 1 : i32
    %dma_start3A_214 = arith.constant 6 : i32
    %dma_start3A_215 = arith.constant 0 : i32
    %dma_start3A_216 = arith.constant 0 : i32
    %dma_start3A_217 = tpu.memref_slice %arg6[%dma_start3A_213, %dma_start3A_214, %dma_start3A_215, %dma_start3A_216] : memref<6x8x50x32xf32, #tpu.memory_space<vmem>> -> memref<1x1x50x32xf32, #tpu.memory_space<vmem>>
    %dma_start3A_218 = tpu.memref_squeeze %dma_start3A_217 : memref<1x1x50x32xf32, #tpu.memory_space<vmem>> -> memref<50x32xf32, #tpu.memory_space<vmem>>
    %dma_start3A_219 = arith.constant 0 : i32
    %dma_start3A_220 = tpu.memref_slice %arg5[%dma_start3A_212, %dma_start3A_219] : memref<256x128xi32, #tpu.memory_space<vmem>> -> memref<1x128xi32, #tpu.memory_space<vmem>>
    %dma_start3A_221 = tpu.memref_squeeze %dma_start3A_220 : memref<1x128xi32, #tpu.memory_space<vmem>> -> memref<128xi32, #tpu.memory_space<vmem>>
    %dma_start3A_222 = arith.constant 0 : i32
    %dma_start3A_223 = tpu.memref_slice %dma_start3A_221[%dma_start3A_222] : memref<128xi32, #tpu.memory_space<vmem>> -> memref<50xi32, #tpu.memory_space<vmem>>
    %dma_start3A_224 = arith.constant 0 : i32
    %dma_start3A_225 = arith.constant 0 : i32
    %dma_start3A_226 = tpu.memref_slice %arg3[%dma_start3A_224, %dma_start3A_225] : memref<1000000x32xf32, #tpu.memory_space<hbm>> -> memref<1000000x32xf32, #tpu.memory_space<hbm>>
    tpu.enqueue_indirect_dma source(%dma_start3A_226 : memref<1000000x32xf32, #tpu.memory_space<hbm>>) target(%dma_start3A_218 : memref<50x32xf32, #tpu.memory_space<vmem>>) offsets(%dma_start3A_223 : memref<50xi32, #tpu.memory_space<vmem>>) semaphore(%arg7 : memref<!tpu.dma_semaphore, #tpu.memory_space<semaphore_mem>>)
    %dma_start3A_227 = arith.constant 7 : i32
    %dma_start3A_228 = arith.constant 1 : i32
    %dma_start3A_229 = arith.constant 7 : i32
    %dma_start3A_230 = arith.constant 0 : i32
    %dma_start3A_231 = arith.constant 0 : i32
    %dma_start3A_232 = tpu.memref_slice %arg6[%dma_start3A_228, %dma_start3A_229, %dma_start3A_230, %dma_start3A_231] : memref<6x8x50x32xf32, #tpu.memory_space<vmem>> -> memref<1x1x50x32xf32, #tpu.memory_space<vmem>>
    %dma_start3A_233 = tpu.memref_squeeze %dma_start3A_232 : memref<1x1x50x32xf32, #tpu.memory_space<vmem>> -> memref<50x32xf32, #tpu.memory_space<vmem>>
    %dma_start3A_234 = arith.constant 0 : i32
    %dma_start3A_235 = tpu.memref_slice %arg5[%dma_start3A_227, %dma_start3A_234] : memref<256x128xi32, #tpu.memory_space<vmem>> -> memref<1x128xi32, #tpu.memory_space<vmem>>
    %dma_start3A_236 = tpu.memref_squeeze %dma_start3A_235 : memref<1x128xi32, #tpu.memory_space<vmem>> -> memref<128xi32, #tpu.memory_space<vmem>>
    %dma_start3A_237 = arith.constant 64 : i32
    %dma_start3A_238 = tpu.memref_slice %dma_start3A_236[%dma_start3A_237] : memref<128xi32, #tpu.memory_space<vmem>> -> memref<50xi32, #tpu.memory_space<vmem>>
    %dma_start3A_239 = arith.constant 0 : i32
    %dma_start3A_240 = arith.constant 0 : i32
    %dma_start3A_241 = tpu.memref_slice %arg3[%dma_start3A_239, %dma_start3A_240] : memref<1000000x32xf32, #tpu.memory_space<hbm>> -> memref<1000000x32xf32, #tpu.memory_space<hbm>>
    tpu.enqueue_indirect_dma source(%dma_start3A_241 : memref<1000000x32xf32, #tpu.memory_space<hbm>>) target(%dma_start3A_233 : memref<50x32xf32, #tpu.memory_space<vmem>>) offsets(%dma_start3A_238 : memref<50xi32, #tpu.memory_space<vmem>>) semaphore(%arg7 : memref<!tpu.dma_semaphore, #tpu.memory_space<semaphore_mem>>)
    %dma_start3A_242 = arith.constant 8 : i32
    %dma_start3A_243 = arith.constant 2 : i32
    %dma_start3A_244 = arith.constant 0 : i32
    %dma_start3A_245 = arith.constant 0 : i32
    %dma_start3A_246 = arith.constant 0 : i32
    %dma_start3A_247 = tpu.memref_slice %arg6[%dma_start3A_243, %dma_start3A_244, %dma_start3A_245, %dma_start3A_246] : memref<6x8x50x32xf32, #tpu.memory_space<vmem>> -> memref<1x1x50x32xf32, #tpu.memory_space<vmem>>
    %dma_start3A_248 = tpu.memref_squeeze %dma_start3A_247 : memref<1x1x50x32xf32, #tpu.memory_space<vmem>> -> memref<50x32xf32, #tpu.memory_space<vmem>>
    %dma_start3A_249 = arith.constant 0 : i32
    %dma_start3A_250 = tpu.memref_slice %arg5[%dma_start3A_242, %dma_start3A_249] : memref<256x128xi32, #tpu.memory_space<vmem>> -> memref<1x128xi32, #tpu.memory_space<vmem>>
    %dma_start3A_251 = tpu.memref_squeeze %dma_start3A_250 : memref<1x128xi32, #tpu.memory_space<vmem>> -> memref<128xi32, #tpu.memory_space<vmem>>
    %dma_start3A_252 = arith.constant 0 : i32
    %dma_start3A_253 = tpu.memref_slice %dma_start3A_251[%dma_start3A_252] : memref<128xi32, #tpu.memory_space<vmem>> -> memref<50xi32, #tpu.memory_space<vmem>>
    %dma_start3A_254 = arith.constant 0 : i32
    %dma_start3A_255 = arith.constant 0 : i32
    %dma_start3A_256 = tpu.memref_slice %arg3[%dma_start3A_254, %dma_start3A_255] : memref<1000000x32xf32, #tpu.memory_space<hbm>> -> memref<1000000x32xf32, #tpu.memory_space<hbm>>
    tpu.enqueue_indirect_dma source(%dma_start3A_256 : memref<1000000x32xf32, #tpu.memory_space<hbm>>) target(%dma_start3A_248 : memref<50x32xf32, #tpu.memory_space<vmem>>) offsets(%dma_start3A_253 : memref<50xi32, #tpu.memory_space<vmem>>) semaphore(%arg7 : memref<!tpu.dma_semaphore, #tpu.memory_space<semaphore_mem>>)
    %dma_start3A_257 = arith.constant 8 : i32
    %dma_start3A_258 = arith.constant 2 : i32
    %dma_start3A_259 = arith.constant 1 : i32
    %dma_start3A_260 = arith.constant 0 : i32
    %dma_start3A_261 = arith.constant 0 : i32
    %dma_start3A_262 = tpu.memref_slice %arg6[%dma_start3A_258, %dma_start3A_259, %dma_start3A_260, %dma_start3A_261] : memref<6x8x50x32xf32, #tpu.memory_space<vmem>> -> memref<1x1x50x32xf32, #tpu.memory_space<vmem>>
    %dma_start3A_263 = tpu.memref_squeeze %dma_start3A_262 : memref<1x1x50x32xf32, #tpu.memory_space<vmem>> -> memref<50x32xf32, #tpu.memory_space<vmem>>
    %dma_start3A_264 = arith.constant 0 : i32
    %dma_start3A_265 = tpu.memref_slice %arg5[%dma_start3A_257, %dma_start3A_264] : memref<256x128xi32, #tpu.memory_space<vmem>> -> memref<1x128xi32, #tpu.memory_space<vmem>>
    %dma_start3A_266 = tpu.memref_squeeze %dma_start3A_265 : memref<1x128xi32, #tpu.memory_space<vmem>> -> memref<128xi32, #tpu.memory_space<vmem>>
    %dma_start3A_267 = arith.constant 64 : i32
    %dma_start3A_268 = tpu.memref_slice %dma_start3A_266[%dma_start3A_267] : memref<128xi32, #tpu.memory_space<vmem>> -> memref<50xi32, #tpu.memory_space<vmem>>
    %dma_start3A_269 = arith.constant 0 : i32
    %dma_start3A_270 = arith.constant 0 : i32
    %dma_start3A_271 = tpu.memref_slice %arg3[%dma_start3A_269, %dma_start3A_270] : memref<1000000x32xf32, #tpu.memory_space<hbm>> -> memref<1000000x32xf32, #tpu.memory_space<hbm>>
    tpu.enqueue_indirect_dma source(%dma_start3A_271 : memref<1000000x32xf32, #tpu.memory_space<hbm>>) target(%dma_start3A_263 : memref<50x32xf32, #tpu.memory_space<vmem>>) offsets(%dma_start3A_268 : memref<50xi32, #tpu.memory_space<vmem>>) semaphore(%arg7 : memref<!tpu.dma_semaphore, #tpu.memory_space<semaphore_mem>>)
    %dma_start3A_272 = arith.constant 9 : i32
    %dma_start3A_273 = arith.constant 2 : i32
    %dma_start3A_274 = arith.constant 2 : i32
    %dma_start3A_275 = arith.constant 0 : i32
    %dma_start3A_276 = arith.constant 0 : i32
    %dma_start3A_277 = tpu.memref_slice %arg6[%dma_start3A_273, %dma_start3A_274, %dma_start3A_275, %dma_start3A_276] : memref<6x8x50x32xf32, #tpu.memory_space<vmem>> -> memref<1x1x50x32xf32, #tpu.memory_space<vmem>>
    %dma_start3A_278 = tpu.memref_squeeze %dma_start3A_277 : memref<1x1x50x32xf32, #tpu.memory_space<vmem>> -> memref<50x32xf32, #tpu.memory_space<vmem>>
    %dma_start3A_279 = arith.constant 0 : i32
    %dma_start3A_280 = tpu.memref_slice %arg5[%dma_start3A_272, %dma_start3A_279] : memref<256x128xi32, #tpu.memory_space<vmem>> -> memref<1x128xi32, #tpu.memory_space<vmem>>
    %dma_start3A_281 = tpu.memref_squeeze %dma_start3A_280 : memref<1x128xi32, #tpu.memory_space<vmem>> -> memref<128xi32, #tpu.memory_space<vmem>>
    %dma_start3A_282 = arith.constant 0 : i32
    %dma_start3A_283 = tpu.memref_slice %dma_start3A_281[%dma_start3A_282] : memref<128xi32, #tpu.memory_space<vmem>> -> memref<50xi32, #tpu.memory_space<vmem>>
    %dma_start3A_284 = arith.constant 0 : i32
    %dma_start3A_285 = arith.constant 0 : i32
    %dma_start3A_286 = tpu.memref_slice %arg3[%dma_start3A_284, %dma_start3A_285] : memref<1000000x32xf32, #tpu.memory_space<hbm>> -> memref<1000000x32xf32, #tpu.memory_space<hbm>>
    tpu.enqueue_indirect_dma source(%dma_start3A_286 : memref<1000000x32xf32, #tpu.memory_space<hbm>>) target(%dma_start3A_278 : memref<50x32xf32, #tpu.memory_space<vmem>>) offsets(%dma_start3A_283 : memref<50xi32, #tpu.memory_space<vmem>>) semaphore(%arg7 : memref<!tpu.dma_semaphore, #tpu.memory_space<semaphore_mem>>)
    %dma_start3A_287 = arith.constant 9 : i32
    %dma_start3A_288 = arith.constant 2 : i32
    %dma_start3A_289 = arith.constant 3 : i32
    %dma_start3A_290 = arith.constant 0 : i32
    %dma_start3A_291 = arith.constant 0 : i32
    %dma_start3A_292 = tpu.memref_slice %arg6[%dma_start3A_288, %dma_start3A_289, %dma_start3A_290, %dma_start3A_291] : memref<6x8x50x32xf32, #tpu.memory_space<vmem>> -> memref<1x1x50x32xf32, #tpu.memory_space<vmem>>
    %dma_start3A_293 = tpu.memref_squeeze %dma_start3A_292 : memref<1x1x50x32xf32, #tpu.memory_space<vmem>> -> memref<50x32xf32, #tpu.memory_space<vmem>>
    %dma_start3A_294 = arith.constant 0 : i32
    %dma_start3A_295 = tpu.memref_slice %arg5[%dma_start3A_287, %dma_start3A_294] : memref<256x128xi32, #tpu.memory_space<vmem>> -> memref<1x128xi32, #tpu.memory_space<vmem>>
    %dma_start3A_296 = tpu.memref_squeeze %dma_start3A_295 : memref<1x128xi32, #tpu.memory_space<vmem>> -> memref<128xi32, #tpu.memory_space<vmem>>
    %dma_start3A_297 = arith.constant 64 : i32
    %dma_start3A_298 = tpu.memref_slice %dma_start3A_296[%dma_start3A_297] : memref<128xi32, #tpu.memory_space<vmem>> -> memref<50xi32, #tpu.memory_space<vmem>>
    %dma_start3A_299 = arith.constant 0 : i32
    %dma_start3A_300 = arith.constant 0 : i32
    %dma_start3A_301 = tpu.memref_slice %arg3[%dma_start3A_299, %dma_start3A_300] : memref<1000000x32xf32, #tpu.memory_space<hbm>> -> memref<1000000x32xf32, #tpu.memory_space<hbm>>
    tpu.enqueue_indirect_dma source(%dma_start3A_301 : memref<1000000x32xf32, #tpu.memory_space<hbm>>) target(%dma_start3A_293 : memref<50x32xf32, #tpu.memory_space<vmem>>) offsets(%dma_start3A_298 : memref<50xi32, #tpu.memory_space<vmem>>) semaphore(%arg7 : memref<!tpu.dma_semaphore, #tpu.memory_space<semaphore_mem>>)
    %dma_start3A_302 = arith.constant 10 : i32
    %dma_start3A_303 = arith.constant 2 : i32
    %dma_start3A_304 = arith.constant 4 : i32
    %dma_start3A_305 = arith.constant 0 : i32
    %dma_start3A_306 = arith.constant 0 : i32
    %dma_start3A_307 = tpu.memref_slice %arg6[%dma_start3A_303, %dma_start3A_304, %dma_start3A_305, %dma_start3A_306] : memref<6x8x50x32xf32, #tpu.memory_space<vmem>> -> memref<1x1x50x32xf32, #tpu.memory_space<vmem>>
    %dma_start3A_308 = tpu.memref_squeeze %dma_start3A_307 : memref<1x1x50x32xf32, #tpu.memory_space<vmem>> -> memref<50x32xf32, #tpu.memory_space<vmem>>
    %dma_start3A_309 = arith.constant 0 : i32
    %dma_start3A_310 = tpu.memref_slice %arg5[%dma_start3A_302, %dma_start3A_309] : memref<256x128xi32, #tpu.memory_space<vmem>> -> memref<1x128xi32, #tpu.memory_space<vmem>>
    %dma_start3A_311 = tpu.memref_squeeze %dma_start3A_310 : memref<1x128xi32, #tpu.memory_space<vmem>> -> memref<128xi32, #tpu.memory_space<vmem>>
    %dma_start3A_312 = arith.constant 0 : i32
    %dma_start3A_313 = tpu.memref_slice %dma_start3A_311[%dma_start3A_312] : memref<128xi32, #tpu.memory_space<vmem>> -> memref<50xi32, #tpu.memory_space<vmem>>
    %dma_start3A_314 = arith.constant 0 : i32
    %dma_start3A_315 = arith.constant 0 : i32
    %dma_start3A_316 = tpu.memref_slice %arg3[%dma_start3A_314, %dma_start3A_315] : memref<1000000x32xf32, #tpu.memory_space<hbm>> -> memref<1000000x32xf32, #tpu.memory_space<hbm>>
    tpu.enqueue_indirect_dma source(%dma_start3A_316 : memref<1000000x32xf32, #tpu.memory_space<hbm>>) target(%dma_start3A_308 : memref<50x32xf32, #tpu.memory_space<vmem>>) offsets(%dma_start3A_313 : memref<50xi32, #tpu.memory_space<vmem>>) semaphore(%arg7 : memref<!tpu.dma_semaphore, #tpu.memory_space<semaphore_mem>>)
    %dma_start3A_317 = arith.constant 10 : i32
    %dma_start3A_318 = arith.constant 2 : i32
    %dma_start3A_319 = arith.constant 5 : i32
    %dma_start3A_320 = arith.constant 0 : i32
    %dma_start3A_321 = arith.constant 0 : i32
    %dma_start3A_322 = tpu.memref_slice %arg6[%dma_start3A_318, %dma_start3A_319, %dma_start3A_320, %dma_start3A_321] : memref<6x8x50x32xf32, #tpu.memory_space<vmem>> -> memref<1x1x50x32xf32, #tpu.memory_space<vmem>>
    %dma_start3A_323 = tpu.memref_squeeze %dma_start3A_322 : memref<1x1x50x32xf32, #tpu.memory_space<vmem>> -> memref<50x32xf32, #tpu.memory_space<vmem>>
    %dma_start3A_324 = arith.constant 0 : i32
    %dma_start3A_325 = tpu.memref_slice %arg5[%dma_start3A_317, %dma_start3A_324] : memref<256x128xi32, #tpu.memory_space<vmem>> -> memref<1x128xi32, #tpu.memory_space<vmem>>
    %dma_start3A_326 = tpu.memref_squeeze %dma_start3A_325 : memref<1x128xi32, #tpu.memory_space<vmem>> -> memref<128xi32, #tpu.memory_space<vmem>>
    %dma_start3A_327 = arith.constant 64 : i32
    %dma_start3A_328 = tpu.memref_slice %dma_start3A_326[%dma_start3A_327] : memref<128xi32, #tpu.memory_space<vmem>> -> memref<50xi32, #tpu.memory_space<vmem>>
    %dma_start3A_329 = arith.constant 0 : i32
    %dma_start3A_330 = arith.constant 0 : i32
    %dma_start3A_331 = tpu.memref_slice %arg3[%dma_start3A_329, %dma_start3A_330] : memref<1000000x32xf32, #tpu.memory_space<hbm>> -> memref<1000000x32xf32, #tpu.memory_space<hbm>>
    tpu.enqueue_indirect_dma source(%dma_start3A_331 : memref<1000000x32xf32, #tpu.memory_space<hbm>>) target(%dma_start3A_323 : memref<50x32xf32, #tpu.memory_space<vmem>>) offsets(%dma_start3A_328 : memref<50xi32, #tpu.memory_space<vmem>>) semaphore(%arg7 : memref<!tpu.dma_semaphore, #tpu.memory_space<semaphore_mem>>)
    %dma_start3A_332 = arith.constant 11 : i32
    %dma_start3A_333 = arith.constant 2 : i32
    %dma_start3A_334 = arith.constant 6 : i32
    %dma_start3A_335 = arith.constant 0 : i32
    %dma_start3A_336 = arith.constant 0 : i32
    %dma_start3A_337 = tpu.memref_slice %arg6[%dma_start3A_333, %dma_start3A_334, %dma_start3A_335, %dma_start3A_336] : memref<6x8x50x32xf32, #tpu.memory_space<vmem>> -> memref<1x1x50x32xf32, #tpu.memory_space<vmem>>
    %dma_start3A_338 = tpu.memref_squeeze %dma_start3A_337 : memref<1x1x50x32xf32, #tpu.memory_space<vmem>> -> memref<50x32xf32, #tpu.memory_space<vmem>>
    %dma_start3A_339 = arith.constant 0 : i32
    %dma_start3A_340 = tpu.memref_slice %arg5[%dma_start3A_332, %dma_start3A_339] : memref<256x128xi32, #tpu.memory_space<vmem>> -> memref<1x128xi32, #tpu.memory_space<vmem>>
    %dma_start3A_341 = tpu.memref_squeeze %dma_start3A_340 : memref<1x128xi32, #tpu.memory_space<vmem>> -> memref<128xi32, #tpu.memory_space<vmem>>
    %dma_start3A_342 = arith.constant 0 : i32
    %dma_start3A_343 = tpu.memref_slice %dma_start3A_341[%dma_start3A_342] : memref<128xi32, #tpu.memory_space<vmem>> -> memref<50xi32, #tpu.memory_space<vmem>>
    %dma_start3A_344 = arith.constant 0 : i32
    %dma_start3A_345 = arith.constant 0 : i32
    %dma_start3A_346 = tpu.memref_slice %arg3[%dma_start3A_344, %dma_start3A_345] : memref<1000000x32xf32, #tpu.memory_space<hbm>> -> memref<1000000x32xf32, #tpu.memory_space<hbm>>
    tpu.enqueue_indirect_dma source(%dma_start3A_346 : memref<1000000x32xf32, #tpu.memory_space<hbm>>) target(%dma_start3A_338 : memref<50x32xf32, #tpu.memory_space<vmem>>) offsets(%dma_start3A_343 : memref<50xi32, #tpu.memory_space<vmem>>) semaphore(%arg7 : memref<!tpu.dma_semaphore, #tpu.memory_space<semaphore_mem>>)
    %dma_start3A_347 = arith.constant 11 : i32
    %dma_start3A_348 = arith.constant 2 : i32
    %dma_start3A_349 = arith.constant 7 : i32
    %dma_start3A_350 = arith.constant 0 : i32
    %dma_start3A_351 = arith.constant 0 : i32
    %dma_start3A_352 = tpu.memref_slice %arg6[%dma_start3A_348, %dma_start3A_349, %dma_start3A_350, %dma_start3A_351] : memref<6x8x50x32xf32, #tpu.memory_space<vmem>> -> memref<1x1x50x32xf32, #tpu.memory_space<vmem>>
    %dma_start3A_353 = tpu.memref_squeeze %dma_start3A_352 : memref<1x1x50x32xf32, #tpu.memory_space<vmem>> -> memref<50x32xf32, #tpu.memory_space<vmem>>
    %dma_start3A_354 = arith.constant 0 : i32
    %dma_start3A_355 = tpu.memref_slice %arg5[%dma_start3A_347, %dma_start3A_354] : memref<256x128xi32, #tpu.memory_space<vmem>> -> memref<1x128xi32, #tpu.memory_space<vmem>>
    %dma_start3A_356 = tpu.memref_squeeze %dma_start3A_355 : memref<1x128xi32, #tpu.memory_space<vmem>> -> memref<128xi32, #tpu.memory_space<vmem>>
    %dma_start3A_357 = arith.constant 64 : i32
    %dma_start3A_358 = tpu.memref_slice %dma_start3A_356[%dma_start3A_357] : memref<128xi32, #tpu.memory_space<vmem>> -> memref<50xi32, #tpu.memory_space<vmem>>
    %dma_start3A_359 = arith.constant 0 : i32
    %dma_start3A_360 = arith.constant 0 : i32
    %dma_start3A_361 = tpu.memref_slice %arg3[%dma_start3A_359, %dma_start3A_360] : memref<1000000x32xf32, #tpu.memory_space<hbm>> -> memref<1000000x32xf32, #tpu.memory_space<hbm>>
    tpu.enqueue_indirect_dma source(%dma_start3A_361 : memref<1000000x32xf32, #tpu.memory_space<hbm>>) target(%dma_start3A_353 : memref<50x32xf32, #tpu.memory_space<vmem>>) offsets(%dma_start3A_358 : memref<50xi32, #tpu.memory_space<vmem>>) semaphore(%arg7 : memref<!tpu.dma_semaphore, #tpu.memory_space<semaphore_mem>>)
    %dma_start3A_362 = arith.constant 12 : i32
    %dma_start3A_363 = arith.constant 3 : i32
    %dma_start3A_364 = arith.constant 0 : i32
    %dma_start3A_365 = arith.constant 0 : i32
    %dma_start3A_366 = arith.constant 0 : i32
    %dma_start3A_367 = tpu.memref_slice %arg6[%dma_start3A_363, %dma_start3A_364, %dma_start3A_365, %dma_start3A_366] : memref<6x8x50x32xf32, #tpu.memory_space<vmem>> -> memref<1x1x50x32xf32, #tpu.memory_space<vmem>>
    %dma_start3A_368 = tpu.memref_squeeze %dma_start3A_367 : memref<1x1x50x32xf32, #tpu.memory_space<vmem>> -> memref<50x32xf32, #tpu.memory_space<vmem>>
    %dma_start3A_369 = arith.constant 0 : i32
    %dma_start3A_370 = tpu.memref_slice %arg5[%dma_start3A_362, %dma_start3A_369] : memref<256x128xi32, #tpu.memory_space<vmem>> -> memref<1x128xi32, #tpu.memory_space<vmem>>
    %dma_start3A_371 = tpu.memref_squeeze %dma_start3A_370 : memref<1x128xi32, #tpu.memory_space<vmem>> -> memref<128xi32, #tpu.memory_space<vmem>>
    %dma_start3A_372 = arith.constant 0 : i32
    %dma_start3A_373 = tpu.memref_slice %dma_start3A_371[%dma_start3A_372] : memref<128xi32, #tpu.memory_space<vmem>> -> memref<50xi32, #tpu.memory_space<vmem>>
    %dma_start3A_374 = arith.constant 0 : i32
    %dma_start3A_375 = arith.constant 0 : i32
    %dma_start3A_376 = tpu.memref_slice %arg3[%dma_start3A_374, %dma_start3A_375] : memref<1000000x32xf32, #tpu.memory_space<hbm>> -> memref<1000000x32xf32, #tpu.memory_space<hbm>>
    tpu.enqueue_indirect_dma source(%dma_start3A_376 : memref<1000000x32xf32, #tpu.memory_space<hbm>>) target(%dma_start3A_368 : memref<50x32xf32, #tpu.memory_space<vmem>>) offsets(%dma_start3A_373 : memref<50xi32, #tpu.memory_space<vmem>>) semaphore(%arg7 : memref<!tpu.dma_semaphore, #tpu.memory_space<semaphore_mem>>)
    %dma_start3A_377 = arith.constant 12 : i32
    %dma_start3A_378 = arith.constant 3 : i32
    %dma_start3A_379 = arith.constant 1 : i32
    %dma_start3A_380 = arith.constant 0 : i32
    %dma_start3A_381 = arith.constant 0 : i32
    %dma_start3A_382 = tpu.memref_slice %arg6[%dma_start3A_378, %dma_start3A_379, %dma_start3A_380, %dma_start3A_381] : memref<6x8x50x32xf32, #tpu.memory_space<vmem>> -> memref<1x1x50x32xf32, #tpu.memory_space<vmem>>
    %dma_start3A_383 = tpu.memref_squeeze %dma_start3A_382 : memref<1x1x50x32xf32, #tpu.memory_space<vmem>> -> memref<50x32xf32, #tpu.memory_space<vmem>>
    %dma_start3A_384 = arith.constant 0 : i32
    %dma_start3A_385 = tpu.memref_slice %arg5[%dma_start3A_377, %dma_start3A_384] : memref<256x128xi32, #tpu.memory_space<vmem>> -> memref<1x128xi32, #tpu.memory_space<vmem>>
    %dma_start3A_386 = tpu.memref_squeeze %dma_start3A_385 : memref<1x128xi32, #tpu.memory_space<vmem>> -> memref<128xi32, #tpu.memory_space<vmem>>
    %dma_start3A_387 = arith.constant 64 : i32
    %dma_start3A_388 = tpu.memref_slice %dma_start3A_386[%dma_start3A_387] : memref<128xi32, #tpu.memory_space<vmem>> -> memref<50xi32, #tpu.memory_space<vmem>>
    %dma_start3A_389 = arith.constant 0 : i32
    %dma_start3A_390 = arith.constant 0 : i32
    %dma_start3A_391 = tpu.memref_slice %arg3[%dma_start3A_389, %dma_start3A_390] : memref<1000000x32xf32, #tpu.memory_space<hbm>> -> memref<1000000x32xf32, #tpu.memory_space<hbm>>
    tpu.enqueue_indirect_dma source(%dma_start3A_391 : memref<1000000x32xf32, #tpu.memory_space<hbm>>) target(%dma_start3A_383 : memref<50x32xf32, #tpu.memory_space<vmem>>) offsets(%dma_start3A_388 : memref<50xi32, #tpu.memory_space<vmem>>) semaphore(%arg7 : memref<!tpu.dma_semaphore, #tpu.memory_space<semaphore_mem>>)
    %dma_start3A_392 = arith.constant 13 : i32
    %dma_start3A_393 = arith.constant 3 : i32
    %dma_start3A_394 = arith.constant 2 : i32
    %dma_start3A_395 = arith.constant 0 : i32
    %dma_start3A_396 = arith.constant 0 : i32
    %dma_start3A_397 = tpu.memref_slice %arg6[%dma_start3A_393, %dma_start3A_394, %dma_start3A_395, %dma_start3A_396] : memref<6x8x50x32xf32, #tpu.memory_space<vmem>> -> memref<1x1x50x32xf32, #tpu.memory_space<vmem>>
    %dma_start3A_398 = tpu.memref_squeeze %dma_start3A_397 : memref<1x1x50x32xf32, #tpu.memory_space<vmem>> -> memref<50x32xf32, #tpu.memory_space<vmem>>
    %dma_start3A_399 = arith.constant 0 : i32
    %dma_start3A_400 = tpu.memref_slice %arg5[%dma_start3A_392, %dma_start3A_399] : memref<256x128xi32, #tpu.memory_space<vmem>> -> memref<1x128xi32, #tpu.memory_space<vmem>>
    %dma_start3A_401 = tpu.memref_squeeze %dma_start3A_400 : memref<1x128xi32, #tpu.memory_space<vmem>> -> memref<128xi32, #tpu.memory_space<vmem>>
    %dma_start3A_402 = arith.constant 0 : i32
    %dma_start3A_403 = tpu.memref_slice %dma_start3A_401[%dma_start3A_402] : memref<128xi32, #tpu.memory_space<vmem>> -> memref<50xi32, #tpu.memory_space<vmem>>
    %dma_start3A_404 = arith.constant 0 : i32
    %dma_start3A_405 = arith.constant 0 : i32
    %dma_start3A_406 = tpu.memref_slice %arg3[%dma_start3A_404, %dma_start3A_405] : memref<1000000x32xf32, #tpu.memory_space<hbm>> -> memref<1000000x32xf32, #tpu.memory_space<hbm>>
    tpu.enqueue_indirect_dma source(%dma_start3A_406 : memref<1000000x32xf32, #tpu.memory_space<hbm>>) target(%dma_start3A_398 : memref<50x32xf32, #tpu.memory_space<vmem>>) offsets(%dma_start3A_403 : memref<50xi32, #tpu.memory_space<vmem>>) semaphore(%arg7 : memref<!tpu.dma_semaphore, #tpu.memory_space<semaphore_mem>>)
    %dma_start3A_407 = arith.constant 13 : i32
    %dma_start3A_408 = arith.constant 3 : i32
    %dma_start3A_409 = arith.constant 3 : i32
    %dma_start3A_410 = arith.constant 0 : i32
    %dma_start3A_411 = arith.constant 0 : i32
    %dma_start3A_412 = tpu.memref_slice %arg6[%dma_start3A_408, %dma_start3A_409, %dma_start3A_410, %dma_start3A_411] : memref<6x8x50x32xf32, #tpu.memory_space<vmem>> -> memref<1x1x50x32xf32, #tpu.memory_space<vmem>>
    %dma_start3A_413 = tpu.memref_squeeze %dma_start3A_412 : memref<1x1x50x32xf32, #tpu.memory_space<vmem>> -> memref<50x32xf32, #tpu.memory_space<vmem>>
    %dma_start3A_414 = arith.constant 0 : i32
    %dma_start3A_415 = tpu.memref_slice %arg5[%dma_start3A_407, %dma_start3A_414] : memref<256x128xi32, #tpu.memory_space<vmem>> -> memref<1x128xi32, #tpu.memory_space<vmem>>
    %dma_start3A_416 = tpu.memref_squeeze %dma_start3A_415 : memref<1x128xi32, #tpu.memory_space<vmem>> -> memref<128xi32, #tpu.memory_space<vmem>>
    %dma_start3A_417 = arith.constant 64 : i32
    %dma_start3A_418 = tpu.memref_slice %dma_start3A_416[%dma_start3A_417] : memref<128xi32, #tpu.memory_space<vmem>> -> memref<50xi32, #tpu.memory_space<vmem>>
    %dma_start3A_419 = arith.constant 0 : i32
    %dma_start3A_420 = arith.constant 0 : i32
    %dma_start3A_421 = tpu.memref_slice %arg3[%dma_start3A_419, %dma_start3A_420] : memref<1000000x32xf32, #tpu.memory_space<hbm>> -> memref<1000000x32xf32, #tpu.memory_space<hbm>>
    tpu.enqueue_indirect_dma source(%dma_start3A_421 : memref<1000000x32xf32, #tpu.memory_space<hbm>>) target(%dma_start3A_413 : memref<50x32xf32, #tpu.memory_space<vmem>>) offsets(%dma_start3A_418 : memref<50xi32, #tpu.memory_space<vmem>>) semaphore(%arg7 : memref<!tpu.dma_semaphore, #tpu.memory_space<semaphore_mem>>)
    %dma_start3A_422 = arith.constant 14 : i32
    %dma_start3A_423 = arith.constant 3 : i32
    %dma_start3A_424 = arith.constant 4 : i32
    %dma_start3A_425 = arith.constant 0 : i32
    %dma_start3A_426 = arith.constant 0 : i32
    %dma_start3A_427 = tpu.memref_slice %arg6[%dma_start3A_423, %dma_start3A_424, %dma_start3A_425, %dma_start3A_426] : memref<6x8x50x32xf32, #tpu.memory_space<vmem>> -> memref<1x1x50x32xf32, #tpu.memory_space<vmem>>
    %dma_start3A_428 = tpu.memref_squeeze %dma_start3A_427 : memref<1x1x50x32xf32, #tpu.memory_space<vmem>> -> memref<50x32xf32, #tpu.memory_space<vmem>>
    %dma_start3A_429 = arith.constant 0 : i32
    %dma_start3A_430 = tpu.memref_slice %arg5[%dma_start3A_422, %dma_start3A_429] : memref<256x128xi32, #tpu.memory_space<vmem>> -> memref<1x128xi32, #tpu.memory_space<vmem>>
    %dma_start3A_431 = tpu.memref_squeeze %dma_start3A_430 : memref<1x128xi32, #tpu.memory_space<vmem>> -> memref<128xi32, #tpu.memory_space<vmem>>
    %dma_start3A_432 = arith.constant 0 : i32
    %dma_start3A_433 = tpu.memref_slice %dma_start3A_431[%dma_start3A_432] : memref<128xi32, #tpu.memory_space<vmem>> -> memref<50xi32, #tpu.memory_space<vmem>>
    %dma_start3A_434 = arith.constant 0 : i32
    %dma_start3A_435 = arith.constant 0 : i32
    %dma_start3A_436 = tpu.memref_slice %arg3[%dma_start3A_434, %dma_start3A_435] : memref<1000000x32xf32, #tpu.memory_space<hbm>> -> memref<1000000x32xf32, #tpu.memory_space<hbm>>
    tpu.enqueue_indirect_dma source(%dma_start3A_436 : memref<1000000x32xf32, #tpu.memory_space<hbm>>) target(%dma_start3A_428 : memref<50x32xf32, #tpu.memory_space<vmem>>) offsets(%dma_start3A_433 : memref<50xi32, #tpu.memory_space<vmem>>) semaphore(%arg7 : memref<!tpu.dma_semaphore, #tpu.memory_space<semaphore_mem>>)
    %dma_start3A_437 = arith.constant 14 : i32
    %dma_start3A_438 = arith.constant 3 : i32
    %dma_start3A_439 = arith.constant 5 : i32
    %dma_start3A_440 = arith.constant 0 : i32
    %dma_start3A_441 = arith.constant 0 : i32
    %dma_start3A_442 = tpu.memref_slice %arg6[%dma_start3A_438, %dma_start3A_439, %dma_start3A_440, %dma_start3A_441] : memref<6x8x50x32xf32, #tpu.memory_space<vmem>> -> memref<1x1x50x32xf32, #tpu.memory_space<vmem>>
    %dma_start3A_443 = tpu.memref_squeeze %dma_start3A_442 : memref<1x1x50x32xf32, #tpu.memory_space<vmem>> -> memref<50x32xf32, #tpu.memory_space<vmem>>
    %dma_start3A_444 = arith.constant 0 : i32
    %dma_start3A_445 = tpu.memref_slice %arg5[%dma_start3A_437, %dma_start3A_444] : memref<256x128xi32, #tpu.memory_space<vmem>> -> memref<1x128xi32, #tpu.memory_space<vmem>>
    %dma_start3A_446 = tpu.memref_squeeze %dma_start3A_445 : memref<1x128xi32, #tpu.memory_space<vmem>> -> memref<128xi32, #tpu.memory_space<vmem>>
    %dma_start3A_447 = arith.constant 64 : i32
    %dma_start3A_448 = tpu.memref_slice %dma_start3A_446[%dma_start3A_447] : memref<128xi32, #tpu.memory_space<vmem>> -> memref<50xi32, #tpu.memory_space<vmem>>
    %dma_start3A_449 = arith.constant 0 : i32
    %dma_start3A_450 = arith.constant 0 : i32
    %dma_start3A_451 = tpu.memref_slice %arg3[%dma_start3A_449, %dma_start3A_450] : memref<1000000x32xf32, #tpu.memory_space<hbm>> -> memref<1000000x32xf32, #tpu.memory_space<hbm>>
    tpu.enqueue_indirect_dma source(%dma_start3A_451 : memref<1000000x32xf32, #tpu.memory_space<hbm>>) target(%dma_start3A_443 : memref<50x32xf32, #tpu.memory_space<vmem>>) offsets(%dma_start3A_448 : memref<50xi32, #tpu.memory_space<vmem>>) semaphore(%arg7 : memref<!tpu.dma_semaphore, #tpu.memory_space<semaphore_mem>>)
    %dma_start3A_452 = arith.constant 15 : i32
    %dma_start3A_453 = arith.constant 3 : i32
    %dma_start3A_454 = arith.constant 6 : i32
    %dma_start3A_455 = arith.constant 0 : i32
    %dma_start3A_456 = arith.constant 0 : i32
    %dma_start3A_457 = tpu.memref_slice %arg6[%dma_start3A_453, %dma_start3A_454, %dma_start3A_455, %dma_start3A_456] : memref<6x8x50x32xf32, #tpu.memory_space<vmem>> -> memref<1x1x50x32xf32, #tpu.memory_space<vmem>>
    %dma_start3A_458 = tpu.memref_squeeze %dma_start3A_457 : memref<1x1x50x32xf32, #tpu.memory_space<vmem>> -> memref<50x32xf32, #tpu.memory_space<vmem>>
    %dma_start3A_459 = arith.constant 0 : i32
    %dma_start3A_460 = tpu.memref_slice %arg5[%dma_start3A_452, %dma_start3A_459] : memref<256x128xi32, #tpu.memory_space<vmem>> -> memref<1x128xi32, #tpu.memory_space<vmem>>
    %dma_start3A_461 = tpu.memref_squeeze %dma_start3A_460 : memref<1x128xi32, #tpu.memory_space<vmem>> -> memref<128xi32, #tpu.memory_space<vmem>>
    %dma_start3A_462 = arith.constant 0 : i32
    %dma_start3A_463 = tpu.memref_slice %dma_start3A_461[%dma_start3A_462] : memref<128xi32, #tpu.memory_space<vmem>> -> memref<50xi32, #tpu.memory_space<vmem>>
    %dma_start3A_464 = arith.constant 0 : i32
    %dma_start3A_465 = arith.constant 0 : i32
    %dma_start3A_466 = tpu.memref_slice %arg3[%dma_start3A_464, %dma_start3A_465] : memref<1000000x32xf32, #tpu.memory_space<hbm>> -> memref<1000000x32xf32, #tpu.memory_space<hbm>>
    tpu.enqueue_indirect_dma source(%dma_start3A_466 : memref<1000000x32xf32, #tpu.memory_space<hbm>>) target(%dma_start3A_458 : memref<50x32xf32, #tpu.memory_space<vmem>>) offsets(%dma_start3A_463 : memref<50xi32, #tpu.memory_space<vmem>>) semaphore(%arg7 : memref<!tpu.dma_semaphore, #tpu.memory_space<semaphore_mem>>)
    %dma_start3A_467 = arith.constant 15 : i32
    %dma_start3A_468 = arith.constant 3 : i32
    %dma_start3A_469 = arith.constant 7 : i32
    %dma_start3A_470 = arith.constant 0 : i32
    %dma_start3A_471 = arith.constant 0 : i32
    %dma_start3A_472 = tpu.memref_slice %arg6[%dma_start3A_468, %dma_start3A_469, %dma_start3A_470, %dma_start3A_471] : memref<6x8x50x32xf32, #tpu.memory_space<vmem>> -> memref<1x1x50x32xf32, #tpu.memory_space<vmem>>
    %dma_start3A_473 = tpu.memref_squeeze %dma_start3A_472 : memref<1x1x50x32xf32, #tpu.memory_space<vmem>> -> memref<50x32xf32, #tpu.memory_space<vmem>>
    %dma_start3A_474 = arith.constant 0 : i32
    %dma_start3A_475 = tpu.memref_slice %arg5[%dma_start3A_467, %dma_start3A_474] : memref<256x128xi32, #tpu.memory_space<vmem>> -> memref<1x128xi32, #tpu.memory_space<vmem>>
    %dma_start3A_476 = tpu.memref_squeeze %dma_start3A_475 : memref<1x128xi32, #tpu.memory_space<vmem>> -> memref<128xi32, #tpu.memory_space<vmem>>
    %dma_start3A_477 = arith.constant 64 : i32
    %dma_start3A_478 = tpu.memref_slice %dma_start3A_476[%dma_start3A_477] : memref<128xi32, #tpu.memory_space<vmem>> -> memref<50xi32, #tpu.memory_space<vmem>>
    %dma_start3A_479 = arith.constant 0 : i32
    %dma_start3A_480 = arith.constant 0 : i32
    %dma_start3A_481 = tpu.memref_slice %arg3[%dma_start3A_479, %dma_start3A_480] : memref<1000000x32xf32, #tpu.memory_space<hbm>> -> memref<1000000x32xf32, #tpu.memory_space<hbm>>
    tpu.enqueue_indirect_dma source(%dma_start3A_481 : memref<1000000x32xf32, #tpu.memory_space<hbm>>) target(%dma_start3A_473 : memref<50x32xf32, #tpu.memory_space<vmem>>) offsets(%dma_start3A_478 : memref<50xi32, #tpu.memory_space<vmem>>) semaphore(%arg7 : memref<!tpu.dma_semaphore, #tpu.memory_space<semaphore_mem>>)
    %dma_start3A_482 = arith.constant 16 : i32
    %dma_start3A_483 = arith.constant 4 : i32
    %dma_start3A_484 = arith.constant 0 : i32
    %dma_start3A_485 = arith.constant 0 : i32
    %dma_start3A_486 = arith.constant 0 : i32
    %dma_start3A_487 = tpu.memref_slice %arg6[%dma_start3A_483, %dma_start3A_484, %dma_start3A_485, %dma_start3A_486] : memref<6x8x50x32xf32, #tpu.memory_space<vmem>> -> memref<1x1x50x32xf32, #tpu.memory_space<vmem>>
    %dma_start3A_488 = tpu.memref_squeeze %dma_start3A_487 : memref<1x1x50x32xf32, #tpu.memory_space<vmem>> -> memref<50x32xf32, #tpu.memory_space<vmem>>
    %dma_start3A_489 = arith.constant 0 : i32
    %dma_start3A_490 = tpu.memref_slice %arg5[%dma_start3A_482, %dma_start3A_489] : memref<256x128xi32, #tpu.memory_space<vmem>> -> memref<1x128xi32, #tpu.memory_space<vmem>>
    %dma_start3A_491 = tpu.memref_squeeze %dma_start3A_490 : memref<1x128xi32, #tpu.memory_space<vmem>> -> memref<128xi32, #tpu.memory_space<vmem>>
    %dma_start3A_492 = arith.constant 0 : i32
    %dma_start3A_493 = tpu.memref_slice %dma_start3A_491[%dma_start3A_492] : memref<128xi32, #tpu.memory_space<vmem>> -> memref<50xi32, #tpu.memory_space<vmem>>
    %dma_start3A_494 = arith.constant 0 : i32
    %dma_start3A_495 = arith.constant 0 : i32
    %dma_start3A_496 = tpu.memref_slice %arg3[%dma_start3A_494, %dma_start3A_495] : memref<1000000x32xf32, #tpu.memory_space<hbm>> -> memref<1000000x32xf32, #tpu.memory_space<hbm>>
    tpu.enqueue_indirect_dma source(%dma_start3A_496 : memref<1000000x32xf32, #tpu.memory_space<hbm>>) target(%dma_start3A_488 : memref<50x32xf32, #tpu.memory_space<vmem>>) offsets(%dma_start3A_493 : memref<50xi32, #tpu.memory_space<vmem>>) semaphore(%arg7 : memref<!tpu.dma_semaphore, #tpu.memory_space<semaphore_mem>>)
    %dma_start3A_497 = arith.constant 16 : i32
    %dma_start3A_498 = arith.constant 4 : i32
    %dma_start3A_499 = arith.constant 1 : i32
    %dma_start3A_500 = arith.constant 0 : i32
    %dma_start3A_501 = arith.constant 0 : i32
    %dma_start3A_502 = tpu.memref_slice %arg6[%dma_start3A_498, %dma_start3A_499, %dma_start3A_500, %dma_start3A_501] : memref<6x8x50x32xf32, #tpu.memory_space<vmem>> -> memref<1x1x50x32xf32, #tpu.memory_space<vmem>>
    %dma_start3A_503 = tpu.memref_squeeze %dma_start3A_502 : memref<1x1x50x32xf32, #tpu.memory_space<vmem>> -> memref<50x32xf32, #tpu.memory_space<vmem>>
    %dma_start3A_504 = arith.constant 0 : i32
    %dma_start3A_505 = tpu.memref_slice %arg5[%dma_start3A_497, %dma_start3A_504] : memref<256x128xi32, #tpu.memory_space<vmem>> -> memref<1x128xi32, #tpu.memory_space<vmem>>
    %dma_start3A_506 = tpu.memref_squeeze %dma_start3A_505 : memref<1x128xi32, #tpu.memory_space<vmem>> -> memref<128xi32, #tpu.memory_space<vmem>>
    %dma_start3A_507 = arith.constant 64 : i32
    %dma_start3A_508 = tpu.memref_slice %dma_start3A_506[%dma_start3A_507] : memref<128xi32, #tpu.memory_space<vmem>> -> memref<50xi32, #tpu.memory_space<vmem>>
    %dma_start3A_509 = arith.constant 0 : i32
    %dma_start3A_510 = arith.constant 0 : i32
    %dma_start3A_511 = tpu.memref_slice %arg3[%dma_start3A_509, %dma_start3A_510] : memref<1000000x32xf32, #tpu.memory_space<hbm>> -> memref<1000000x32xf32, #tpu.memory_space<hbm>>
    tpu.enqueue_indirect_dma source(%dma_start3A_511 : memref<1000000x32xf32, #tpu.memory_space<hbm>>) target(%dma_start3A_503 : memref<50x32xf32, #tpu.memory_space<vmem>>) offsets(%dma_start3A_508 : memref<50xi32, #tpu.memory_space<vmem>>) semaphore(%arg7 : memref<!tpu.dma_semaphore, #tpu.memory_space<semaphore_mem>>)
    %dma_start3A_512 = arith.constant 17 : i32
    %dma_start3A_513 = arith.constant 4 : i32
    %dma_start3A_514 = arith.constant 2 : i32
    %dma_start3A_515 = arith.constant 0 : i32
    %dma_start3A_516 = arith.constant 0 : i32
    %dma_start3A_517 = tpu.memref_slice %arg6[%dma_start3A_513, %dma_start3A_514, %dma_start3A_515, %dma_start3A_516] : memref<6x8x50x32xf32, #tpu.memory_space<vmem>> -> memref<1x1x50x32xf32, #tpu.memory_space<vmem>>
    %dma_start3A_518 = tpu.memref_squeeze %dma_start3A_517 : memref<1x1x50x32xf32, #tpu.memory_space<vmem>> -> memref<50x32xf32, #tpu.memory_space<vmem>>
    %dma_start3A_519 = arith.constant 0 : i32
    %dma_start3A_520 = tpu.memref_slice %arg5[%dma_start3A_512, %dma_start3A_519] : memref<256x128xi32, #tpu.memory_space<vmem>> -> memref<1x128xi32, #tpu.memory_space<vmem>>
    %dma_start3A_521 = tpu.memref_squeeze %dma_start3A_520 : memref<1x128xi32, #tpu.memory_space<vmem>> -> memref<128xi32, #tpu.memory_space<vmem>>
    %dma_start3A_522 = arith.constant 0 : i32
    %dma_start3A_523 = tpu.memref_slice %dma_start3A_521[%dma_start3A_522] : memref<128xi32, #tpu.memory_space<vmem>> -> memref<50xi32, #tpu.memory_space<vmem>>
    %dma_start3A_524 = arith.constant 0 : i32
    %dma_start3A_525 = arith.constant 0 : i32
    %dma_start3A_526 = tpu.memref_slice %arg3[%dma_start3A_524, %dma_start3A_525] : memref<1000000x32xf32, #tpu.memory_space<hbm>> -> memref<1000000x32xf32, #tpu.memory_space<hbm>>
    tpu.enqueue_indirect_dma source(%dma_start3A_526 : memref<1000000x32xf32, #tpu.memory_space<hbm>>) target(%dma_start3A_518 : memref<50x32xf32, #tpu.memory_space<vmem>>) offsets(%dma_start3A_523 : memref<50xi32, #tpu.memory_space<vmem>>) semaphore(%arg7 : memref<!tpu.dma_semaphore, #tpu.memory_space<semaphore_mem>>)
    %dma_start3A_527 = arith.constant 17 : i32
    %dma_start3A_528 = arith.constant 4 : i32
    %dma_start3A_529 = arith.constant 3 : i32
    %dma_start3A_530 = arith.constant 0 : i32
    %dma_start3A_531 = arith.constant 0 : i32
    %dma_start3A_532 = tpu.memref_slice %arg6[%dma_start3A_528, %dma_start3A_529, %dma_start3A_530, %dma_start3A_531] : memref<6x8x50x32xf32, #tpu.memory_space<vmem>> -> memref<1x1x50x32xf32, #tpu.memory_space<vmem>>
    %dma_start3A_533 = tpu.memref_squeeze %dma_start3A_532 : memref<1x1x50x32xf32, #tpu.memory_space<vmem>> -> memref<50x32xf32, #tpu.memory_space<vmem>>
    %dma_start3A_534 = arith.constant 0 : i32
    %dma_start3A_535 = tpu.memref_slice %arg5[%dma_start3A_527, %dma_start3A_534] : memref<256x128xi32, #tpu.memory_space<vmem>> -> memref<1x128xi32, #tpu.memory_space<vmem>>
    %dma_start3A_536 = tpu.memref_squeeze %dma_start3A_535 : memref<1x128xi32, #tpu.memory_space<vmem>> -> memref<128xi32, #tpu.memory_space<vmem>>
    %dma_start3A_537 = arith.constant 64 : i32
    %dma_start3A_538 = tpu.memref_slice %dma_start3A_536[%dma_start3A_537] : memref<128xi32, #tpu.memory_space<vmem>> -> memref<50xi32, #tpu.memory_space<vmem>>
    %dma_start3A_539 = arith.constant 0 : i32
    %dma_start3A_540 = arith.constant 0 : i32
    %dma_start3A_541 = tpu.memref_slice %arg3[%dma_start3A_539, %dma_start3A_540] : memref<1000000x32xf32, #tpu.memory_space<hbm>> -> memref<1000000x32xf32, #tpu.memory_space<hbm>>
    tpu.enqueue_indirect_dma source(%dma_start3A_541 : memref<1000000x32xf32, #tpu.memory_space<hbm>>) target(%dma_start3A_533 : memref<50x32xf32, #tpu.memory_space<vmem>>) offsets(%dma_start3A_538 : memref<50xi32, #tpu.memory_space<vmem>>) semaphore(%arg7 : memref<!tpu.dma_semaphore, #tpu.memory_space<semaphore_mem>>)
    %dma_start3A_542 = arith.constant 18 : i32
    %dma_start3A_543 = arith.constant 4 : i32
    %dma_start3A_544 = arith.constant 4 : i32
    %dma_start3A_545 = arith.constant 0 : i32
    %dma_start3A_546 = arith.constant 0 : i32
    %dma_start3A_547 = tpu.memref_slice %arg6[%dma_start3A_543, %dma_start3A_544, %dma_start3A_545, %dma_start3A_546] : memref<6x8x50x32xf32, #tpu.memory_space<vmem>> -> memref<1x1x50x32xf32, #tpu.memory_space<vmem>>
    %dma_start3A_548 = tpu.memref_squeeze %dma_start3A_547 : memref<1x1x50x32xf32, #tpu.memory_space<vmem>> -> memref<50x32xf32, #tpu.memory_space<vmem>>
    %dma_start3A_549 = arith.constant 0 : i32
    %dma_start3A_550 = tpu.memref_slice %arg5[%dma_start3A_542, %dma_start3A_549] : memref<256x128xi32, #tpu.memory_space<vmem>> -> memref<1x128xi32, #tpu.memory_space<vmem>>
    %dma_start3A_551 = tpu.memref_squeeze %dma_start3A_550 : memref<1x128xi32, #tpu.memory_space<vmem>> -> memref<128xi32, #tpu.memory_space<vmem>>
    %dma_start3A_552 = arith.constant 0 : i32
    %dma_start3A_553 = tpu.memref_slice %dma_start3A_551[%dma_start3A_552] : memref<128xi32, #tpu.memory_space<vmem>> -> memref<50xi32, #tpu.memory_space<vmem>>
    %dma_start3A_554 = arith.constant 0 : i32
    %dma_start3A_555 = arith.constant 0 : i32
    %dma_start3A_556 = tpu.memref_slice %arg3[%dma_start3A_554, %dma_start3A_555] : memref<1000000x32xf32, #tpu.memory_space<hbm>> -> memref<1000000x32xf32, #tpu.memory_space<hbm>>
    tpu.enqueue_indirect_dma source(%dma_start3A_556 : memref<1000000x32xf32, #tpu.memory_space<hbm>>) target(%dma_start3A_548 : memref<50x32xf32, #tpu.memory_space<vmem>>) offsets(%dma_start3A_553 : memref<50xi32, #tpu.memory_space<vmem>>) semaphore(%arg7 : memref<!tpu.dma_semaphore, #tpu.memory_space<semaphore_mem>>)
    %dma_start3A_557 = arith.constant 18 : i32
    %dma_start3A_558 = arith.constant 4 : i32
    %dma_start3A_559 = arith.constant 5 : i32
    %dma_start3A_560 = arith.constant 0 : i32
    %dma_start3A_561 = arith.constant 0 : i32
    %dma_start3A_562 = tpu.memref_slice %arg6[%dma_start3A_558, %dma_start3A_559, %dma_start3A_560, %dma_start3A_561] : memref<6x8x50x32xf32, #tpu.memory_space<vmem>> -> memref<1x1x50x32xf32, #tpu.memory_space<vmem>>
    %dma_start3A_563 = tpu.memref_squeeze %dma_start3A_562 : memref<1x1x50x32xf32, #tpu.memory_space<vmem>> -> memref<50x32xf32, #tpu.memory_space<vmem>>
    %dma_start3A_564 = arith.constant 0 : i32
    %dma_start3A_565 = tpu.memref_slice %arg5[%dma_start3A_557, %dma_start3A_564] : memref<256x128xi32, #tpu.memory_space<vmem>> -> memref<1x128xi32, #tpu.memory_space<vmem>>
    %dma_start3A_566 = tpu.memref_squeeze %dma_start3A_565 : memref<1x128xi32, #tpu.memory_space<vmem>> -> memref<128xi32, #tpu.memory_space<vmem>>
    %dma_start3A_567 = arith.constant 64 : i32
    %dma_start3A_568 = tpu.memref_slice %dma_start3A_566[%dma_start3A_567] : memref<128xi32, #tpu.memory_space<vmem>> -> memref<50xi32, #tpu.memory_space<vmem>>
    %dma_start3A_569 = arith.constant 0 : i32
    %dma_start3A_570 = arith.constant 0 : i32
    %dma_start3A_571 = tpu.memref_slice %arg3[%dma_start3A_569, %dma_start3A_570] : memref<1000000x32xf32, #tpu.memory_space<hbm>> -> memref<1000000x32xf32, #tpu.memory_space<hbm>>
    tpu.enqueue_indirect_dma source(%dma_start3A_571 : memref<1000000x32xf32, #tpu.memory_space<hbm>>) target(%dma_start3A_563 : memref<50x32xf32, #tpu.memory_space<vmem>>) offsets(%dma_start3A_568 : memref<50xi32, #tpu.memory_space<vmem>>) semaphore(%arg7 : memref<!tpu.dma_semaphore, #tpu.memory_space<semaphore_mem>>)
    %dma_start3A_572 = arith.constant 19 : i32
    %dma_start3A_573 = arith.constant 4 : i32
    %dma_start3A_574 = arith.constant 6 : i32
    %dma_start3A_575 = arith.constant 0 : i32
    %dma_start3A_576 = arith.constant 0 : i32
    %dma_start3A_577 = tpu.memref_slice %arg6[%dma_start3A_573, %dma_start3A_574, %dma_start3A_575, %dma_start3A_576] : memref<6x8x50x32xf32, #tpu.memory_space<vmem>> -> memref<1x1x50x32xf32, #tpu.memory_space<vmem>>
    %dma_start3A_578 = tpu.memref_squeeze %dma_start3A_577 : memref<1x1x50x32xf32, #tpu.memory_space<vmem>> -> memref<50x32xf32, #tpu.memory_space<vmem>>
    %dma_start3A_579 = arith.constant 0 : i32
    %dma_start3A_580 = tpu.memref_slice %arg5[%dma_start3A_572, %dma_start3A_579] : memref<256x128xi32, #tpu.memory_space<vmem>> -> memref<1x128xi32, #tpu.memory_space<vmem>>
    %dma_start3A_581 = tpu.memref_squeeze %dma_start3A_580 : memref<1x128xi32, #tpu.memory_space<vmem>> -> memref<128xi32, #tpu.memory_space<vmem>>
    %dma_start3A_582 = arith.constant 0 : i32
    %dma_start3A_583 = tpu.memref_slice %dma_start3A_581[%dma_start3A_582] : memref<128xi32, #tpu.memory_space<vmem>> -> memref<50xi32, #tpu.memory_space<vmem>>
    %dma_start3A_584 = arith.constant 0 : i32
    %dma_start3A_585 = arith.constant 0 : i32
    %dma_start3A_586 = tpu.memref_slice %arg3[%dma_start3A_584, %dma_start3A_585] : memref<1000000x32xf32, #tpu.memory_space<hbm>> -> memref<1000000x32xf32, #tpu.memory_space<hbm>>
    tpu.enqueue_indirect_dma source(%dma_start3A_586 : memref<1000000x32xf32, #tpu.memory_space<hbm>>) target(%dma_start3A_578 : memref<50x32xf32, #tpu.memory_space<vmem>>) offsets(%dma_start3A_583 : memref<50xi32, #tpu.memory_space<vmem>>) semaphore(%arg7 : memref<!tpu.dma_semaphore, #tpu.memory_space<semaphore_mem>>)
    %dma_start3A_587 = arith.constant 19 : i32
    %dma_start3A_588 = arith.constant 4 : i32
    %dma_start3A_589 = arith.constant 7 : i32
    %dma_start3A_590 = arith.constant 0 : i32
    %dma_start3A_591 = arith.constant 0 : i32
    %dma_start3A_592 = tpu.memref_slice %arg6[%dma_start3A_588, %dma_start3A_589, %dma_start3A_590, %dma_start3A_591] : memref<6x8x50x32xf32, #tpu.memory_space<vmem>> -> memref<1x1x50x32xf32, #tpu.memory_space<vmem>>
    %dma_start3A_593 = tpu.memref_squeeze %dma_start3A_592 : memref<1x1x50x32xf32, #tpu.memory_space<vmem>> -> memref<50x32xf32, #tpu.memory_space<vmem>>
    %dma_start3A_594 = arith.constant 0 : i32
    %dma_start3A_595 = tpu.memref_slice %arg5[%dma_start3A_587, %dma_start3A_594] : memref<256x128xi32, #tpu.memory_space<vmem>> -> memref<1x128xi32, #tpu.memory_space<vmem>>
    %dma_start3A_596 = tpu.memref_squeeze %dma_start3A_595 : memref<1x128xi32, #tpu.memory_space<vmem>> -> memref<128xi32, #tpu.memory_space<vmem>>
    %dma_start3A_597 = arith.constant 64 : i32
    %dma_start3A_598 = tpu.memref_slice %dma_start3A_596[%dma_start3A_597] : memref<128xi32, #tpu.memory_space<vmem>> -> memref<50xi32, #tpu.memory_space<vmem>>
    %dma_start3A_599 = arith.constant 0 : i32
    %dma_start3A_600 = arith.constant 0 : i32
    %dma_start3A_601 = tpu.memref_slice %arg3[%dma_start3A_599, %dma_start3A_600] : memref<1000000x32xf32, #tpu.memory_space<hbm>> -> memref<1000000x32xf32, #tpu.memory_space<hbm>>
    tpu.enqueue_indirect_dma source(%dma_start3A_601 : memref<1000000x32xf32, #tpu.memory_space<hbm>>) target(%dma_start3A_593 : memref<50x32xf32, #tpu.memory_space<vmem>>) offsets(%dma_start3A_598 : memref<50xi32, #tpu.memory_space<vmem>>) semaphore(%arg7 : memref<!tpu.dma_semaphore, #tpu.memory_space<semaphore_mem>>)
    %scan3A = arith.constant 0 : i32
    %scan3A_602 = arith.constant 0 : i32
    %scan3A_603 = arith.constant 64 : i32
    %scan3A_604 = arith.addi %scan3A_602, %scan3A_603 : i32
    %scan3A_605 = arith.constant 1 : i32
    scf.for %scan3A_720 = %scan3A_602 to %scan3A_604 step %scan3A_605  : i32 {
      %rem3A = arith.constant 6 : i32
      %rem3A_721 = arith.remsi %scan3A_720, %rem3A : i32
      %mul3A_722 = arith.constant 8 : i32
      %mul3A_723 = arith.muli %scan3A_720, %mul3A_722 : i32
      %add3A_724 = arith.constant 0 : i32
      %add3A_725 = arith.addi %mul3A_723, %add3A_724 : i32
      %jit3A = arith.constant 2 : i32
      %div3A = arith.divsi %add3A_725, %jit3A : i32
      %sign3A = arith.constant 0 : i32
      %sign3A_726 = arith.cmpi sgt, %add3A_725, %sign3A : i32
      %sign3A_727 = arith.extui %sign3A_726 : i1 to i32
      %sign3A_728 = arith.constant 0 : i32
      %sign3A_729 = arith.cmpi slt, %add3A_725, %sign3A_728 : i32
      %sign3A_730 = arith.extui %sign3A_729 : i1 to i32
      %sign3A_731 = arith.subi %sign3A_727, %sign3A_730 : i32
      %sign3A_732 = arith.constant 0 : i32
      %sign3A_733 = arith.cmpi sgt, %jit3A, %sign3A_732 : i32
      %sign3A_734 = arith.extui %sign3A_733 : i1 to i32
      %sign3A_735 = arith.constant 0 : i32
      %sign3A_736 = arith.cmpi slt, %jit3A, %sign3A_735 : i32
      %sign3A_737 = arith.extui %sign3A_736 : i1 to i32
      %sign3A_738 = arith.subi %sign3A_734, %sign3A_737 : i32
      %ne3A = arith.cmpi ne, %sign3A_731, %sign3A_738 : i32
      %rem3A_739 = arith.remsi %add3A_725, %jit3A : i32
      %ne3A_740 = arith.constant 0 : i32
      %ne3A_741 = arith.cmpi ne, %rem3A_739, %ne3A_740 : i32
      %and3A = arith.andi %ne3A, %ne3A_741 : i1
      %sub3A = arith.constant 1 : i32
      %sub3A_742 = arith.subi %div3A, %sub3A : i32
      %select_n3A = arith.select %and3A, %sub3A_742, %div3A : i32
      %jit3A_743 = arith.constant 2 : i32
      %eq3A = arith.constant 0 : i32
      %eq3A_744 = arith.cmpi eq, %jit3A_743, %eq3A : i32
      %jit3A_745 = arith.constant 1 : i32
      %select_n3A_746 = arith.select %eq3A_744, %jit3A_745, %jit3A_743 : i32
      %rem3A_747 = arith.remsi %add3A_725, %select_n3A_746 : i32
      %ne3A_748 = arith.constant 0 : i32
      %ne3A_749 = arith.cmpi ne, %rem3A_747, %ne3A_748 : i32
      %lt3A = arith.constant 0 : i32
      %lt3A_750 = arith.cmpi slt, %rem3A_747, %lt3A : i32
      %lt3A_751 = arith.constant 0 : i32
      %lt3A_752 = arith.cmpi slt, %select_n3A_746, %lt3A_751 : i32
      %ne3A_753 = arith.xori %lt3A_750, %lt3A_752 : i1
      %and3A_754 = arith.andi %ne3A_753, %ne3A_749 : i1
      %add3A_755 = arith.addi %rem3A_747, %select_n3A_746 : i32
      %select_n3A_756 = arith.select %and3A_754, %add3A_755, %rem3A_747 : i32
      %mul3A_757 = arith.constant 64 : i32
      %mul3A_758 = arith.muli %select_n3A_756, %mul3A_757 : i32
      %dma_wait3A_759 = arith.constant 0 : i32
      %dma_wait3A_760 = arith.constant 0 : i32
      %dma_wait3A_761 = arith.constant 0 : i32
      %dma_wait3A_762 = tpu.memref_slice %arg6[%rem3A_721, %dma_wait3A_759, %dma_wait3A_760, %dma_wait3A_761] : memref<6x8x50x32xf32, #tpu.memory_space<vmem>> -> memref<1x1x50x32xf32, #tpu.memory_space<vmem>>
      %dma_wait3A_763 = tpu.memref_squeeze %dma_wait3A_762 : memref<1x1x50x32xf32, #tpu.memory_space<vmem>> -> memref<50x32xf32, #tpu.memory_space<vmem>>
      %dma_wait3A_764 = arith.constant 0 : i32
      %dma_wait3A_765 = tpu.memref_slice %arg5[%select_n3A, %dma_wait3A_764] : memref<256x128xi32, #tpu.memory_space<vmem>> -> memref<1x128xi32, #tpu.memory_space<vmem>>
      %dma_wait3A_766 = tpu.memref_squeeze %dma_wait3A_765 : memref<1x128xi32, #tpu.memory_space<vmem>> -> memref<128xi32, #tpu.memory_space<vmem>>
      %dma_wait3A_767 = tpu.memref_slice %dma_wait3A_766[%mul3A_758] : memref<128xi32, #tpu.memory_space<vmem>> -> memref<50xi32, #tpu.memory_space<vmem>>
      %dma_wait3A_768 = arith.constant 0 : i32
      %dma_wait3A_769 = arith.constant 0 : i32
      %dma_wait3A_770 = tpu.memref_slice %arg3[%dma_wait3A_768, %dma_wait3A_769] : memref<1000000x32xf32, #tpu.memory_space<hbm>> -> memref<1000000x32xf32, #tpu.memory_space<hbm>>
      tpu.wait_indirect_dma semaphore(%arg7 : memref<!tpu.dma_semaphore, #tpu.memory_space<semaphore_mem>>) src(%dma_wait3A_770 : memref<1000000x32xf32, #tpu.memory_space<hbm>>) dst(%dma_wait3A_763 : memref<50x32xf32, #tpu.memory_space<vmem>>)
      %mul3A_771 = arith.constant 8 : i32
      %mul3A_772 = arith.muli %scan3A_720, %mul3A_771 : i32
      %add3A_773 = arith.constant 1 : i32
      %add3A_774 = arith.addi %mul3A_772, %add3A_773 : i32
      %jit3A_775 = arith.constant 2 : i32
      %div3A_776 = arith.divsi %add3A_774, %jit3A_775 : i32
      %sign3A_777 = arith.constant 0 : i32
      %sign3A_778 = arith.cmpi sgt, %add3A_774, %sign3A_777 : i32
      %sign3A_779 = arith.extui %sign3A_778 : i1 to i32
      %sign3A_780 = arith.constant 0 : i32
      %sign3A_781 = arith.cmpi slt, %add3A_774, %sign3A_780 : i32
      %sign3A_782 = arith.extui %sign3A_781 : i1 to i32
      %sign3A_783 = arith.subi %sign3A_779, %sign3A_782 : i32
      %sign3A_784 = arith.constant 0 : i32
      %sign3A_785 = arith.cmpi sgt, %jit3A_775, %sign3A_784 : i32
      %sign3A_786 = arith.extui %sign3A_785 : i1 to i32
      %sign3A_787 = arith.constant 0 : i32
      %sign3A_788 = arith.cmpi slt, %jit3A_775, %sign3A_787 : i32
      %sign3A_789 = arith.extui %sign3A_788 : i1 to i32
      %sign3A_790 = arith.subi %sign3A_786, %sign3A_789 : i32
      %ne3A_791 = arith.cmpi ne, %sign3A_783, %sign3A_790 : i32
      %rem3A_792 = arith.remsi %add3A_774, %jit3A_775 : i32
      %ne3A_793 = arith.constant 0 : i32
      %ne3A_794 = arith.cmpi ne, %rem3A_792, %ne3A_793 : i32
      %and3A_795 = arith.andi %ne3A_791, %ne3A_794 : i1
      %sub3A_796 = arith.constant 1 : i32
      %sub3A_797 = arith.subi %div3A_776, %sub3A_796 : i32
      %select_n3A_798 = arith.select %and3A_795, %sub3A_797, %div3A_776 : i32
      %jit3A_799 = arith.constant 2 : i32
      %eq3A_800 = arith.constant 0 : i32
      %eq3A_801 = arith.cmpi eq, %jit3A_799, %eq3A_800 : i32
      %jit3A_802 = arith.constant 1 : i32
      %select_n3A_803 = arith.select %eq3A_801, %jit3A_802, %jit3A_799 : i32
      %rem3A_804 = arith.remsi %add3A_774, %select_n3A_803 : i32
      %ne3A_805 = arith.constant 0 : i32
      %ne3A_806 = arith.cmpi ne, %rem3A_804, %ne3A_805 : i32
      %lt3A_807 = arith.constant 0 : i32
      %lt3A_808 = arith.cmpi slt, %rem3A_804, %lt3A_807 : i32
      %lt3A_809 = arith.constant 0 : i32
      %lt3A_810 = arith.cmpi slt, %select_n3A_803, %lt3A_809 : i32
      %ne3A_811 = arith.xori %lt3A_808, %lt3A_810 : i1
      %and3A_812 = arith.andi %ne3A_811, %ne3A_806 : i1
      %add3A_813 = arith.addi %rem3A_804, %select_n3A_803 : i32
      %select_n3A_814 = arith.select %and3A_812, %add3A_813, %rem3A_804 : i32
      %mul3A_815 = arith.constant 64 : i32
      %mul3A_816 = arith.muli %select_n3A_814, %mul3A_815 : i32
      %dma_wait3A_817 = arith.constant 1 : i32
      %dma_wait3A_818 = arith.constant 0 : i32
      %dma_wait3A_819 = arith.constant 0 : i32
      %dma_wait3A_820 = tpu.memref_slice %arg6[%rem3A_721, %dma_wait3A_817, %dma_wait3A_818, %dma_wait3A_819] : memref<6x8x50x32xf32, #tpu.memory_space<vmem>> -> memref<1x1x50x32xf32, #tpu.memory_space<vmem>>
      %dma_wait3A_821 = tpu.memref_squeeze %dma_wait3A_820 : memref<1x1x50x32xf32, #tpu.memory_space<vmem>> -> memref<50x32xf32, #tpu.memory_space<vmem>>
      %dma_wait3A_822 = arith.constant 0 : i32
      %dma_wait3A_823 = tpu.memref_slice %arg5[%select_n3A_798, %dma_wait3A_822] : memref<256x128xi32, #tpu.memory_space<vmem>> -> memref<1x128xi32, #tpu.memory_space<vmem>>
      %dma_wait3A_824 = tpu.memref_squeeze %dma_wait3A_823 : memref<1x128xi32, #tpu.memory_space<vmem>> -> memref<128xi32, #tpu.memory_space<vmem>>
      %dma_wait3A_825 = tpu.memref_slice %dma_wait3A_824[%mul3A_816] : memref<128xi32, #tpu.memory_space<vmem>> -> memref<50xi32, #tpu.memory_space<vmem>>
      %dma_wait3A_826 = arith.constant 0 : i32
      %dma_wait3A_827 = arith.constant 0 : i32
      %dma_wait3A_828 = tpu.memref_slice %arg3[%dma_wait3A_826, %dma_wait3A_827] : memref<1000000x32xf32, #tpu.memory_space<hbm>> -> memref<1000000x32xf32, #tpu.memory_space<hbm>>
      tpu.wait_indirect_dma semaphore(%arg7 : memref<!tpu.dma_semaphore, #tpu.memory_space<semaphore_mem>>) src(%dma_wait3A_828 : memref<1000000x32xf32, #tpu.memory_space<hbm>>) dst(%dma_wait3A_821 : memref<50x32xf32, #tpu.memory_space<vmem>>)
      %mul3A_829 = arith.constant 8 : i32
      %mul3A_830 = arith.muli %scan3A_720, %mul3A_829 : i32
      %add3A_831 = arith.constant 2 : i32
      %add3A_832 = arith.addi %mul3A_830, %add3A_831 : i32
      %jit3A_833 = arith.constant 2 : i32
      %div3A_834 = arith.divsi %add3A_832, %jit3A_833 : i32
      %sign3A_835 = arith.constant 0 : i32
      %sign3A_836 = arith.cmpi sgt, %add3A_832, %sign3A_835 : i32
      %sign3A_837 = arith.extui %sign3A_836 : i1 to i32
      %sign3A_838 = arith.constant 0 : i32
      %sign3A_839 = arith.cmpi slt, %add3A_832, %sign3A_838 : i32
      %sign3A_840 = arith.extui %sign3A_839 : i1 to i32
      %sign3A_841 = arith.subi %sign3A_837, %sign3A_840 : i32
      %sign3A_842 = arith.constant 0 : i32
      %sign3A_843 = arith.cmpi sgt, %jit3A_833, %sign3A_842 : i32
      %sign3A_844 = arith.extui %sign3A_843 : i1 to i32
      %sign3A_845 = arith.constant 0 : i32
      %sign3A_846 = arith.cmpi slt, %jit3A_833, %sign3A_845 : i32
      %sign3A_847 = arith.extui %sign3A_846 : i1 to i32
      %sign3A_848 = arith.subi %sign3A_844, %sign3A_847 : i32
      %ne3A_849 = arith.cmpi ne, %sign3A_841, %sign3A_848 : i32
      %rem3A_850 = arith.remsi %add3A_832, %jit3A_833 : i32
      %ne3A_851 = arith.constant 0 : i32
      %ne3A_852 = arith.cmpi ne, %rem3A_850, %ne3A_851 : i32
      %and3A_853 = arith.andi %ne3A_849, %ne3A_852 : i1
      %sub3A_854 = arith.constant 1 : i32
      %sub3A_855 = arith.subi %div3A_834, %sub3A_854 : i32
      %select_n3A_856 = arith.select %and3A_853, %sub3A_855, %div3A_834 : i32
      %jit3A_857 = arith.constant 2 : i32
      %eq3A_858 = arith.constant 0 : i32
      %eq3A_859 = arith.cmpi eq, %jit3A_857, %eq3A_858 : i32
      %jit3A_860 = arith.constant 1 : i32
      %select_n3A_861 = arith.select %eq3A_859, %jit3A_860, %jit3A_857 : i32
      %rem3A_862 = arith.remsi %add3A_832, %select_n3A_861 : i32
      %ne3A_863 = arith.constant 0 : i32
      %ne3A_864 = arith.cmpi ne, %rem3A_862, %ne3A_863 : i32
      %lt3A_865 = arith.constant 0 : i32
      %lt3A_866 = arith.cmpi slt, %rem3A_862, %lt3A_865 : i32
      %lt3A_867 = arith.constant 0 : i32
      %lt3A_868 = arith.cmpi slt, %select_n3A_861, %lt3A_867 : i32
      %ne3A_869 = arith.xori %lt3A_866, %lt3A_868 : i1
      %and3A_870 = arith.andi %ne3A_869, %ne3A_864 : i1
      %add3A_871 = arith.addi %rem3A_862, %select_n3A_861 : i32
      %select_n3A_872 = arith.select %and3A_870, %add3A_871, %rem3A_862 : i32
      %mul3A_873 = arith.constant 64 : i32
      %mul3A_874 = arith.muli %select_n3A_872, %mul3A_873 : i32
      %dma_wait3A_875 = arith.constant 2 : i32
      %dma_wait3A_876 = arith.constant 0 : i32
      %dma_wait3A_877 = arith.constant 0 : i32
      %dma_wait3A_878 = tpu.memref_slice %arg6[%rem3A_721, %dma_wait3A_875, %dma_wait3A_876, %dma_wait3A_877] : memref<6x8x50x32xf32, #tpu.memory_space<vmem>> -> memref<1x1x50x32xf32, #tpu.memory_space<vmem>>
      %dma_wait3A_879 = tpu.memref_squeeze %dma_wait3A_878 : memref<1x1x50x32xf32, #tpu.memory_space<vmem>> -> memref<50x32xf32, #tpu.memory_space<vmem>>
      %dma_wait3A_880 = arith.constant 0 : i32
      %dma_wait3A_881 = tpu.memref_slice %arg5[%select_n3A_856, %dma_wait3A_880] : memref<256x128xi32, #tpu.memory_space<vmem>> -> memref<1x128xi32, #tpu.memory_space<vmem>>
      %dma_wait3A_882 = tpu.memref_squeeze %dma_wait3A_881 : memref<1x128xi32, #tpu.memory_space<vmem>> -> memref<128xi32, #tpu.memory_space<vmem>>
      %dma_wait3A_883 = tpu.memref_slice %dma_wait3A_882[%mul3A_874] : memref<128xi32, #tpu.memory_space<vmem>> -> memref<50xi32, #tpu.memory_space<vmem>>
      %dma_wait3A_884 = arith.constant 0 : i32
      %dma_wait3A_885 = arith.constant 0 : i32
      %dma_wait3A_886 = tpu.memref_slice %arg3[%dma_wait3A_884, %dma_wait3A_885] : memref<1000000x32xf32, #tpu.memory_space<hbm>> -> memref<1000000x32xf32, #tpu.memory_space<hbm>>
      tpu.wait_indirect_dma semaphore(%arg7 : memref<!tpu.dma_semaphore, #tpu.memory_space<semaphore_mem>>) src(%dma_wait3A_886 : memref<1000000x32xf32, #tpu.memory_space<hbm>>) dst(%dma_wait3A_879 : memref<50x32xf32, #tpu.memory_space<vmem>>)
      %mul3A_887 = arith.constant 8 : i32
      %mul3A_888 = arith.muli %scan3A_720, %mul3A_887 : i32
      %add3A_889 = arith.constant 3 : i32
      %add3A_890 = arith.addi %mul3A_888, %add3A_889 : i32
      %jit3A_891 = arith.constant 2 : i32
      %div3A_892 = arith.divsi %add3A_890, %jit3A_891 : i32
      %sign3A_893 = arith.constant 0 : i32
      %sign3A_894 = arith.cmpi sgt, %add3A_890, %sign3A_893 : i32
      %sign3A_895 = arith.extui %sign3A_894 : i1 to i32
      %sign3A_896 = arith.constant 0 : i32
      %sign3A_897 = arith.cmpi slt, %add3A_890, %sign3A_896 : i32
      %sign3A_898 = arith.extui %sign3A_897 : i1 to i32
      %sign3A_899 = arith.subi %sign3A_895, %sign3A_898 : i32
      %sign3A_900 = arith.constant 0 : i32
      %sign3A_901 = arith.cmpi sgt, %jit3A_891, %sign3A_900 : i32
      %sign3A_902 = arith.extui %sign3A_901 : i1 to i32
      %sign3A_903 = arith.constant 0 : i32
      %sign3A_904 = arith.cmpi slt, %jit3A_891, %sign3A_903 : i32
      %sign3A_905 = arith.extui %sign3A_904 : i1 to i32
      %sign3A_906 = arith.subi %sign3A_902, %sign3A_905 : i32
      %ne3A_907 = arith.cmpi ne, %sign3A_899, %sign3A_906 : i32
      %rem3A_908 = arith.remsi %add3A_890, %jit3A_891 : i32
      %ne3A_909 = arith.constant 0 : i32
      %ne3A_910 = arith.cmpi ne, %rem3A_908, %ne3A_909 : i32
      %and3A_911 = arith.andi %ne3A_907, %ne3A_910 : i1
      %sub3A_912 = arith.constant 1 : i32
      %sub3A_913 = arith.subi %div3A_892, %sub3A_912 : i32
      %select_n3A_914 = arith.select %and3A_911, %sub3A_913, %div3A_892 : i32
      %jit3A_915 = arith.constant 2 : i32
      %eq3A_916 = arith.constant 0 : i32
      %eq3A_917 = arith.cmpi eq, %jit3A_915, %eq3A_916 : i32
      %jit3A_918 = arith.constant 1 : i32
      %select_n3A_919 = arith.select %eq3A_917, %jit3A_918, %jit3A_915 : i32
      %rem3A_920 = arith.remsi %add3A_890, %select_n3A_919 : i32
      %ne3A_921 = arith.constant 0 : i32
      %ne3A_922 = arith.cmpi ne, %rem3A_920, %ne3A_921 : i32
      %lt3A_923 = arith.constant 0 : i32
      %lt3A_924 = arith.cmpi slt, %rem3A_920, %lt3A_923 : i32
      %lt3A_925 = arith.constant 0 : i32
      %lt3A_926 = arith.cmpi slt, %select_n3A_919, %lt3A_925 : i32
      %ne3A_927 = arith.xori %lt3A_924, %lt3A_926 : i1
      %and3A_928 = arith.andi %ne3A_927, %ne3A_922 : i1
      %add3A_929 = arith.addi %rem3A_920, %select_n3A_919 : i32
      %select_n3A_930 = arith.select %and3A_928, %add3A_929, %rem3A_920 : i32
      %mul3A_931 = arith.constant 64 : i32
      %mul3A_932 = arith.muli %select_n3A_930, %mul3A_931 : i32
      %dma_wait3A_933 = arith.constant 3 : i32
      %dma_wait3A_934 = arith.constant 0 : i32
      %dma_wait3A_935 = arith.constant 0 : i32
      %dma_wait3A_936 = tpu.memref_slice %arg6[%rem3A_721, %dma_wait3A_933, %dma_wait3A_934, %dma_wait3A_935] : memref<6x8x50x32xf32, #tpu.memory_space<vmem>> -> memref<1x1x50x32xf32, #tpu.memory_space<vmem>>
      %dma_wait3A_937 = tpu.memref_squeeze %dma_wait3A_936 : memref<1x1x50x32xf32, #tpu.memory_space<vmem>> -> memref<50x32xf32, #tpu.memory_space<vmem>>
      %dma_wait3A_938 = arith.constant 0 : i32
      %dma_wait3A_939 = tpu.memref_slice %arg5[%select_n3A_914, %dma_wait3A_938] : memref<256x128xi32, #tpu.memory_space<vmem>> -> memref<1x128xi32, #tpu.memory_space<vmem>>
      %dma_wait3A_940 = tpu.memref_squeeze %dma_wait3A_939 : memref<1x128xi32, #tpu.memory_space<vmem>> -> memref<128xi32, #tpu.memory_space<vmem>>
      %dma_wait3A_941 = tpu.memref_slice %dma_wait3A_940[%mul3A_932] : memref<128xi32, #tpu.memory_space<vmem>> -> memref<50xi32, #tpu.memory_space<vmem>>
      %dma_wait3A_942 = arith.constant 0 : i32
      %dma_wait3A_943 = arith.constant 0 : i32
      %dma_wait3A_944 = tpu.memref_slice %arg3[%dma_wait3A_942, %dma_wait3A_943] : memref<1000000x32xf32, #tpu.memory_space<hbm>> -> memref<1000000x32xf32, #tpu.memory_space<hbm>>
      tpu.wait_indirect_dma semaphore(%arg7 : memref<!tpu.dma_semaphore, #tpu.memory_space<semaphore_mem>>) src(%dma_wait3A_944 : memref<1000000x32xf32, #tpu.memory_space<hbm>>) dst(%dma_wait3A_937 : memref<50x32xf32, #tpu.memory_space<vmem>>)
      %mul3A_945 = arith.constant 8 : i32
      %mul3A_946 = arith.muli %scan3A_720, %mul3A_945 : i32
      %add3A_947 = arith.constant 4 : i32
      %add3A_948 = arith.addi %mul3A_946, %add3A_947 : i32
      %jit3A_949 = arith.constant 2 : i32
      %div3A_950 = arith.divsi %add3A_948, %jit3A_949 : i32
      %sign3A_951 = arith.constant 0 : i32
      %sign3A_952 = arith.cmpi sgt, %add3A_948, %sign3A_951 : i32
      %sign3A_953 = arith.extui %sign3A_952 : i1 to i32
      %sign3A_954 = arith.constant 0 : i32
      %sign3A_955 = arith.cmpi slt, %add3A_948, %sign3A_954 : i32
      %sign3A_956 = arith.extui %sign3A_955 : i1 to i32
      %sign3A_957 = arith.subi %sign3A_953, %sign3A_956 : i32
      %sign3A_958 = arith.constant 0 : i32
      %sign3A_959 = arith.cmpi sgt, %jit3A_949, %sign3A_958 : i32
      %sign3A_960 = arith.extui %sign3A_959 : i1 to i32
      %sign3A_961 = arith.constant 0 : i32
      %sign3A_962 = arith.cmpi slt, %jit3A_949, %sign3A_961 : i32
      %sign3A_963 = arith.extui %sign3A_962 : i1 to i32
      %sign3A_964 = arith.subi %sign3A_960, %sign3A_963 : i32
      %ne3A_965 = arith.cmpi ne, %sign3A_957, %sign3A_964 : i32
      %rem3A_966 = arith.remsi %add3A_948, %jit3A_949 : i32
      %ne3A_967 = arith.constant 0 : i32
      %ne3A_968 = arith.cmpi ne, %rem3A_966, %ne3A_967 : i32
      %and3A_969 = arith.andi %ne3A_965, %ne3A_968 : i1
      %sub3A_970 = arith.constant 1 : i32
      %sub3A_971 = arith.subi %div3A_950, %sub3A_970 : i32
      %select_n3A_972 = arith.select %and3A_969, %sub3A_971, %div3A_950 : i32
      %jit3A_973 = arith.constant 2 : i32
      %eq3A_974 = arith.constant 0 : i32
      %eq3A_975 = arith.cmpi eq, %jit3A_973, %eq3A_974 : i32
      %jit3A_976 = arith.constant 1 : i32
      %select_n3A_977 = arith.select %eq3A_975, %jit3A_976, %jit3A_973 : i32
      %rem3A_978 = arith.remsi %add3A_948, %select_n3A_977 : i32
      %ne3A_979 = arith.constant 0 : i32
      %ne3A_980 = arith.cmpi ne, %rem3A_978, %ne3A_979 : i32
      %lt3A_981 = arith.constant 0 : i32
      %lt3A_982 = arith.cmpi slt, %rem3A_978, %lt3A_981 : i32
      %lt3A_983 = arith.constant 0 : i32
      %lt3A_984 = arith.cmpi slt, %select_n3A_977, %lt3A_983 : i32
      %ne3A_985 = arith.xori %lt3A_982, %lt3A_984 : i1
      %and3A_986 = arith.andi %ne3A_985, %ne3A_980 : i1
      %add3A_987 = arith.addi %rem3A_978, %select_n3A_977 : i32
      %select_n3A_988 = arith.select %and3A_986, %add3A_987, %rem3A_978 : i32
      %mul3A_989 = arith.constant 64 : i32
      %mul3A_990 = arith.muli %select_n3A_988, %mul3A_989 : i32
      %dma_wait3A_991 = arith.constant 4 : i32
      %dma_wait3A_992 = arith.constant 0 : i32
      %dma_wait3A_993 = arith.constant 0 : i32
      %dma_wait3A_994 = tpu.memref_slice %arg6[%rem3A_721, %dma_wait3A_991, %dma_wait3A_992, %dma_wait3A_993] : memref<6x8x50x32xf32, #tpu.memory_space<vmem>> -> memref<1x1x50x32xf32, #tpu.memory_space<vmem>>
      %dma_wait3A_995 = tpu.memref_squeeze %dma_wait3A_994 : memref<1x1x50x32xf32, #tpu.memory_space<vmem>> -> memref<50x32xf32, #tpu.memory_space<vmem>>
      %dma_wait3A_996 = arith.constant 0 : i32
      %dma_wait3A_997 = tpu.memref_slice %arg5[%select_n3A_972, %dma_wait3A_996] : memref<256x128xi32, #tpu.memory_space<vmem>> -> memref<1x128xi32, #tpu.memory_space<vmem>>
      %dma_wait3A_998 = tpu.memref_squeeze %dma_wait3A_997 : memref<1x128xi32, #tpu.memory_space<vmem>> -> memref<128xi32, #tpu.memory_space<vmem>>
      %dma_wait3A_999 = tpu.memref_slice %dma_wait3A_998[%mul3A_990] : memref<128xi32, #tpu.memory_space<vmem>> -> memref<50xi32, #tpu.memory_space<vmem>>
      %dma_wait3A_1000 = arith.constant 0 : i32
      %dma_wait3A_1001 = arith.constant 0 : i32
      %dma_wait3A_1002 = tpu.memref_slice %arg3[%dma_wait3A_1000, %dma_wait3A_1001] : memref<1000000x32xf32, #tpu.memory_space<hbm>> -> memref<1000000x32xf32, #tpu.memory_space<hbm>>
      tpu.wait_indirect_dma semaphore(%arg7 : memref<!tpu.dma_semaphore, #tpu.memory_space<semaphore_mem>>) src(%dma_wait3A_1002 : memref<1000000x32xf32, #tpu.memory_space<hbm>>) dst(%dma_wait3A_995 : memref<50x32xf32, #tpu.memory_space<vmem>>)
      %mul3A_1003 = arith.constant 8 : i32
      %mul3A_1004 = arith.muli %scan3A_720, %mul3A_1003 : i32
      %add3A_1005 = arith.constant 5 : i32
      %add3A_1006 = arith.addi %mul3A_1004, %add3A_1005 : i32
      %jit3A_1007 = arith.constant 2 : i32
      %div3A_1008 = arith.divsi %add3A_1006, %jit3A_1007 : i32
      %sign3A_1009 = arith.constant 0 : i32
      %sign3A_1010 = arith.cmpi sgt, %add3A_1006, %sign3A_1009 : i32
      %sign3A_1011 = arith.extui %sign3A_1010 : i1 to i32
      %sign3A_1012 = arith.constant 0 : i32
      %sign3A_1013 = arith.cmpi slt, %add3A_1006, %sign3A_1012 : i32
      %sign3A_1014 = arith.extui %sign3A_1013 : i1 to i32
      %sign3A_1015 = arith.subi %sign3A_1011, %sign3A_1014 : i32
      %sign3A_1016 = arith.constant 0 : i32
      %sign3A_1017 = arith.cmpi sgt, %jit3A_1007, %sign3A_1016 : i32
      %sign3A_1018 = arith.extui %sign3A_1017 : i1 to i32
      %sign3A_1019 = arith.constant 0 : i32
      %sign3A_1020 = arith.cmpi slt, %jit3A_1007, %sign3A_1019 : i32
      %sign3A_1021 = arith.extui %sign3A_1020 : i1 to i32
      %sign3A_1022 = arith.subi %sign3A_1018, %sign3A_1021 : i32
      %ne3A_1023 = arith.cmpi ne, %sign3A_1015, %sign3A_1022 : i32
      %rem3A_1024 = arith.remsi %add3A_1006, %jit3A_1007 : i32
      %ne3A_1025 = arith.constant 0 : i32
      %ne3A_1026 = arith.cmpi ne, %rem3A_1024, %ne3A_1025 : i32
      %and3A_1027 = arith.andi %ne3A_1023, %ne3A_1026 : i1
      %sub3A_1028 = arith.constant 1 : i32
      %sub3A_1029 = arith.subi %div3A_1008, %sub3A_1028 : i32
      %select_n3A_1030 = arith.select %and3A_1027, %sub3A_1029, %div3A_1008 : i32
      %jit3A_1031 = arith.constant 2 : i32
      %eq3A_1032 = arith.constant 0 : i32
      %eq3A_1033 = arith.cmpi eq, %jit3A_1031, %eq3A_1032 : i32
      %jit3A_1034 = arith.constant 1 : i32
      %select_n3A_1035 = arith.select %eq3A_1033, %jit3A_1034, %jit3A_1031 : i32
      %rem3A_1036 = arith.remsi %add3A_1006, %select_n3A_1035 : i32
      %ne3A_1037 = arith.constant 0 : i32
      %ne3A_1038 = arith.cmpi ne, %rem3A_1036, %ne3A_1037 : i32
      %lt3A_1039 = arith.constant 0 : i32
      %lt3A_1040 = arith.cmpi slt, %rem3A_1036, %lt3A_1039 : i32
      %lt3A_1041 = arith.constant 0 : i32
      %lt3A_1042 = arith.cmpi slt, %select_n3A_1035, %lt3A_1041 : i32
      %ne3A_1043 = arith.xori %lt3A_1040, %lt3A_1042 : i1
      %and3A_1044 = arith.andi %ne3A_1043, %ne3A_1038 : i1
      %add3A_1045 = arith.addi %rem3A_1036, %select_n3A_1035 : i32
      %select_n3A_1046 = arith.select %and3A_1044, %add3A_1045, %rem3A_1036 : i32
      %mul3A_1047 = arith.constant 64 : i32
      %mul3A_1048 = arith.muli %select_n3A_1046, %mul3A_1047 : i32
      %dma_wait3A_1049 = arith.constant 5 : i32
      %dma_wait3A_1050 = arith.constant 0 : i32
      %dma_wait3A_1051 = arith.constant 0 : i32
      %dma_wait3A_1052 = tpu.memref_slice %arg6[%rem3A_721, %dma_wait3A_1049, %dma_wait3A_1050, %dma_wait3A_1051] : memref<6x8x50x32xf32, #tpu.memory_space<vmem>> -> memref<1x1x50x32xf32, #tpu.memory_space<vmem>>
      %dma_wait3A_1053 = tpu.memref_squeeze %dma_wait3A_1052 : memref<1x1x50x32xf32, #tpu.memory_space<vmem>> -> memref<50x32xf32, #tpu.memory_space<vmem>>
      %dma_wait3A_1054 = arith.constant 0 : i32
      %dma_wait3A_1055 = tpu.memref_slice %arg5[%select_n3A_1030, %dma_wait3A_1054] : memref<256x128xi32, #tpu.memory_space<vmem>> -> memref<1x128xi32, #tpu.memory_space<vmem>>
      %dma_wait3A_1056 = tpu.memref_squeeze %dma_wait3A_1055 : memref<1x128xi32, #tpu.memory_space<vmem>> -> memref<128xi32, #tpu.memory_space<vmem>>
      %dma_wait3A_1057 = tpu.memref_slice %dma_wait3A_1056[%mul3A_1048] : memref<128xi32, #tpu.memory_space<vmem>> -> memref<50xi32, #tpu.memory_space<vmem>>
      %dma_wait3A_1058 = arith.constant 0 : i32
      %dma_wait3A_1059 = arith.constant 0 : i32
      %dma_wait3A_1060 = tpu.memref_slice %arg3[%dma_wait3A_1058, %dma_wait3A_1059] : memref<1000000x32xf32, #tpu.memory_space<hbm>> -> memref<1000000x32xf32, #tpu.memory_space<hbm>>
      tpu.wait_indirect_dma semaphore(%arg7 : memref<!tpu.dma_semaphore, #tpu.memory_space<semaphore_mem>>) src(%dma_wait3A_1060 : memref<1000000x32xf32, #tpu.memory_space<hbm>>) dst(%dma_wait3A_1053 : memref<50x32xf32, #tpu.memory_space<vmem>>)
      %mul3A_1061 = arith.constant 8 : i32
      %mul3A_1062 = arith.muli %scan3A_720, %mul3A_1061 : i32
      %add3A_1063 = arith.constant 6 : i32
      %add3A_1064 = arith.addi %mul3A_1062, %add3A_1063 : i32
      %jit3A_1065 = arith.constant 2 : i32
      %div3A_1066 = arith.divsi %add3A_1064, %jit3A_1065 : i32
      %sign3A_1067 = arith.constant 0 : i32
      %sign3A_1068 = arith.cmpi sgt, %add3A_1064, %sign3A_1067 : i32
      %sign3A_1069 = arith.extui %sign3A_1068 : i1 to i32
      %sign3A_1070 = arith.constant 0 : i32
      %sign3A_1071 = arith.cmpi slt, %add3A_1064, %sign3A_1070 : i32
      %sign3A_1072 = arith.extui %sign3A_1071 : i1 to i32
      %sign3A_1073 = arith.subi %sign3A_1069, %sign3A_1072 : i32
      %sign3A_1074 = arith.constant 0 : i32
      %sign3A_1075 = arith.cmpi sgt, %jit3A_1065, %sign3A_1074 : i32
      %sign3A_1076 = arith.extui %sign3A_1075 : i1 to i32
      %sign3A_1077 = arith.constant 0 : i32
      %sign3A_1078 = arith.cmpi slt, %jit3A_1065, %sign3A_1077 : i32
      %sign3A_1079 = arith.extui %sign3A_1078 : i1 to i32
      %sign3A_1080 = arith.subi %sign3A_1076, %sign3A_1079 : i32
      %ne3A_1081 = arith.cmpi ne, %sign3A_1073, %sign3A_1080 : i32
      %rem3A_1082 = arith.remsi %add3A_1064, %jit3A_1065 : i32
      %ne3A_1083 = arith.constant 0 : i32
      %ne3A_1084 = arith.cmpi ne, %rem3A_1082, %ne3A_1083 : i32
      %and3A_1085 = arith.andi %ne3A_1081, %ne3A_1084 : i1
      %sub3A_1086 = arith.constant 1 : i32
      %sub3A_1087 = arith.subi %div3A_1066, %sub3A_1086 : i32
      %select_n3A_1088 = arith.select %and3A_1085, %sub3A_1087, %div3A_1066 : i32
      %jit3A_1089 = arith.constant 2 : i32
      %eq3A_1090 = arith.constant 0 : i32
      %eq3A_1091 = arith.cmpi eq, %jit3A_1089, %eq3A_1090 : i32
      %jit3A_1092 = arith.constant 1 : i32
      %select_n3A_1093 = arith.select %eq3A_1091, %jit3A_1092, %jit3A_1089 : i32
      %rem3A_1094 = arith.remsi %add3A_1064, %select_n3A_1093 : i32
      %ne3A_1095 = arith.constant 0 : i32
      %ne3A_1096 = arith.cmpi ne, %rem3A_1094, %ne3A_1095 : i32
      %lt3A_1097 = arith.constant 0 : i32
      %lt3A_1098 = arith.cmpi slt, %rem3A_1094, %lt3A_1097 : i32
      %lt3A_1099 = arith.constant 0 : i32
      %lt3A_1100 = arith.cmpi slt, %select_n3A_1093, %lt3A_1099 : i32
      %ne3A_1101 = arith.xori %lt3A_1098, %lt3A_1100 : i1
      %and3A_1102 = arith.andi %ne3A_1101, %ne3A_1096 : i1
      %add3A_1103 = arith.addi %rem3A_1094, %select_n3A_1093 : i32
      %select_n3A_1104 = arith.select %and3A_1102, %add3A_1103, %rem3A_1094 : i32
      %mul3A_1105 = arith.constant 64 : i32
      %mul3A_1106 = arith.muli %select_n3A_1104, %mul3A_1105 : i32
      %dma_wait3A_1107 = arith.constant 6 : i32
      %dma_wait3A_1108 = arith.constant 0 : i32
      %dma_wait3A_1109 = arith.constant 0 : i32
      %dma_wait3A_1110 = tpu.memref_slice %arg6[%rem3A_721, %dma_wait3A_1107, %dma_wait3A_1108, %dma_wait3A_1109] : memref<6x8x50x32xf32, #tpu.memory_space<vmem>> -> memref<1x1x50x32xf32, #tpu.memory_space<vmem>>
      %dma_wait3A_1111 = tpu.memref_squeeze %dma_wait3A_1110 : memref<1x1x50x32xf32, #tpu.memory_space<vmem>> -> memref<50x32xf32, #tpu.memory_space<vmem>>
      %dma_wait3A_1112 = arith.constant 0 : i32
      %dma_wait3A_1113 = tpu.memref_slice %arg5[%select_n3A_1088, %dma_wait3A_1112] : memref<256x128xi32, #tpu.memory_space<vmem>> -> memref<1x128xi32, #tpu.memory_space<vmem>>
      %dma_wait3A_1114 = tpu.memref_squeeze %dma_wait3A_1113 : memref<1x128xi32, #tpu.memory_space<vmem>> -> memref<128xi32, #tpu.memory_space<vmem>>
      %dma_wait3A_1115 = tpu.memref_slice %dma_wait3A_1114[%mul3A_1106] : memref<128xi32, #tpu.memory_space<vmem>> -> memref<50xi32, #tpu.memory_space<vmem>>
      %dma_wait3A_1116 = arith.constant 0 : i32
      %dma_wait3A_1117 = arith.constant 0 : i32
      %dma_wait3A_1118 = tpu.memref_slice %arg3[%dma_wait3A_1116, %dma_wait3A_1117] : memref<1000000x32xf32, #tpu.memory_space<hbm>> -> memref<1000000x32xf32, #tpu.memory_space<hbm>>
      tpu.wait_indirect_dma semaphore(%arg7 : memref<!tpu.dma_semaphore, #tpu.memory_space<semaphore_mem>>) src(%dma_wait3A_1118 : memref<1000000x32xf32, #tpu.memory_space<hbm>>) dst(%dma_wait3A_1111 : memref<50x32xf32, #tpu.memory_space<vmem>>)
      %mul3A_1119 = arith.constant 8 : i32
      %mul3A_1120 = arith.muli %scan3A_720, %mul3A_1119 : i32
      %add3A_1121 = arith.constant 7 : i32
      %add3A_1122 = arith.addi %mul3A_1120, %add3A_1121 : i32
      %jit3A_1123 = arith.constant 2 : i32
      %div3A_1124 = arith.divsi %add3A_1122, %jit3A_1123 : i32
      %sign3A_1125 = arith.constant 0 : i32
      %sign3A_1126 = arith.cmpi sgt, %add3A_1122, %sign3A_1125 : i32
      %sign3A_1127 = arith.extui %sign3A_1126 : i1 to i32
      %sign3A_1128 = arith.constant 0 : i32
      %sign3A_1129 = arith.cmpi slt, %add3A_1122, %sign3A_1128 : i32
      %sign3A_1130 = arith.extui %sign3A_1129 : i1 to i32
      %sign3A_1131 = arith.subi %sign3A_1127, %sign3A_1130 : i32
      %sign3A_1132 = arith.constant 0 : i32
      %sign3A_1133 = arith.cmpi sgt, %jit3A_1123, %sign3A_1132 : i32
      %sign3A_1134 = arith.extui %sign3A_1133 : i1 to i32
      %sign3A_1135 = arith.constant 0 : i32
      %sign3A_1136 = arith.cmpi slt, %jit3A_1123, %sign3A_1135 : i32
      %sign3A_1137 = arith.extui %sign3A_1136 : i1 to i32
      %sign3A_1138 = arith.subi %sign3A_1134, %sign3A_1137 : i32
      %ne3A_1139 = arith.cmpi ne, %sign3A_1131, %sign3A_1138 : i32
      %rem3A_1140 = arith.remsi %add3A_1122, %jit3A_1123 : i32
      %ne3A_1141 = arith.constant 0 : i32
      %ne3A_1142 = arith.cmpi ne, %rem3A_1140, %ne3A_1141 : i32
      %and3A_1143 = arith.andi %ne3A_1139, %ne3A_1142 : i1
      %sub3A_1144 = arith.constant 1 : i32
      %sub3A_1145 = arith.subi %div3A_1124, %sub3A_1144 : i32
      %select_n3A_1146 = arith.select %and3A_1143, %sub3A_1145, %div3A_1124 : i32
      %jit3A_1147 = arith.constant 2 : i32
      %eq3A_1148 = arith.constant 0 : i32
      %eq3A_1149 = arith.cmpi eq, %jit3A_1147, %eq3A_1148 : i32
      %jit3A_1150 = arith.constant 1 : i32
      %select_n3A_1151 = arith.select %eq3A_1149, %jit3A_1150, %jit3A_1147 : i32
      %rem3A_1152 = arith.remsi %add3A_1122, %select_n3A_1151 : i32
      %ne3A_1153 = arith.constant 0 : i32
      %ne3A_1154 = arith.cmpi ne, %rem3A_1152, %ne3A_1153 : i32
      %lt3A_1155 = arith.constant 0 : i32
      %lt3A_1156 = arith.cmpi slt, %rem3A_1152, %lt3A_1155 : i32
      %lt3A_1157 = arith.constant 0 : i32
      %lt3A_1158 = arith.cmpi slt, %select_n3A_1151, %lt3A_1157 : i32
      %ne3A_1159 = arith.xori %lt3A_1156, %lt3A_1158 : i1
      %and3A_1160 = arith.andi %ne3A_1159, %ne3A_1154 : i1
      %add3A_1161 = arith.addi %rem3A_1152, %select_n3A_1151 : i32
      %select_n3A_1162 = arith.select %and3A_1160, %add3A_1161, %rem3A_1152 : i32
      %mul3A_1163 = arith.constant 64 : i32
      %mul3A_1164 = arith.muli %select_n3A_1162, %mul3A_1163 : i32
      %dma_wait3A_1165 = arith.constant 7 : i32
      %dma_wait3A_1166 = arith.constant 0 : i32
      %dma_wait3A_1167 = arith.constant 0 : i32
      %dma_wait3A_1168 = tpu.memref_slice %arg6[%rem3A_721, %dma_wait3A_1165, %dma_wait3A_1166, %dma_wait3A_1167] : memref<6x8x50x32xf32, #tpu.memory_space<vmem>> -> memref<1x1x50x32xf32, #tpu.memory_space<vmem>>
      %dma_wait3A_1169 = tpu.memref_squeeze %dma_wait3A_1168 : memref<1x1x50x32xf32, #tpu.memory_space<vmem>> -> memref<50x32xf32, #tpu.memory_space<vmem>>
      %dma_wait3A_1170 = arith.constant 0 : i32
      %dma_wait3A_1171 = tpu.memref_slice %arg5[%select_n3A_1146, %dma_wait3A_1170] : memref<256x128xi32, #tpu.memory_space<vmem>> -> memref<1x128xi32, #tpu.memory_space<vmem>>
      %dma_wait3A_1172 = tpu.memref_squeeze %dma_wait3A_1171 : memref<1x128xi32, #tpu.memory_space<vmem>> -> memref<128xi32, #tpu.memory_space<vmem>>
      %dma_wait3A_1173 = tpu.memref_slice %dma_wait3A_1172[%mul3A_1164] : memref<128xi32, #tpu.memory_space<vmem>> -> memref<50xi32, #tpu.memory_space<vmem>>
      %dma_wait3A_1174 = arith.constant 0 : i32
      %dma_wait3A_1175 = arith.constant 0 : i32
      %dma_wait3A_1176 = tpu.memref_slice %arg3[%dma_wait3A_1174, %dma_wait3A_1175] : memref<1000000x32xf32, #tpu.memory_space<hbm>> -> memref<1000000x32xf32, #tpu.memory_space<hbm>>
      tpu.wait_indirect_dma semaphore(%arg7 : memref<!tpu.dma_semaphore, #tpu.memory_space<semaphore_mem>>) src(%dma_wait3A_1176 : memref<1000000x32xf32, #tpu.memory_space<hbm>>) dst(%dma_wait3A_1169 : memref<50x32xf32, #tpu.memory_space<vmem>>)
      %mul3A_1177 = arith.constant 8 : i32
      %mul3A_1178 = arith.muli %scan3A_720, %mul3A_1177 : i32
      %add3A_1179 = arith.addi %mul3A_2, %mul3A_1178 : i32
      %dma_start3A_1180 = arith.constant 0 : i32
      %dma_start3A_1181 = arith.constant 0 : i32
      %dma_start3A_1182 = arith.constant 0 : i32
      %dma_start3A_1183 = tpu.memref_slice %arg6[%rem3A_721, %dma_start3A_1180, %dma_start3A_1181, %dma_start3A_1182] : memref<6x8x50x32xf32, #tpu.memory_space<vmem>> -> memref<1x8x50x32xf32, #tpu.memory_space<vmem>>
      %dma_start3A_1184 = tpu.memref_squeeze %dma_start3A_1183 : memref<1x8x50x32xf32, #tpu.memory_space<vmem>> -> memref<8x50x32xf32, #tpu.memory_space<vmem>>
      %dma_start3A_1185 = arith.constant 0 : i32
      %dma_start3A_1186 = arith.constant 0 : i32
      %dma_start3A_1187 = tpu.memref_slice %arg4[%add3A_1179, %dma_start3A_1185, %dma_start3A_1186] : memref<16384x50x32xf32, #tpu.memory_space<hbm>> -> memref<8x50x32xf32, #tpu.memory_space<hbm>>
      %dma_start3A_1188 = arith.constant 0 : i32
      %dma_start3A_1189 = arith.constant 0 : i32
      %dma_start3A_1190 = tpu.memref_slice %arg4[%add3A_1179, %dma_start3A_1188, %dma_start3A_1189] : memref<16384x50x32xf32, #tpu.memory_space<hbm>> -> memref<8x50x32xf32, #tpu.memory_space<hbm>>
      %dma_start3A_1191 = arith.constant 0 : i32
      %dma_start3A_1192 = arith.constant 0 : i32
      %dma_start3A_1193 = arith.constant 0 : i32
      %dma_start3A_1194 = tpu.memref_slice %arg6[%rem3A_721, %dma_start3A_1191, %dma_start3A_1192, %dma_start3A_1193] : memref<6x8x50x32xf32, #tpu.memory_space<vmem>> -> memref<1x8x50x32xf32, #tpu.memory_space<vmem>>
      %dma_start3A_1195 = tpu.memref_squeeze %dma_start3A_1194 : memref<1x8x50x32xf32, #tpu.memory_space<vmem>> -> memref<8x50x32xf32, #tpu.memory_space<vmem>>
      tpu.enqueue_dma source(%dma_start3A_1195 : memref<8x50x32xf32, #tpu.memory_space<vmem>>) target(%dma_start3A_1190 : memref<8x50x32xf32, #tpu.memory_space<hbm>>) target_semaphore(%arg8 : memref<!tpu.dma_semaphore, #tpu.memory_space<semaphore_mem>>)
      %add3A_1196 = arith.constant 5 : i32
      %add3A_1197 = arith.addi %scan3A_720, %add3A_1196 : i32
      %lt3A_1198 = arith.constant 64 : i32
      %lt3A_1199 = arith.cmpi slt, %add3A_1197, %lt3A_1198 : i32
      %convert_element_type3A = arith.extui %lt3A_1199 : i1 to i32
      %cond3A = arith.constant 0 : i32
      %cond3A_1200 = arith.cmpi ne, %convert_element_type3A, %cond3A : i32
      scf.if %cond3A_1200 {
        %add3A_1201 = arith.constant 5 : i32
        %add3A_1202 = arith.addi %scan3A_720, %add3A_1201 : i32
        %rem3A_1203 = arith.constant 6 : i32
        %rem3A_1204 = arith.remsi %add3A_1202, %rem3A_1203 : i32
        %ge3A = arith.constant 6 : i32
        %ge3A_1205 = arith.cmpi sge, %add3A_1202, %ge3A : i32
        %convert_element_type3A_1206 = arith.extui %ge3A_1205 : i1 to i32
        %cond3A_1207 = arith.constant 0 : i32
        %cond3A_1208 = arith.cmpi ne, %convert_element_type3A_1206, %cond3A_1207 : i32
        scf.if %cond3A_1208 {
          %sub3A_1673 = arith.constant 6 : i32
          %sub3A_1674 = arith.subi %add3A_1202, %sub3A_1673 : i32
          %mul3A_1675 = arith.constant 8 : i32
          %mul3A_1676 = arith.muli %sub3A_1674, %mul3A_1675 : i32
          %add3A_1677 = arith.addi %mul3A_2, %mul3A_1676 : i32
          %dma_wait3A_1678 = arith.constant 0 : i32
          %dma_wait3A_1679 = arith.constant 0 : i32
          %dma_wait3A_1680 = arith.constant 0 : i32
          %dma_wait3A_1681 = tpu.memref_slice %arg6[%rem3A_1204, %dma_wait3A_1678, %dma_wait3A_1679, %dma_wait3A_1680] : memref<6x8x50x32xf32, #tpu.memory_space<vmem>> -> memref<1x8x50x32xf32, #tpu.memory_space<vmem>>
          %dma_wait3A_1682 = tpu.memref_squeeze %dma_wait3A_1681 : memref<1x8x50x32xf32, #tpu.memory_space<vmem>> -> memref<8x50x32xf32, #tpu.memory_space<vmem>>
          %dma_wait3A_1683 = arith.constant 0 : i32
          %dma_wait3A_1684 = arith.constant 0 : i32
          %dma_wait3A_1685 = tpu.memref_slice %arg4[%add3A_1677, %dma_wait3A_1683, %dma_wait3A_1684] : memref<16384x50x32xf32, #tpu.memory_space<hbm>> -> memref<8x50x32xf32, #tpu.memory_space<hbm>>
          %dma_wait3A_1686 = arith.constant 0 : i32
          %dma_wait3A_1687 = arith.constant 0 : i32
          %dma_wait3A_1688 = tpu.memref_slice %arg4[%add3A_1677, %dma_wait3A_1686, %dma_wait3A_1687] : memref<16384x50x32xf32, #tpu.memory_space<hbm>> -> memref<8x50x32xf32, #tpu.memory_space<hbm>>
          %dma_wait3A_1689 = arith.constant 0 : i32
          %dma_wait3A_1690 = arith.constant 0 : i32
          %dma_wait3A_1691 = arith.constant 0 : i32
          %dma_wait3A_1692 = tpu.memref_slice %arg6[%rem3A_1204, %dma_wait3A_1689, %dma_wait3A_1690, %dma_wait3A_1691] : memref<6x8x50x32xf32, #tpu.memory_space<vmem>> -> memref<1x8x50x32xf32, #tpu.memory_space<vmem>>
          %dma_wait3A_1693 = tpu.memref_squeeze %dma_wait3A_1692 : memref<1x8x50x32xf32, #tpu.memory_space<vmem>> -> memref<8x50x32xf32, #tpu.memory_space<vmem>>
          tpu.wait_dma2 semaphore(%arg8 : memref<!tpu.dma_semaphore, #tpu.memory_space<semaphore_mem>>) src(%dma_wait3A_1693 : memref<8x50x32xf32, #tpu.memory_space<vmem>>) dst(%dma_wait3A_1688 : memref<8x50x32xf32, #tpu.memory_space<hbm>>)
        } else {
        }
        %mul3A_1209 = arith.constant 8 : i32
        %mul3A_1210 = arith.muli %add3A_1202, %mul3A_1209 : i32
        %add3A_1211 = arith.constant 0 : i32
        %add3A_1212 = arith.addi %mul3A_1210, %add3A_1211 : i32
        %jit3A_1213 = arith.constant 2 : i32
        %div3A_1214 = arith.divsi %add3A_1212, %jit3A_1213 : i32
        %sign3A_1215 = arith.constant 0 : i32
        %sign3A_1216 = arith.cmpi sgt, %add3A_1212, %sign3A_1215 : i32
        %sign3A_1217 = arith.extui %sign3A_1216 : i1 to i32
        %sign3A_1218 = arith.constant 0 : i32
        %sign3A_1219 = arith.cmpi slt, %add3A_1212, %sign3A_1218 : i32
        %sign3A_1220 = arith.extui %sign3A_1219 : i1 to i32
        %sign3A_1221 = arith.subi %sign3A_1217, %sign3A_1220 : i32
        %sign3A_1222 = arith.constant 0 : i32
        %sign3A_1223 = arith.cmpi sgt, %jit3A_1213, %sign3A_1222 : i32
        %sign3A_1224 = arith.extui %sign3A_1223 : i1 to i32
        %sign3A_1225 = arith.constant 0 : i32
        %sign3A_1226 = arith.cmpi slt, %jit3A_1213, %sign3A_1225 : i32
        %sign3A_1227 = arith.extui %sign3A_1226 : i1 to i32
        %sign3A_1228 = arith.subi %sign3A_1224, %sign3A_1227 : i32
        %ne3A_1229 = arith.cmpi ne, %sign3A_1221, %sign3A_1228 : i32
        %rem3A_1230 = arith.remsi %add3A_1212, %jit3A_1213 : i32
        %ne3A_1231 = arith.constant 0 : i32
        %ne3A_1232 = arith.cmpi ne, %rem3A_1230, %ne3A_1231 : i32
        %and3A_1233 = arith.andi %ne3A_1229, %ne3A_1232 : i1
        %sub3A_1234 = arith.constant 1 : i32
        %sub3A_1235 = arith.subi %div3A_1214, %sub3A_1234 : i32
        %select_n3A_1236 = arith.select %and3A_1233, %sub3A_1235, %div3A_1214 : i32
        %jit3A_1237 = arith.constant 2 : i32
        %eq3A_1238 = arith.constant 0 : i32
        %eq3A_1239 = arith.cmpi eq, %jit3A_1237, %eq3A_1238 : i32
        %jit3A_1240 = arith.constant 1 : i32
        %select_n3A_1241 = arith.select %eq3A_1239, %jit3A_1240, %jit3A_1237 : i32
        %rem3A_1242 = arith.remsi %add3A_1212, %select_n3A_1241 : i32
        %ne3A_1243 = arith.constant 0 : i32
        %ne3A_1244 = arith.cmpi ne, %rem3A_1242, %ne3A_1243 : i32
        %lt3A_1245 = arith.constant 0 : i32
        %lt3A_1246 = arith.cmpi slt, %rem3A_1242, %lt3A_1245 : i32
        %lt3A_1247 = arith.constant 0 : i32
        %lt3A_1248 = arith.cmpi slt, %select_n3A_1241, %lt3A_1247 : i32
        %ne3A_1249 = arith.xori %lt3A_1246, %lt3A_1248 : i1
        %and3A_1250 = arith.andi %ne3A_1249, %ne3A_1244 : i1
        %add3A_1251 = arith.addi %rem3A_1242, %select_n3A_1241 : i32
        %select_n3A_1252 = arith.select %and3A_1250, %add3A_1251, %rem3A_1242 : i32
        %mul3A_1253 = arith.constant 64 : i32
        %mul3A_1254 = arith.muli %select_n3A_1252, %mul3A_1253 : i32
        %dma_start3A_1255 = arith.constant 0 : i32
        %dma_start3A_1256 = arith.constant 0 : i32
        %dma_start3A_1257 = arith.constant 0 : i32
        %dma_start3A_1258 = tpu.memref_slice %arg6[%rem3A_1204, %dma_start3A_1255, %dma_start3A_1256, %dma_start3A_1257] : memref<6x8x50x32xf32, #tpu.memory_space<vmem>> -> memref<1x1x50x32xf32, #tpu.memory_space<vmem>>
        %dma_start3A_1259 = tpu.memref_squeeze %dma_start3A_1258 : memref<1x1x50x32xf32, #tpu.memory_space<vmem>> -> memref<50x32xf32, #tpu.memory_space<vmem>>
        %dma_start3A_1260 = arith.constant 0 : i32
        %dma_start3A_1261 = tpu.memref_slice %arg5[%select_n3A_1236, %dma_start3A_1260] : memref<256x128xi32, #tpu.memory_space<vmem>> -> memref<1x128xi32, #tpu.memory_space<vmem>>
        %dma_start3A_1262 = tpu.memref_squeeze %dma_start3A_1261 : memref<1x128xi32, #tpu.memory_space<vmem>> -> memref<128xi32, #tpu.memory_space<vmem>>
        %dma_start3A_1263 = tpu.memref_slice %dma_start3A_1262[%mul3A_1254] : memref<128xi32, #tpu.memory_space<vmem>> -> memref<50xi32, #tpu.memory_space<vmem>>
        %dma_start3A_1264 = arith.constant 0 : i32
        %dma_start3A_1265 = arith.constant 0 : i32
        %dma_start3A_1266 = tpu.memref_slice %arg3[%dma_start3A_1264, %dma_start3A_1265] : memref<1000000x32xf32, #tpu.memory_space<hbm>> -> memref<1000000x32xf32, #tpu.memory_space<hbm>>
        tpu.enqueue_indirect_dma source(%dma_start3A_1266 : memref<1000000x32xf32, #tpu.memory_space<hbm>>) target(%dma_start3A_1259 : memref<50x32xf32, #tpu.memory_space<vmem>>) offsets(%dma_start3A_1263 : memref<50xi32, #tpu.memory_space<vmem>>) semaphore(%arg7 : memref<!tpu.dma_semaphore, #tpu.memory_space<semaphore_mem>>)
        %mul3A_1267 = arith.constant 8 : i32
        %mul3A_1268 = arith.muli %add3A_1202, %mul3A_1267 : i32
        %add3A_1269 = arith.constant 1 : i32
        %add3A_1270 = arith.addi %mul3A_1268, %add3A_1269 : i32
        %jit3A_1271 = arith.constant 2 : i32
        %div3A_1272 = arith.divsi %add3A_1270, %jit3A_1271 : i32
        %sign3A_1273 = arith.constant 0 : i32
        %sign3A_1274 = arith.cmpi sgt, %add3A_1270, %sign3A_1273 : i32
        %sign3A_1275 = arith.extui %sign3A_1274 : i1 to i32
        %sign3A_1276 = arith.constant 0 : i32
        %sign3A_1277 = arith.cmpi slt, %add3A_1270, %sign3A_1276 : i32
        %sign3A_1278 = arith.extui %sign3A_1277 : i1 to i32
        %sign3A_1279 = arith.subi %sign3A_1275, %sign3A_1278 : i32
        %sign3A_1280 = arith.constant 0 : i32
        %sign3A_1281 = arith.cmpi sgt, %jit3A_1271, %sign3A_1280 : i32
        %sign3A_1282 = arith.extui %sign3A_1281 : i1 to i32
        %sign3A_1283 = arith.constant 0 : i32
        %sign3A_1284 = arith.cmpi slt, %jit3A_1271, %sign3A_1283 : i32
        %sign3A_1285 = arith.extui %sign3A_1284 : i1 to i32
        %sign3A_1286 = arith.subi %sign3A_1282, %sign3A_1285 : i32
        %ne3A_1287 = arith.cmpi ne, %sign3A_1279, %sign3A_1286 : i32
        %rem3A_1288 = arith.remsi %add3A_1270, %jit3A_1271 : i32
        %ne3A_1289 = arith.constant 0 : i32
        %ne3A_1290 = arith.cmpi ne, %rem3A_1288, %ne3A_1289 : i32
        %and3A_1291 = arith.andi %ne3A_1287, %ne3A_1290 : i1
        %sub3A_1292 = arith.constant 1 : i32
        %sub3A_1293 = arith.subi %div3A_1272, %sub3A_1292 : i32
        %select_n3A_1294 = arith.select %and3A_1291, %sub3A_1293, %div3A_1272 : i32
        %jit3A_1295 = arith.constant 2 : i32
        %eq3A_1296 = arith.constant 0 : i32
        %eq3A_1297 = arith.cmpi eq, %jit3A_1295, %eq3A_1296 : i32
        %jit3A_1298 = arith.constant 1 : i32
        %select_n3A_1299 = arith.select %eq3A_1297, %jit3A_1298, %jit3A_1295 : i32
        %rem3A_1300 = arith.remsi %add3A_1270, %select_n3A_1299 : i32
        %ne3A_1301 = arith.constant 0 : i32
        %ne3A_1302 = arith.cmpi ne, %rem3A_1300, %ne3A_1301 : i32
        %lt3A_1303 = arith.constant 0 : i32
        %lt3A_1304 = arith.cmpi slt, %rem3A_1300, %lt3A_1303 : i32
        %lt3A_1305 = arith.constant 0 : i32
        %lt3A_1306 = arith.cmpi slt, %select_n3A_1299, %lt3A_1305 : i32
        %ne3A_1307 = arith.xori %lt3A_1304, %lt3A_1306 : i1
        %and3A_1308 = arith.andi %ne3A_1307, %ne3A_1302 : i1
        %add3A_1309 = arith.addi %rem3A_1300, %select_n3A_1299 : i32
        %select_n3A_1310 = arith.select %and3A_1308, %add3A_1309, %rem3A_1300 : i32
        %mul3A_1311 = arith.constant 64 : i32
        %mul3A_1312 = arith.muli %select_n3A_1310, %mul3A_1311 : i32
        %dma_start3A_1313 = arith.constant 1 : i32
        %dma_start3A_1314 = arith.constant 0 : i32
        %dma_start3A_1315 = arith.constant 0 : i32
        %dma_start3A_1316 = tpu.memref_slice %arg6[%rem3A_1204, %dma_start3A_1313, %dma_start3A_1314, %dma_start3A_1315] : memref<6x8x50x32xf32, #tpu.memory_space<vmem>> -> memref<1x1x50x32xf32, #tpu.memory_space<vmem>>
        %dma_start3A_1317 = tpu.memref_squeeze %dma_start3A_1316 : memref<1x1x50x32xf32, #tpu.memory_space<vmem>> -> memref<50x32xf32, #tpu.memory_space<vmem>>
        %dma_start3A_1318 = arith.constant 0 : i32
        %dma_start3A_1319 = tpu.memref_slice %arg5[%select_n3A_1294, %dma_start3A_1318] : memref<256x128xi32, #tpu.memory_space<vmem>> -> memref<1x128xi32, #tpu.memory_space<vmem>>
        %dma_start3A_1320 = tpu.memref_squeeze %dma_start3A_1319 : memref<1x128xi32, #tpu.memory_space<vmem>> -> memref<128xi32, #tpu.memory_space<vmem>>
        %dma_start3A_1321 = tpu.memref_slice %dma_start3A_1320[%mul3A_1312] : memref<128xi32, #tpu.memory_space<vmem>> -> memref<50xi32, #tpu.memory_space<vmem>>
        %dma_start3A_1322 = arith.constant 0 : i32
        %dma_start3A_1323 = arith.constant 0 : i32
        %dma_start3A_1324 = tpu.memref_slice %arg3[%dma_start3A_1322, %dma_start3A_1323] : memref<1000000x32xf32, #tpu.memory_space<hbm>> -> memref<1000000x32xf32, #tpu.memory_space<hbm>>
        tpu.enqueue_indirect_dma source(%dma_start3A_1324 : memref<1000000x32xf32, #tpu.memory_space<hbm>>) target(%dma_start3A_1317 : memref<50x32xf32, #tpu.memory_space<vmem>>) offsets(%dma_start3A_1321 : memref<50xi32, #tpu.memory_space<vmem>>) semaphore(%arg7 : memref<!tpu.dma_semaphore, #tpu.memory_space<semaphore_mem>>)
        %mul3A_1325 = arith.constant 8 : i32
        %mul3A_1326 = arith.muli %add3A_1202, %mul3A_1325 : i32
        %add3A_1327 = arith.constant 2 : i32
        %add3A_1328 = arith.addi %mul3A_1326, %add3A_1327 : i32
        %jit3A_1329 = arith.constant 2 : i32
        %div3A_1330 = arith.divsi %add3A_1328, %jit3A_1329 : i32
        %sign3A_1331 = arith.constant 0 : i32
        %sign3A_1332 = arith.cmpi sgt, %add3A_1328, %sign3A_1331 : i32
        %sign3A_1333 = arith.extui %sign3A_1332 : i1 to i32
        %sign3A_1334 = arith.constant 0 : i32
        %sign3A_1335 = arith.cmpi slt, %add3A_1328, %sign3A_1334 : i32
        %sign3A_1336 = arith.extui %sign3A_1335 : i1 to i32
        %sign3A_1337 = arith.subi %sign3A_1333, %sign3A_1336 : i32
        %sign3A_1338 = arith.constant 0 : i32
        %sign3A_1339 = arith.cmpi sgt, %jit3A_1329, %sign3A_1338 : i32
        %sign3A_1340 = arith.extui %sign3A_1339 : i1 to i32
        %sign3A_1341 = arith.constant 0 : i32
        %sign3A_1342 = arith.cmpi slt, %jit3A_1329, %sign3A_1341 : i32
        %sign3A_1343 = arith.extui %sign3A_1342 : i1 to i32
        %sign3A_1344 = arith.subi %sign3A_1340, %sign3A_1343 : i32
        %ne3A_1345 = arith.cmpi ne, %sign3A_1337, %sign3A_1344 : i32
        %rem3A_1346 = arith.remsi %add3A_1328, %jit3A_1329 : i32
        %ne3A_1347 = arith.constant 0 : i32
        %ne3A_1348 = arith.cmpi ne, %rem3A_1346, %ne3A_1347 : i32
        %and3A_1349 = arith.andi %ne3A_1345, %ne3A_1348 : i1
        %sub3A_1350 = arith.constant 1 : i32
        %sub3A_1351 = arith.subi %div3A_1330, %sub3A_1350 : i32
        %select_n3A_1352 = arith.select %and3A_1349, %sub3A_1351, %div3A_1330 : i32
        %jit3A_1353 = arith.constant 2 : i32
        %eq3A_1354 = arith.constant 0 : i32
        %eq3A_1355 = arith.cmpi eq, %jit3A_1353, %eq3A_1354 : i32
        %jit3A_1356 = arith.constant 1 : i32
        %select_n3A_1357 = arith.select %eq3A_1355, %jit3A_1356, %jit3A_1353 : i32
        %rem3A_1358 = arith.remsi %add3A_1328, %select_n3A_1357 : i32
        %ne3A_1359 = arith.constant 0 : i32
        %ne3A_1360 = arith.cmpi ne, %rem3A_1358, %ne3A_1359 : i32
        %lt3A_1361 = arith.constant 0 : i32
        %lt3A_1362 = arith.cmpi slt, %rem3A_1358, %lt3A_1361 : i32
        %lt3A_1363 = arith.constant 0 : i32
        %lt3A_1364 = arith.cmpi slt, %select_n3A_1357, %lt3A_1363 : i32
        %ne3A_1365 = arith.xori %lt3A_1362, %lt3A_1364 : i1
        %and3A_1366 = arith.andi %ne3A_1365, %ne3A_1360 : i1
        %add3A_1367 = arith.addi %rem3A_1358, %select_n3A_1357 : i32
        %select_n3A_1368 = arith.select %and3A_1366, %add3A_1367, %rem3A_1358 : i32
        %mul3A_1369 = arith.constant 64 : i32
        %mul3A_1370 = arith.muli %select_n3A_1368, %mul3A_1369 : i32
        %dma_start3A_1371 = arith.constant 2 : i32
        %dma_start3A_1372 = arith.constant 0 : i32
        %dma_start3A_1373 = arith.constant 0 : i32
        %dma_start3A_1374 = tpu.memref_slice %arg6[%rem3A_1204, %dma_start3A_1371, %dma_start3A_1372, %dma_start3A_1373] : memref<6x8x50x32xf32, #tpu.memory_space<vmem>> -> memref<1x1x50x32xf32, #tpu.memory_space<vmem>>
        %dma_start3A_1375 = tpu.memref_squeeze %dma_start3A_1374 : memref<1x1x50x32xf32, #tpu.memory_space<vmem>> -> memref<50x32xf32, #tpu.memory_space<vmem>>
        %dma_start3A_1376 = arith.constant 0 : i32
        %dma_start3A_1377 = tpu.memref_slice %arg5[%select_n3A_1352, %dma_start3A_1376] : memref<256x128xi32, #tpu.memory_space<vmem>> -> memref<1x128xi32, #tpu.memory_space<vmem>>
        %dma_start3A_1378 = tpu.memref_squeeze %dma_start3A_1377 : memref<1x128xi32, #tpu.memory_space<vmem>> -> memref<128xi32, #tpu.memory_space<vmem>>
        %dma_start3A_1379 = tpu.memref_slice %dma_start3A_1378[%mul3A_1370] : memref<128xi32, #tpu.memory_space<vmem>> -> memref<50xi32, #tpu.memory_space<vmem>>
        %dma_start3A_1380 = arith.constant 0 : i32
        %dma_start3A_1381 = arith.constant 0 : i32
        %dma_start3A_1382 = tpu.memref_slice %arg3[%dma_start3A_1380, %dma_start3A_1381] : memref<1000000x32xf32, #tpu.memory_space<hbm>> -> memref<1000000x32xf32, #tpu.memory_space<hbm>>
        tpu.enqueue_indirect_dma source(%dma_start3A_1382 : memref<1000000x32xf32, #tpu.memory_space<hbm>>) target(%dma_start3A_1375 : memref<50x32xf32, #tpu.memory_space<vmem>>) offsets(%dma_start3A_1379 : memref<50xi32, #tpu.memory_space<vmem>>) semaphore(%arg7 : memref<!tpu.dma_semaphore, #tpu.memory_space<semaphore_mem>>)
        %mul3A_1383 = arith.constant 8 : i32
        %mul3A_1384 = arith.muli %add3A_1202, %mul3A_1383 : i32
        %add3A_1385 = arith.constant 3 : i32
        %add3A_1386 = arith.addi %mul3A_1384, %add3A_1385 : i32
        %jit3A_1387 = arith.constant 2 : i32
        %div3A_1388 = arith.divsi %add3A_1386, %jit3A_1387 : i32
        %sign3A_1389 = arith.constant 0 : i32
        %sign3A_1390 = arith.cmpi sgt, %add3A_1386, %sign3A_1389 : i32
        %sign3A_1391 = arith.extui %sign3A_1390 : i1 to i32
        %sign3A_1392 = arith.constant 0 : i32
        %sign3A_1393 = arith.cmpi slt, %add3A_1386, %sign3A_1392 : i32
        %sign3A_1394 = arith.extui %sign3A_1393 : i1 to i32
        %sign3A_1395 = arith.subi %sign3A_1391, %sign3A_1394 : i32
        %sign3A_1396 = arith.constant 0 : i32
        %sign3A_1397 = arith.cmpi sgt, %jit3A_1387, %sign3A_1396 : i32
        %sign3A_1398 = arith.extui %sign3A_1397 : i1 to i32
        %sign3A_1399 = arith.constant 0 : i32
        %sign3A_1400 = arith.cmpi slt, %jit3A_1387, %sign3A_1399 : i32
        %sign3A_1401 = arith.extui %sign3A_1400 : i1 to i32
        %sign3A_1402 = arith.subi %sign3A_1398, %sign3A_1401 : i32
        %ne3A_1403 = arith.cmpi ne, %sign3A_1395, %sign3A_1402 : i32
        %rem3A_1404 = arith.remsi %add3A_1386, %jit3A_1387 : i32
        %ne3A_1405 = arith.constant 0 : i32
        %ne3A_1406 = arith.cmpi ne, %rem3A_1404, %ne3A_1405 : i32
        %and3A_1407 = arith.andi %ne3A_1403, %ne3A_1406 : i1
        %sub3A_1408 = arith.constant 1 : i32
        %sub3A_1409 = arith.subi %div3A_1388, %sub3A_1408 : i32
        %select_n3A_1410 = arith.select %and3A_1407, %sub3A_1409, %div3A_1388 : i32
        %jit3A_1411 = arith.constant 2 : i32
        %eq3A_1412 = arith.constant 0 : i32
        %eq3A_1413 = arith.cmpi eq, %jit3A_1411, %eq3A_1412 : i32
        %jit3A_1414 = arith.constant 1 : i32
        %select_n3A_1415 = arith.select %eq3A_1413, %jit3A_1414, %jit3A_1411 : i32
        %rem3A_1416 = arith.remsi %add3A_1386, %select_n3A_1415 : i32
        %ne3A_1417 = arith.constant 0 : i32
        %ne3A_1418 = arith.cmpi ne, %rem3A_1416, %ne3A_1417 : i32
        %lt3A_1419 = arith.constant 0 : i32
        %lt3A_1420 = arith.cmpi slt, %rem3A_1416, %lt3A_1419 : i32
        %lt3A_1421 = arith.constant 0 : i32
        %lt3A_1422 = arith.cmpi slt, %select_n3A_1415, %lt3A_1421 : i32
        %ne3A_1423 = arith.xori %lt3A_1420, %lt3A_1422 : i1
        %and3A_1424 = arith.andi %ne3A_1423, %ne3A_1418 : i1
        %add3A_1425 = arith.addi %rem3A_1416, %select_n3A_1415 : i32
        %select_n3A_1426 = arith.select %and3A_1424, %add3A_1425, %rem3A_1416 : i32
        %mul3A_1427 = arith.constant 64 : i32
        %mul3A_1428 = arith.muli %select_n3A_1426, %mul3A_1427 : i32
        %dma_start3A_1429 = arith.constant 3 : i32
        %dma_start3A_1430 = arith.constant 0 : i32
        %dma_start3A_1431 = arith.constant 0 : i32
        %dma_start3A_1432 = tpu.memref_slice %arg6[%rem3A_1204, %dma_start3A_1429, %dma_start3A_1430, %dma_start3A_1431] : memref<6x8x50x32xf32, #tpu.memory_space<vmem>> -> memref<1x1x50x32xf32, #tpu.memory_space<vmem>>
        %dma_start3A_1433 = tpu.memref_squeeze %dma_start3A_1432 : memref<1x1x50x32xf32, #tpu.memory_space<vmem>> -> memref<50x32xf32, #tpu.memory_space<vmem>>
        %dma_start3A_1434 = arith.constant 0 : i32
        %dma_start3A_1435 = tpu.memref_slice %arg5[%select_n3A_1410, %dma_start3A_1434] : memref<256x128xi32, #tpu.memory_space<vmem>> -> memref<1x128xi32, #tpu.memory_space<vmem>>
        %dma_start3A_1436 = tpu.memref_squeeze %dma_start3A_1435 : memref<1x128xi32, #tpu.memory_space<vmem>> -> memref<128xi32, #tpu.memory_space<vmem>>
        %dma_start3A_1437 = tpu.memref_slice %dma_start3A_1436[%mul3A_1428] : memref<128xi32, #tpu.memory_space<vmem>> -> memref<50xi32, #tpu.memory_space<vmem>>
        %dma_start3A_1438 = arith.constant 0 : i32
        %dma_start3A_1439 = arith.constant 0 : i32
        %dma_start3A_1440 = tpu.memref_slice %arg3[%dma_start3A_1438, %dma_start3A_1439] : memref<1000000x32xf32, #tpu.memory_space<hbm>> -> memref<1000000x32xf32, #tpu.memory_space<hbm>>
        tpu.enqueue_indirect_dma source(%dma_start3A_1440 : memref<1000000x32xf32, #tpu.memory_space<hbm>>) target(%dma_start3A_1433 : memref<50x32xf32, #tpu.memory_space<vmem>>) offsets(%dma_start3A_1437 : memref<50xi32, #tpu.memory_space<vmem>>) semaphore(%arg7 : memref<!tpu.dma_semaphore, #tpu.memory_space<semaphore_mem>>)
        %mul3A_1441 = arith.constant 8 : i32
        %mul3A_1442 = arith.muli %add3A_1202, %mul3A_1441 : i32
        %add3A_1443 = arith.constant 4 : i32
        %add3A_1444 = arith.addi %mul3A_1442, %add3A_1443 : i32
        %jit3A_1445 = arith.constant 2 : i32
        %div3A_1446 = arith.divsi %add3A_1444, %jit3A_1445 : i32
        %sign3A_1447 = arith.constant 0 : i32
        %sign3A_1448 = arith.cmpi sgt, %add3A_1444, %sign3A_1447 : i32
        %sign3A_1449 = arith.extui %sign3A_1448 : i1 to i32
        %sign3A_1450 = arith.constant 0 : i32
        %sign3A_1451 = arith.cmpi slt, %add3A_1444, %sign3A_1450 : i32
        %sign3A_1452 = arith.extui %sign3A_1451 : i1 to i32
        %sign3A_1453 = arith.subi %sign3A_1449, %sign3A_1452 : i32
        %sign3A_1454 = arith.constant 0 : i32
        %sign3A_1455 = arith.cmpi sgt, %jit3A_1445, %sign3A_1454 : i32
        %sign3A_1456 = arith.extui %sign3A_1455 : i1 to i32
        %sign3A_1457 = arith.constant 0 : i32
        %sign3A_1458 = arith.cmpi slt, %jit3A_1445, %sign3A_1457 : i32
        %sign3A_1459 = arith.extui %sign3A_1458 : i1 to i32
        %sign3A_1460 = arith.subi %sign3A_1456, %sign3A_1459 : i32
        %ne3A_1461 = arith.cmpi ne, %sign3A_1453, %sign3A_1460 : i32
        %rem3A_1462 = arith.remsi %add3A_1444, %jit3A_1445 : i32
        %ne3A_1463 = arith.constant 0 : i32
        %ne3A_1464 = arith.cmpi ne, %rem3A_1462, %ne3A_1463 : i32
        %and3A_1465 = arith.andi %ne3A_1461, %ne3A_1464 : i1
        %sub3A_1466 = arith.constant 1 : i32
        %sub3A_1467 = arith.subi %div3A_1446, %sub3A_1466 : i32
        %select_n3A_1468 = arith.select %and3A_1465, %sub3A_1467, %div3A_1446 : i32
        %jit3A_1469 = arith.constant 2 : i32
        %eq3A_1470 = arith.constant 0 : i32
        %eq3A_1471 = arith.cmpi eq, %jit3A_1469, %eq3A_1470 : i32
        %jit3A_1472 = arith.constant 1 : i32
        %select_n3A_1473 = arith.select %eq3A_1471, %jit3A_1472, %jit3A_1469 : i32
        %rem3A_1474 = arith.remsi %add3A_1444, %select_n3A_1473 : i32
        %ne3A_1475 = arith.constant 0 : i32
        %ne3A_1476 = arith.cmpi ne, %rem3A_1474, %ne3A_1475 : i32
        %lt3A_1477 = arith.constant 0 : i32
        %lt3A_1478 = arith.cmpi slt, %rem3A_1474, %lt3A_1477 : i32
        %lt3A_1479 = arith.constant 0 : i32
        %lt3A_1480 = arith.cmpi slt, %select_n3A_1473, %lt3A_1479 : i32
        %ne3A_1481 = arith.xori %lt3A_1478, %lt3A_1480 : i1
        %and3A_1482 = arith.andi %ne3A_1481, %ne3A_1476 : i1
        %add3A_1483 = arith.addi %rem3A_1474, %select_n3A_1473 : i32
        %select_n3A_1484 = arith.select %and3A_1482, %add3A_1483, %rem3A_1474 : i32
        %mul3A_1485 = arith.constant 64 : i32
        %mul3A_1486 = arith.muli %select_n3A_1484, %mul3A_1485 : i32
        %dma_start3A_1487 = arith.constant 4 : i32
        %dma_start3A_1488 = arith.constant 0 : i32
        %dma_start3A_1489 = arith.constant 0 : i32
        %dma_start3A_1490 = tpu.memref_slice %arg6[%rem3A_1204, %dma_start3A_1487, %dma_start3A_1488, %dma_start3A_1489] : memref<6x8x50x32xf32, #tpu.memory_space<vmem>> -> memref<1x1x50x32xf32, #tpu.memory_space<vmem>>
        %dma_start3A_1491 = tpu.memref_squeeze %dma_start3A_1490 : memref<1x1x50x32xf32, #tpu.memory_space<vmem>> -> memref<50x32xf32, #tpu.memory_space<vmem>>
        %dma_start3A_1492 = arith.constant 0 : i32
        %dma_start3A_1493 = tpu.memref_slice %arg5[%select_n3A_1468, %dma_start3A_1492] : memref<256x128xi32, #tpu.memory_space<vmem>> -> memref<1x128xi32, #tpu.memory_space<vmem>>
        %dma_start3A_1494 = tpu.memref_squeeze %dma_start3A_1493 : memref<1x128xi32, #tpu.memory_space<vmem>> -> memref<128xi32, #tpu.memory_space<vmem>>
        %dma_start3A_1495 = tpu.memref_slice %dma_start3A_1494[%mul3A_1486] : memref<128xi32, #tpu.memory_space<vmem>> -> memref<50xi32, #tpu.memory_space<vmem>>
        %dma_start3A_1496 = arith.constant 0 : i32
        %dma_start3A_1497 = arith.constant 0 : i32
        %dma_start3A_1498 = tpu.memref_slice %arg3[%dma_start3A_1496, %dma_start3A_1497] : memref<1000000x32xf32, #tpu.memory_space<hbm>> -> memref<1000000x32xf32, #tpu.memory_space<hbm>>
        tpu.enqueue_indirect_dma source(%dma_start3A_1498 : memref<1000000x32xf32, #tpu.memory_space<hbm>>) target(%dma_start3A_1491 : memref<50x32xf32, #tpu.memory_space<vmem>>) offsets(%dma_start3A_1495 : memref<50xi32, #tpu.memory_space<vmem>>) semaphore(%arg7 : memref<!tpu.dma_semaphore, #tpu.memory_space<semaphore_mem>>)
        %mul3A_1499 = arith.constant 8 : i32
        %mul3A_1500 = arith.muli %add3A_1202, %mul3A_1499 : i32
        %add3A_1501 = arith.constant 5 : i32
        %add3A_1502 = arith.addi %mul3A_1500, %add3A_1501 : i32
        %jit3A_1503 = arith.constant 2 : i32
        %div3A_1504 = arith.divsi %add3A_1502, %jit3A_1503 : i32
        %sign3A_1505 = arith.constant 0 : i32
        %sign3A_1506 = arith.cmpi sgt, %add3A_1502, %sign3A_1505 : i32
        %sign3A_1507 = arith.extui %sign3A_1506 : i1 to i32
        %sign3A_1508 = arith.constant 0 : i32
        %sign3A_1509 = arith.cmpi slt, %add3A_1502, %sign3A_1508 : i32
        %sign3A_1510 = arith.extui %sign3A_1509 : i1 to i32
        %sign3A_1511 = arith.subi %sign3A_1507, %sign3A_1510 : i32
        %sign3A_1512 = arith.constant 0 : i32
        %sign3A_1513 = arith.cmpi sgt, %jit3A_1503, %sign3A_1512 : i32
        %sign3A_1514 = arith.extui %sign3A_1513 : i1 to i32
        %sign3A_1515 = arith.constant 0 : i32
        %sign3A_1516 = arith.cmpi slt, %jit3A_1503, %sign3A_1515 : i32
        %sign3A_1517 = arith.extui %sign3A_1516 : i1 to i32
        %sign3A_1518 = arith.subi %sign3A_1514, %sign3A_1517 : i32
        %ne3A_1519 = arith.cmpi ne, %sign3A_1511, %sign3A_1518 : i32
        %rem3A_1520 = arith.remsi %add3A_1502, %jit3A_1503 : i32
        %ne3A_1521 = arith.constant 0 : i32
        %ne3A_1522 = arith.cmpi ne, %rem3A_1520, %ne3A_1521 : i32
        %and3A_1523 = arith.andi %ne3A_1519, %ne3A_1522 : i1
        %sub3A_1524 = arith.constant 1 : i32
        %sub3A_1525 = arith.subi %div3A_1504, %sub3A_1524 : i32
        %select_n3A_1526 = arith.select %and3A_1523, %sub3A_1525, %div3A_1504 : i32
        %jit3A_1527 = arith.constant 2 : i32
        %eq3A_1528 = arith.constant 0 : i32
        %eq3A_1529 = arith.cmpi eq, %jit3A_1527, %eq3A_1528 : i32
        %jit3A_1530 = arith.constant 1 : i32
        %select_n3A_1531 = arith.select %eq3A_1529, %jit3A_1530, %jit3A_1527 : i32
        %rem3A_1532 = arith.remsi %add3A_1502, %select_n3A_1531 : i32
        %ne3A_1533 = arith.constant 0 : i32
        %ne3A_1534 = arith.cmpi ne, %rem3A_1532, %ne3A_1533 : i32
        %lt3A_1535 = arith.constant 0 : i32
        %lt3A_1536 = arith.cmpi slt, %rem3A_1532, %lt3A_1535 : i32
        %lt3A_1537 = arith.constant 0 : i32
        %lt3A_1538 = arith.cmpi slt, %select_n3A_1531, %lt3A_1537 : i32
        %ne3A_1539 = arith.xori %lt3A_1536, %lt3A_1538 : i1
        %and3A_1540 = arith.andi %ne3A_1539, %ne3A_1534 : i1
        %add3A_1541 = arith.addi %rem3A_1532, %select_n3A_1531 : i32
        %select_n3A_1542 = arith.select %and3A_1540, %add3A_1541, %rem3A_1532 : i32
        %mul3A_1543 = arith.constant 64 : i32
        %mul3A_1544 = arith.muli %select_n3A_1542, %mul3A_1543 : i32
        %dma_start3A_1545 = arith.constant 5 : i32
        %dma_start3A_1546 = arith.constant 0 : i32
        %dma_start3A_1547 = arith.constant 0 : i32
        %dma_start3A_1548 = tpu.memref_slice %arg6[%rem3A_1204, %dma_start3A_1545, %dma_start3A_1546, %dma_start3A_1547] : memref<6x8x50x32xf32, #tpu.memory_space<vmem>> -> memref<1x1x50x32xf32, #tpu.memory_space<vmem>>
        %dma_start3A_1549 = tpu.memref_squeeze %dma_start3A_1548 : memref<1x1x50x32xf32, #tpu.memory_space<vmem>> -> memref<50x32xf32, #tpu.memory_space<vmem>>
        %dma_start3A_1550 = arith.constant 0 : i32
        %dma_start3A_1551 = tpu.memref_slice %arg5[%select_n3A_1526, %dma_start3A_1550] : memref<256x128xi32, #tpu.memory_space<vmem>> -> memref<1x128xi32, #tpu.memory_space<vmem>>
        %dma_start3A_1552 = tpu.memref_squeeze %dma_start3A_1551 : memref<1x128xi32, #tpu.memory_space<vmem>> -> memref<128xi32, #tpu.memory_space<vmem>>
        %dma_start3A_1553 = tpu.memref_slice %dma_start3A_1552[%mul3A_1544] : memref<128xi32, #tpu.memory_space<vmem>> -> memref<50xi32, #tpu.memory_space<vmem>>
        %dma_start3A_1554 = arith.constant 0 : i32
        %dma_start3A_1555 = arith.constant 0 : i32
        %dma_start3A_1556 = tpu.memref_slice %arg3[%dma_start3A_1554, %dma_start3A_1555] : memref<1000000x32xf32, #tpu.memory_space<hbm>> -> memref<1000000x32xf32, #tpu.memory_space<hbm>>
        tpu.enqueue_indirect_dma source(%dma_start3A_1556 : memref<1000000x32xf32, #tpu.memory_space<hbm>>) target(%dma_start3A_1549 : memref<50x32xf32, #tpu.memory_space<vmem>>) offsets(%dma_start3A_1553 : memref<50xi32, #tpu.memory_space<vmem>>) semaphore(%arg7 : memref<!tpu.dma_semaphore, #tpu.memory_space<semaphore_mem>>)
        %mul3A_1557 = arith.constant 8 : i32
        %mul3A_1558 = arith.muli %add3A_1202, %mul3A_1557 : i32
        %add3A_1559 = arith.constant 6 : i32
        %add3A_1560 = arith.addi %mul3A_1558, %add3A_1559 : i32
        %jit3A_1561 = arith.constant 2 : i32
        %div3A_1562 = arith.divsi %add3A_1560, %jit3A_1561 : i32
        %sign3A_1563 = arith.constant 0 : i32
        %sign3A_1564 = arith.cmpi sgt, %add3A_1560, %sign3A_1563 : i32
        %sign3A_1565 = arith.extui %sign3A_1564 : i1 to i32
        %sign3A_1566 = arith.constant 0 : i32
        %sign3A_1567 = arith.cmpi slt, %add3A_1560, %sign3A_1566 : i32
        %sign3A_1568 = arith.extui %sign3A_1567 : i1 to i32
        %sign3A_1569 = arith.subi %sign3A_1565, %sign3A_1568 : i32
        %sign3A_1570 = arith.constant 0 : i32
        %sign3A_1571 = arith.cmpi sgt, %jit3A_1561, %sign3A_1570 : i32
        %sign3A_1572 = arith.extui %sign3A_1571 : i1 to i32
        %sign3A_1573 = arith.constant 0 : i32
        %sign3A_1574 = arith.cmpi slt, %jit3A_1561, %sign3A_1573 : i32
        %sign3A_1575 = arith.extui %sign3A_1574 : i1 to i32
        %sign3A_1576 = arith.subi %sign3A_1572, %sign3A_1575 : i32
        %ne3A_1577 = arith.cmpi ne, %sign3A_1569, %sign3A_1576 : i32
        %rem3A_1578 = arith.remsi %add3A_1560, %jit3A_1561 : i32
        %ne3A_1579 = arith.constant 0 : i32
        %ne3A_1580 = arith.cmpi ne, %rem3A_1578, %ne3A_1579 : i32
        %and3A_1581 = arith.andi %ne3A_1577, %ne3A_1580 : i1
        %sub3A_1582 = arith.constant 1 : i32
        %sub3A_1583 = arith.subi %div3A_1562, %sub3A_1582 : i32
        %select_n3A_1584 = arith.select %and3A_1581, %sub3A_1583, %div3A_1562 : i32
        %jit3A_1585 = arith.constant 2 : i32
        %eq3A_1586 = arith.constant 0 : i32
        %eq3A_1587 = arith.cmpi eq, %jit3A_1585, %eq3A_1586 : i32
        %jit3A_1588 = arith.constant 1 : i32
        %select_n3A_1589 = arith.select %eq3A_1587, %jit3A_1588, %jit3A_1585 : i32
        %rem3A_1590 = arith.remsi %add3A_1560, %select_n3A_1589 : i32
        %ne3A_1591 = arith.constant 0 : i32
        %ne3A_1592 = arith.cmpi ne, %rem3A_1590, %ne3A_1591 : i32
        %lt3A_1593 = arith.constant 0 : i32
        %lt3A_1594 = arith.cmpi slt, %rem3A_1590, %lt3A_1593 : i32
        %lt3A_1595 = arith.constant 0 : i32
        %lt3A_1596 = arith.cmpi slt, %select_n3A_1589, %lt3A_1595 : i32
        %ne3A_1597 = arith.xori %lt3A_1594, %lt3A_1596 : i1
        %and3A_1598 = arith.andi %ne3A_1597, %ne3A_1592 : i1
        %add3A_1599 = arith.addi %rem3A_1590, %select_n3A_1589 : i32
        %select_n3A_1600 = arith.select %and3A_1598, %add3A_1599, %rem3A_1590 : i32
        %mul3A_1601 = arith.constant 64 : i32
        %mul3A_1602 = arith.muli %select_n3A_1600, %mul3A_1601 : i32
        %dma_start3A_1603 = arith.constant 6 : i32
        %dma_start3A_1604 = arith.constant 0 : i32
        %dma_start3A_1605 = arith.constant 0 : i32
        %dma_start3A_1606 = tpu.memref_slice %arg6[%rem3A_1204, %dma_start3A_1603, %dma_start3A_1604, %dma_start3A_1605] : memref<6x8x50x32xf32, #tpu.memory_space<vmem>> -> memref<1x1x50x32xf32, #tpu.memory_space<vmem>>
        %dma_start3A_1607 = tpu.memref_squeeze %dma_start3A_1606 : memref<1x1x50x32xf32, #tpu.memory_space<vmem>> -> memref<50x32xf32, #tpu.memory_space<vmem>>
        %dma_start3A_1608 = arith.constant 0 : i32
        %dma_start3A_1609 = tpu.memref_slice %arg5[%select_n3A_1584, %dma_start3A_1608] : memref<256x128xi32, #tpu.memory_space<vmem>> -> memref<1x128xi32, #tpu.memory_space<vmem>>
        %dma_start3A_1610 = tpu.memref_squeeze %dma_start3A_1609 : memref<1x128xi32, #tpu.memory_space<vmem>> -> memref<128xi32, #tpu.memory_space<vmem>>
        %dma_start3A_1611 = tpu.memref_slice %dma_start3A_1610[%mul3A_1602] : memref<128xi32, #tpu.memory_space<vmem>> -> memref<50xi32, #tpu.memory_space<vmem>>
        %dma_start3A_1612 = arith.constant 0 : i32
        %dma_start3A_1613 = arith.constant 0 : i32
        %dma_start3A_1614 = tpu.memref_slice %arg3[%dma_start3A_1612, %dma_start3A_1613] : memref<1000000x32xf32, #tpu.memory_space<hbm>> -> memref<1000000x32xf32, #tpu.memory_space<hbm>>
        tpu.enqueue_indirect_dma source(%dma_start3A_1614 : memref<1000000x32xf32, #tpu.memory_space<hbm>>) target(%dma_start3A_1607 : memref<50x32xf32, #tpu.memory_space<vmem>>) offsets(%dma_start3A_1611 : memref<50xi32, #tpu.memory_space<vmem>>) semaphore(%arg7 : memref<!tpu.dma_semaphore, #tpu.memory_space<semaphore_mem>>)
        %mul3A_1615 = arith.constant 8 : i32
        %mul3A_1616 = arith.muli %add3A_1202, %mul3A_1615 : i32
        %add3A_1617 = arith.constant 7 : i32
        %add3A_1618 = arith.addi %mul3A_1616, %add3A_1617 : i32
        %jit3A_1619 = arith.constant 2 : i32
        %div3A_1620 = arith.divsi %add3A_1618, %jit3A_1619 : i32
        %sign3A_1621 = arith.constant 0 : i32
        %sign3A_1622 = arith.cmpi sgt, %add3A_1618, %sign3A_1621 : i32
        %sign3A_1623 = arith.extui %sign3A_1622 : i1 to i32
        %sign3A_1624 = arith.constant 0 : i32
        %sign3A_1625 = arith.cmpi slt, %add3A_1618, %sign3A_1624 : i32
        %sign3A_1626 = arith.extui %sign3A_1625 : i1 to i32
        %sign3A_1627 = arith.subi %sign3A_1623, %sign3A_1626 : i32
        %sign3A_1628 = arith.constant 0 : i32
        %sign3A_1629 = arith.cmpi sgt, %jit3A_1619, %sign3A_1628 : i32
        %sign3A_1630 = arith.extui %sign3A_1629 : i1 to i32
        %sign3A_1631 = arith.constant 0 : i32
        %sign3A_1632 = arith.cmpi slt, %jit3A_1619, %sign3A_1631 : i32
        %sign3A_1633 = arith.extui %sign3A_1632 : i1 to i32
        %sign3A_1634 = arith.subi %sign3A_1630, %sign3A_1633 : i32
        %ne3A_1635 = arith.cmpi ne, %sign3A_1627, %sign3A_1634 : i32
        %rem3A_1636 = arith.remsi %add3A_1618, %jit3A_1619 : i32
        %ne3A_1637 = arith.constant 0 : i32
        %ne3A_1638 = arith.cmpi ne, %rem3A_1636, %ne3A_1637 : i32
        %and3A_1639 = arith.andi %ne3A_1635, %ne3A_1638 : i1
        %sub3A_1640 = arith.constant 1 : i32
        %sub3A_1641 = arith.subi %div3A_1620, %sub3A_1640 : i32
        %select_n3A_1642 = arith.select %and3A_1639, %sub3A_1641, %div3A_1620 : i32
        %jit3A_1643 = arith.constant 2 : i32
        %eq3A_1644 = arith.constant 0 : i32
        %eq3A_1645 = arith.cmpi eq, %jit3A_1643, %eq3A_1644 : i32
        %jit3A_1646 = arith.constant 1 : i32
        %select_n3A_1647 = arith.select %eq3A_1645, %jit3A_1646, %jit3A_1643 : i32
        %rem3A_1648 = arith.remsi %add3A_1618, %select_n3A_1647 : i32
        %ne3A_1649 = arith.constant 0 : i32
        %ne3A_1650 = arith.cmpi ne, %rem3A_1648, %ne3A_1649 : i32
        %lt3A_1651 = arith.constant 0 : i32
        %lt3A_1652 = arith.cmpi slt, %rem3A_1648, %lt3A_1651 : i32
        %lt3A_1653 = arith.constant 0 : i32
        %lt3A_1654 = arith.cmpi slt, %select_n3A_1647, %lt3A_1653 : i32
        %ne3A_1655 = arith.xori %lt3A_1652, %lt3A_1654 : i1
        %and3A_1656 = arith.andi %ne3A_1655, %ne3A_1650 : i1
        %add3A_1657 = arith.addi %rem3A_1648, %select_n3A_1647 : i32
        %select_n3A_1658 = arith.select %and3A_1656, %add3A_1657, %rem3A_1648 : i32
        %mul3A_1659 = arith.constant 64 : i32
        %mul3A_1660 = arith.muli %select_n3A_1658, %mul3A_1659 : i32
        %dma_start3A_1661 = arith.constant 7 : i32
        %dma_start3A_1662 = arith.constant 0 : i32
        %dma_start3A_1663 = arith.constant 0 : i32
        %dma_start3A_1664 = tpu.memref_slice %arg6[%rem3A_1204, %dma_start3A_1661, %dma_start3A_1662, %dma_start3A_1663] : memref<6x8x50x32xf32, #tpu.memory_space<vmem>> -> memref<1x1x50x32xf32, #tpu.memory_space<vmem>>
        %dma_start3A_1665 = tpu.memref_squeeze %dma_start3A_1664 : memref<1x1x50x32xf32, #tpu.memory_space<vmem>> -> memref<50x32xf32, #tpu.memory_space<vmem>>
        %dma_start3A_1666 = arith.constant 0 : i32
        %dma_start3A_1667 = tpu.memref_slice %arg5[%select_n3A_1642, %dma_start3A_1666] : memref<256x128xi32, #tpu.memory_space<vmem>> -> memref<1x128xi32, #tpu.memory_space<vmem>>
        %dma_start3A_1668 = tpu.memref_squeeze %dma_start3A_1667 : memref<1x128xi32, #tpu.memory_space<vmem>> -> memref<128xi32, #tpu.memory_space<vmem>>
        %dma_start3A_1669 = tpu.memref_slice %dma_start3A_1668[%mul3A_1660] : memref<128xi32, #tpu.memory_space<vmem>> -> memref<50xi32, #tpu.memory_space<vmem>>
        %dma_start3A_1670 = arith.constant 0 : i32
        %dma_start3A_1671 = arith.constant 0 : i32
        %dma_start3A_1672 = tpu.memref_slice %arg3[%dma_start3A_1670, %dma_start3A_1671] : memref<1000000x32xf32, #tpu.memory_space<hbm>> -> memref<1000000x32xf32, #tpu.memory_space<hbm>>
        tpu.enqueue_indirect_dma source(%dma_start3A_1672 : memref<1000000x32xf32, #tpu.memory_space<hbm>>) target(%dma_start3A_1665 : memref<50x32xf32, #tpu.memory_space<vmem>>) offsets(%dma_start3A_1669 : memref<50xi32, #tpu.memory_space<vmem>>) semaphore(%arg7 : memref<!tpu.dma_semaphore, #tpu.memory_space<semaphore_mem>>)
      } else {
      }
    }
    %scan3A_606 = arith.constant 64 : i32
    %add3A_607 = arith.constant 464 : i32
    %add3A_608 = arith.addi %mul3A_2, %add3A_607 : i32
    %dma_wait3A = arith.constant 4 : i32
    %dma_wait3A_609 = arith.constant 0 : i32
    %dma_wait3A_610 = arith.constant 0 : i32
    %dma_wait3A_611 = arith.constant 0 : i32
    %dma_wait3A_612 = tpu.memref_slice %arg6[%dma_wait3A, %dma_wait3A_609, %dma_wait3A_610, %dma_wait3A_611] : memref<6x8x50x32xf32, #tpu.memory_space<vmem>> -> memref<1x8x50x32xf32, #tpu.memory_space<vmem>>
    %dma_wait3A_613 = tpu.memref_squeeze %dma_wait3A_612 : memref<1x8x50x32xf32, #tpu.memory_space<vmem>> -> memref<8x50x32xf32, #tpu.memory_space<vmem>>
    %dma_wait3A_614 = arith.constant 0 : i32
    %dma_wait3A_615 = arith.constant 0 : i32
    %dma_wait3A_616 = tpu.memref_slice %arg4[%add3A_608, %dma_wait3A_614, %dma_wait3A_615] : memref<16384x50x32xf32, #tpu.memory_space<hbm>> -> memref<8x50x32xf32, #tpu.memory_space<hbm>>
    %dma_wait3A_617 = arith.constant 0 : i32
    %dma_wait3A_618 = arith.constant 0 : i32
    %dma_wait3A_619 = tpu.memref_slice %arg4[%add3A_608, %dma_wait3A_617, %dma_wait3A_618] : memref<16384x50x32xf32, #tpu.memory_space<hbm>> -> memref<8x50x32xf32, #tpu.memory_space<hbm>>
    %dma_wait3A_620 = arith.constant 0 : i32
    %dma_wait3A_621 = arith.constant 0 : i32
    %dma_wait3A_622 = arith.constant 0 : i32
    %dma_wait3A_623 = tpu.memref_slice %arg6[%dma_wait3A, %dma_wait3A_620, %dma_wait3A_621, %dma_wait3A_622] : memref<6x8x50x32xf32, #tpu.memory_space<vmem>> -> memref<1x8x50x32xf32, #tpu.memory_space<vmem>>
    %dma_wait3A_624 = tpu.memref_squeeze %dma_wait3A_623 : memref<1x8x50x32xf32, #tpu.memory_space<vmem>> -> memref<8x50x32xf32, #tpu.memory_space<vmem>>
    tpu.wait_dma2 semaphore(%arg8 : memref<!tpu.dma_semaphore, #tpu.memory_space<semaphore_mem>>) src(%dma_wait3A_624 : memref<8x50x32xf32, #tpu.memory_space<vmem>>) dst(%dma_wait3A_619 : memref<8x50x32xf32, #tpu.memory_space<hbm>>)
    %add3A_625 = arith.constant 472 : i32
    %add3A_626 = arith.addi %mul3A_2, %add3A_625 : i32
    %dma_wait3A_627 = arith.constant 5 : i32
    %dma_wait3A_628 = arith.constant 0 : i32
    %dma_wait3A_629 = arith.constant 0 : i32
    %dma_wait3A_630 = arith.constant 0 : i32
    %dma_wait3A_631 = tpu.memref_slice %arg6[%dma_wait3A_627, %dma_wait3A_628, %dma_wait3A_629, %dma_wait3A_630] : memref<6x8x50x32xf32, #tpu.memory_space<vmem>> -> memref<1x8x50x32xf32, #tpu.memory_space<vmem>>
    %dma_wait3A_632 = tpu.memref_squeeze %dma_wait3A_631 : memref<1x8x50x32xf32, #tpu.memory_space<vmem>> -> memref<8x50x32xf32, #tpu.memory_space<vmem>>
    %dma_wait3A_633 = arith.constant 0 : i32
    %dma_wait3A_634 = arith.constant 0 : i32
    %dma_wait3A_635 = tpu.memref_slice %arg4[%add3A_626, %dma_wait3A_633, %dma_wait3A_634] : memref<16384x50x32xf32, #tpu.memory_space<hbm>> -> memref<8x50x32xf32, #tpu.memory_space<hbm>>
    %dma_wait3A_636 = arith.constant 0 : i32
    %dma_wait3A_637 = arith.constant 0 : i32
    %dma_wait3A_638 = tpu.memref_slice %arg4[%add3A_626, %dma_wait3A_636, %dma_wait3A_637] : memref<16384x50x32xf32, #tpu.memory_space<hbm>> -> memref<8x50x32xf32, #tpu.memory_space<hbm>>
    %dma_wait3A_639 = arith.constant 0 : i32
    %dma_wait3A_640 = arith.constant 0 : i32
    %dma_wait3A_641 = arith.constant 0 : i32
    %dma_wait3A_642 = tpu.memref_slice %arg6[%dma_wait3A_627, %dma_wait3A_639, %dma_wait3A_640, %dma_wait3A_641] : memref<6x8x50x32xf32, #tpu.memory_space<vmem>> -> memref<1x8x50x32xf32, #tpu.memory_space<vmem>>
    %dma_wait3A_643 = tpu.memref_squeeze %dma_wait3A_642 : memref<1x8x50x32xf32, #tpu.memory_space<vmem>> -> memref<8x50x32xf32, #tpu.memory_space<vmem>>
    tpu.wait_dma2 semaphore(%arg8 : memref<!tpu.dma_semaphore, #tpu.memory_space<semaphore_mem>>) src(%dma_wait3A_643 : memref<8x50x32xf32, #tpu.memory_space<vmem>>) dst(%dma_wait3A_638 : memref<8x50x32xf32, #tpu.memory_space<hbm>>)
    %add3A_644 = arith.constant 480 : i32
    %add3A_645 = arith.addi %mul3A_2, %add3A_644 : i32
    %dma_wait3A_646 = arith.constant 0 : i32
    %dma_wait3A_647 = arith.constant 0 : i32
    %dma_wait3A_648 = arith.constant 0 : i32
    %dma_wait3A_649 = arith.constant 0 : i32
    %dma_wait3A_650 = tpu.memref_slice %arg6[%dma_wait3A_646, %dma_wait3A_647, %dma_wait3A_648, %dma_wait3A_649] : memref<6x8x50x32xf32, #tpu.memory_space<vmem>> -> memref<1x8x50x32xf32, #tpu.memory_space<vmem>>
    %dma_wait3A_651 = tpu.memref_squeeze %dma_wait3A_650 : memref<1x8x50x32xf32, #tpu.memory_space<vmem>> -> memref<8x50x32xf32, #tpu.memory_space<vmem>>
    %dma_wait3A_652 = arith.constant 0 : i32
    %dma_wait3A_653 = arith.constant 0 : i32
    %dma_wait3A_654 = tpu.memref_slice %arg4[%add3A_645, %dma_wait3A_652, %dma_wait3A_653] : memref<16384x50x32xf32, #tpu.memory_space<hbm>> -> memref<8x50x32xf32, #tpu.memory_space<hbm>>
    %dma_wait3A_655 = arith.constant 0 : i32
    %dma_wait3A_656 = arith.constant 0 : i32
    %dma_wait3A_657 = tpu.memref_slice %arg4[%add3A_645, %dma_wait3A_655, %dma_wait3A_656] : memref<16384x50x32xf32, #tpu.memory_space<hbm>> -> memref<8x50x32xf32, #tpu.memory_space<hbm>>
    %dma_wait3A_658 = arith.constant 0 : i32
    %dma_wait3A_659 = arith.constant 0 : i32
    %dma_wait3A_660 = arith.constant 0 : i32
    %dma_wait3A_661 = tpu.memref_slice %arg6[%dma_wait3A_646, %dma_wait3A_658, %dma_wait3A_659, %dma_wait3A_660] : memref<6x8x50x32xf32, #tpu.memory_space<vmem>> -> memref<1x8x50x32xf32, #tpu.memory_space<vmem>>
    %dma_wait3A_662 = tpu.memref_squeeze %dma_wait3A_661 : memref<1x8x50x32xf32, #tpu.memory_space<vmem>> -> memref<8x50x32xf32, #tpu.memory_space<vmem>>
    tpu.wait_dma2 semaphore(%arg8 : memref<!tpu.dma_semaphore, #tpu.memory_space<semaphore_mem>>) src(%dma_wait3A_662 : memref<8x50x32xf32, #tpu.memory_space<vmem>>) dst(%dma_wait3A_657 : memref<8x50x32xf32, #tpu.memory_space<hbm>>)
    %add3A_663 = arith.constant 488 : i32
    %add3A_664 = arith.addi %mul3A_2, %add3A_663 : i32
    %dma_wait3A_665 = arith.constant 1 : i32
    %dma_wait3A_666 = arith.constant 0 : i32
    %dma_wait3A_667 = arith.constant 0 : i32
    %dma_wait3A_668 = arith.constant 0 : i32
    %dma_wait3A_669 = tpu.memref_slice %arg6[%dma_wait3A_665, %dma_wait3A_666, %dma_wait3A_667, %dma_wait3A_668] : memref<6x8x50x32xf32, #tpu.memory_space<vmem>> -> memref<1x8x50x32xf32, #tpu.memory_space<vmem>>
    %dma_wait3A_670 = tpu.memref_squeeze %dma_wait3A_669 : memref<1x8x50x32xf32, #tpu.memory_space<vmem>> -> memref<8x50x32xf32, #tpu.memory_space<vmem>>
    %dma_wait3A_671 = arith.constant 0 : i32
    %dma_wait3A_672 = arith.constant 0 : i32
    %dma_wait3A_673 = tpu.memref_slice %arg4[%add3A_664, %dma_wait3A_671, %dma_wait3A_672] : memref<16384x50x32xf32, #tpu.memory_space<hbm>> -> memref<8x50x32xf32, #tpu.memory_space<hbm>>
    %dma_wait3A_674 = arith.constant 0 : i32
    %dma_wait3A_675 = arith.constant 0 : i32
    %dma_wait3A_676 = tpu.memref_slice %arg4[%add3A_664, %dma_wait3A_674, %dma_wait3A_675] : memref<16384x50x32xf32, #tpu.memory_space<hbm>> -> memref<8x50x32xf32, #tpu.memory_space<hbm>>
    %dma_wait3A_677 = arith.constant 0 : i32
    %dma_wait3A_678 = arith.constant 0 : i32
    %dma_wait3A_679 = arith.constant 0 : i32
    %dma_wait3A_680 = tpu.memref_slice %arg6[%dma_wait3A_665, %dma_wait3A_677, %dma_wait3A_678, %dma_wait3A_679] : memref<6x8x50x32xf32, #tpu.memory_space<vmem>> -> memref<1x8x50x32xf32, #tpu.memory_space<vmem>>
    %dma_wait3A_681 = tpu.memref_squeeze %dma_wait3A_680 : memref<1x8x50x32xf32, #tpu.memory_space<vmem>> -> memref<8x50x32xf32, #tpu.memory_space<vmem>>
    tpu.wait_dma2 semaphore(%arg8 : memref<!tpu.dma_semaphore, #tpu.memory_space<semaphore_mem>>) src(%dma_wait3A_681 : memref<8x50x32xf32, #tpu.memory_space<vmem>>) dst(%dma_wait3A_676 : memref<8x50x32xf32, #tpu.memory_space<hbm>>)
    %add3A_682 = arith.constant 496 : i32
    %add3A_683 = arith.addi %mul3A_2, %add3A_682 : i32
    %dma_wait3A_684 = arith.constant 2 : i32
    %dma_wait3A_685 = arith.constant 0 : i32
    %dma_wait3A_686 = arith.constant 0 : i32
    %dma_wait3A_687 = arith.constant 0 : i32
    %dma_wait3A_688 = tpu.memref_slice %arg6[%dma_wait3A_684, %dma_wait3A_685, %dma_wait3A_686, %dma_wait3A_687] : memref<6x8x50x32xf32, #tpu.memory_space<vmem>> -> memref<1x8x50x32xf32, #tpu.memory_space<vmem>>
    %dma_wait3A_689 = tpu.memref_squeeze %dma_wait3A_688 : memref<1x8x50x32xf32, #tpu.memory_space<vmem>> -> memref<8x50x32xf32, #tpu.memory_space<vmem>>
    %dma_wait3A_690 = arith.constant 0 : i32
    %dma_wait3A_691 = arith.constant 0 : i32
    %dma_wait3A_692 = tpu.memref_slice %arg4[%add3A_683, %dma_wait3A_690, %dma_wait3A_691] : memref<16384x50x32xf32, #tpu.memory_space<hbm>> -> memref<8x50x32xf32, #tpu.memory_space<hbm>>
    %dma_wait3A_693 = arith.constant 0 : i32
    %dma_wait3A_694 = arith.constant 0 : i32
    %dma_wait3A_695 = tpu.memref_slice %arg4[%add3A_683, %dma_wait3A_693, %dma_wait3A_694] : memref<16384x50x32xf32, #tpu.memory_space<hbm>> -> memref<8x50x32xf32, #tpu.memory_space<hbm>>
    %dma_wait3A_696 = arith.constant 0 : i32
    %dma_wait3A_697 = arith.constant 0 : i32
    %dma_wait3A_698 = arith.constant 0 : i32
    %dma_wait3A_699 = tpu.memref_slice %arg6[%dma_wait3A_684, %dma_wait3A_696, %dma_wait3A_697, %dma_wait3A_698] : memref<6x8x50x32xf32, #tpu.memory_space<vmem>> -> memref<1x8x50x32xf32, #tpu.memory_space<vmem>>
    %dma_wait3A_700 = tpu.memref_squeeze %dma_wait3A_699 : memref<1x8x50x32xf32, #tpu.memory_space<vmem>> -> memref<8x50x32xf32, #tpu.memory_space<vmem>>
    tpu.wait_dma2 semaphore(%arg8 : memref<!tpu.dma_semaphore, #tpu.memory_space<semaphore_mem>>) src(%dma_wait3A_700 : memref<8x50x32xf32, #tpu.memory_space<vmem>>) dst(%dma_wait3A_695 : memref<8x50x32xf32, #tpu.memory_space<hbm>>)
    %add3A_701 = arith.constant 504 : i32
    %add3A_702 = arith.addi %mul3A_2, %add3A_701 : i32
    %dma_wait3A_703 = arith.constant 3 : i32
    %dma_wait3A_704 = arith.constant 0 : i32
    %dma_wait3A_705 = arith.constant 0 : i32
    %dma_wait3A_706 = arith.constant 0 : i32
    %dma_wait3A_707 = tpu.memref_slice %arg6[%dma_wait3A_703, %dma_wait3A_704, %dma_wait3A_705, %dma_wait3A_706] : memref<6x8x50x32xf32, #tpu.memory_space<vmem>> -> memref<1x8x50x32xf32, #tpu.memory_space<vmem>>
    %dma_wait3A_708 = tpu.memref_squeeze %dma_wait3A_707 : memref<1x8x50x32xf32, #tpu.memory_space<vmem>> -> memref<8x50x32xf32, #tpu.memory_space<vmem>>
    %dma_wait3A_709 = arith.constant 0 : i32
    %dma_wait3A_710 = arith.constant 0 : i32
    %dma_wait3A_711 = tpu.memref_slice %arg4[%add3A_702, %dma_wait3A_709, %dma_wait3A_710] : memref<16384x50x32xf32, #tpu.memory_space<hbm>> -> memref<8x50x32xf32, #tpu.memory_space<hbm>>
    %dma_wait3A_712 = arith.constant 0 : i32
    %dma_wait3A_713 = arith.constant 0 : i32
    %dma_wait3A_714 = tpu.memref_slice %arg4[%add3A_702, %dma_wait3A_712, %dma_wait3A_713] : memref<16384x50x32xf32, #tpu.memory_space<hbm>> -> memref<8x50x32xf32, #tpu.memory_space<hbm>>
    %dma_wait3A_715 = arith.constant 0 : i32
    %dma_wait3A_716 = arith.constant 0 : i32
    %dma_wait3A_717 = arith.constant 0 : i32
    %dma_wait3A_718 = tpu.memref_slice %arg6[%dma_wait3A_703, %dma_wait3A_715, %dma_wait3A_716, %dma_wait3A_717] : memref<6x8x50x32xf32, #tpu.memory_space<vmem>> -> memref<1x8x50x32xf32, #tpu.memory_space<vmem>>
    %dma_wait3A_719 = tpu.memref_squeeze %dma_wait3A_718 : memref<1x8x50x32xf32, #tpu.memory_space<vmem>> -> memref<8x50x32xf32, #tpu.memory_space<vmem>>
    tpu.wait_dma2 semaphore(%arg8 : memref<!tpu.dma_semaphore, #tpu.memory_space<semaphore_mem>>) src(%dma_wait3A_719 : memref<8x50x32xf32, #tpu.memory_space<vmem>>) dst(%dma_wait3A_714 : memref<8x50x32xf32, #tpu.memory_space<hbm>>)
    return
  }
}

</mosaic_0001>

<sc_bundles>
// kernel: kernel.4.cloned.1.call-start
scs
__scs_entry_jumppad:
0x0: {  	(pc) =	sbr.rel $0x88, $3  }
0x1: {  	(tag) =	ssettag $0x0;
	lr =	simm.s32 $0x1  }
0x2: {  	[smem:$0x3F9F] =	sst lr;
	_ =	strace $0xD0000000  }
0x3: {  	_ = 	snop  }
0x4: {  	_ = 	snop  }
0x5: {  	_ = 	snop  }
0x6: {  	_ = 	snop  }
0x7: {  	_ = 	snop  }
__scs_overlays_trampoline_lowered:
0x8: {  	[smem:$0x3FAE] =	sst s0  }
0x9: {  	[smem:$0x3FAF] =	sst s1  }
0xa: {  	[smem:$0x3FB0] =	sst s2  }
0xb: {  	[smem:$0x3FB1] =	sst s3  }
0xc: {  	[smem:$0x3FB2] =	sst s4  }
0xd: {  	[smem:$0x3FB3] =	sst s5  }
0xe: {  	[smem:$0x3FB4] =	sst s6  }
0xf: {  	[smem:$0x3FB5] =	sst s7  }
0x10: {  	[smem:$0x3FB6] =	sst s8  }
0x11: {  	[smem:$0x3FB7] =	sst s9;
	s0 =	simm.s32 @!p0 $0x0  }
0x12: {  	s1 =	sld [smem:$0x3F9D];
	s0 =	simm.s32 @p0 $0x1  }
0x13: {  	[smem:$0x3FB8] =	sst s0;
	s0 =	simm.s32 @!p1 $0x0  }
0x14: {  	s2 =	sld [smem:$0x3F9C];
	s0 =	simm.s32 @p1 $0x1  }
0x15: {  	[smem:$0x3FB9] =	sst s0;
	s0 =	simm.s32 @!p2 $0x0  }
0x16: {  	s3 =	sld [smem:$0x3FDB];
	s0 =	simm.s32 @p2 $0x1  }
0x17: {  	s4 =	simm.s32 $0x1BF5;
	[smem:$0x3FBB] =	sst s0  }
0x18: {  	s0 =	sld [smem:$0x3F9E];
	_ =	swait.ge [sflag:s4], $0x0  }
0x19: {  	s7 =	sld [smem:$0x3F9F]  }
0x1a: {  	s8 =	sadd.s32 $0xFFFFE003, lr  }
0x1b: {  	s9 =	sadd.s32 $0xFFFFFEF7, lr;
	s5 =	simm.s32 $0xFFFFFFFF;
	p2 =	slt.u32 s8, $0xFFFFF086  }
0x1c: {  	p1 =	slt.u32 s9, $0xF7A;
	s5 =	simm.s32 @!p2 $0x0  }
0x1d: {  	s5 =	simm.s32 @p1 $0x1;
	p0 =	seq.s32 s7, s2  }
0x1e: {  	s7 =	smul.u32 @!p0 $0xF7A, s2;
	p2 =	seq.s32 @!p0 s5, $0x0  }
0x1f: {  	s9 =	smul.u32 $0xF7A, s1;
	s8 =	simm.s32 @!p0 $0x1BF5;
	p2 =	por !p2, p0  }
0x20: {  	[sflag:s8] =	ssyncset.s32 @!p0 $0xFFFFF086;
	s6 =	sadd.s32 @!p0 s3, s7;
	s7 =	simm.s32 @!p0 $0x108  }
0x21: {  	s3 =	sadd.s32 s3, s9;
	s6 =	sadd.s32 @!p0 $0x88, s6;
	s7 =	simm.s32 @p2 $0x1082  }
0x22: {  	[simem:s7], [sflag:s8] =	dma.local @!p0 [hbm:s6], $0xF7A  }
0x23: {  	s9 =	sor.u32 $0xD0000000, s2;
	s6 =	simm.s32 $0x108;
	_ =	swait.ge @!p0 [sflag:s8], $0x0  }
0x24: {  	s3 =	sadd.s32 $0x88, s3;
	s6 =	simm.s32 @!p1 $0x1082;
	[sflag:s4] =	ssyncset.s32 $0xFFFFF086  }
0x25: {  	[simem:s6], [sflag:s4] =	dma.local [hbm:s3], $0xF7A  }
0x26: {  	[smem:$0x3F9F] =	sst s1;
	(tag) =	ssettag s2;
	_ =	strace s9  }
0x27: {  	s1 =	sld [smem:$0x3FAF]  }
0x28: {  	s2 =	sld [smem:$0x3FB0]  }
0x29: {  	s4 =	sld [smem:$0x3FB2]  }
0x2a: {  	p0 =	seq.s32 s5, $0x0;
	s5 =	sld [smem:$0x3FB3]  }
0x2b: {  	s6 =	sld [smem:$0x3FB4]  }
0x2c: {  	s7 =	sld [smem:$0x3FB5]  }
0x2d: {  	s3 =	simm.s32 $0x108;
	s8 =	sld [smem:$0x3FB6]  }
0x2e: {  	s3 =	simm.s32 @!p0 $0x1082;
	s9 =	sld [smem:$0x3FB7]  }
0x2f: {  	lr =	sadd.s32 s0, s3;
	s0 =	sld [smem:$0x3FAE]  }
0x30: {  	s3 =	sld [smem:$0x3FB1]  }
0x31: {  	[smem:$0x3FBA] =	sst s10  }
0x32: {  	s10 =	sld [smem:$0x3FB8];
	_ =	sdelay $0x3  }
0x33: {  	p0 =	seq.s32 s10, $0x1;
	s10 =	sld [smem:$0x3FBA];
	_ =	sdelay $0x3  }
0x34: {  	[smem:$0x3FBA] =	sst s10  }
0x35: {  	s10 =	sld [smem:$0x3FB9];
	_ =	sdelay $0x3  }
0x36: {  	p1 =	seq.s32 s10, $0x1;
	s10 =	sld [smem:$0x3FBA];
	_ =	sdelay $0x3  }
0x37: {  	[smem:$0x3FBA] =	sst s10  }
0x38: {  	s10 =	sld [smem:$0x3FBB]  }
0x39: {  	_ = 	snop;
	(pc) =	sbr.ind lr, $3  }
0x3a: {  	_ = 	snop  }
0x3b: {  	_ = 	snop  }
0x3c: {  	p2 =	seq.s32 s10, $0x1;
	s10 =	sld [smem:$0x3FBA]  }
0x3d: {  	_ =	shalt  }
0x3e: {  	_ =	shalt  }
0x3f: {  	_ =	shalt  }
0x40: {  	_ =	shalt  }
0x41: {  	_ =	shalt  }
0x42: {  	_ =	shalt  }
0x43: {  	_ =	shalt  }
0x44: {  	_ =	shalt  }
0x45: {  	_ =	shalt  }
0x46: {  	_ =	shalt  }
0x47: {  	_ =	shalt  }
0x48: {  	_ =	shalt  }
0x49: {  	_ =	shalt  }
0x4a: {  	_ =	shalt  }
0x4b: {  	_ =	shalt  }
0x4c: {  	_ =	shalt  }
0x4d: {  	_ =	shalt  }
0x4e: {  	_ =	shalt  }
0x4f: {  	_ =	shalt  }
0x50: {  	_ =	shalt  }
0x51: {  	_ =	shalt  }
0x52: {  	_ =	shalt  }
0x53: {  	_ =	shalt  }
0x54: {  	_ =	shalt  }
0x55: {  	_ =	shalt  }
0x56: {  	_ =	shalt  }
0x57: {  	_ =	shalt  }
0x58: {  	_ =	shalt  }
0x59: {  	_ =	shalt  }
0x5a: {  	_ =	shalt  }
0x5b: {  	_ =	shalt  }
0x5c: {  	_ =	shalt  }
0x5d: {  	_ =	shalt  }
0x5e: {  	_ =	shalt  }
0x5f: {  	_ =	shalt  }
0x60: {  	_ =	shalt  }
0x61: {  	_ =	shalt  }
0x62: {  	_ =	shalt  }
0x63: {  	_ =	shalt  }
0x64: {  	_ =	shalt  }
0x65: {  	_ =	shalt  }
0x66: {  	_ =	shalt  }
0x67: {  	_ =	shalt  }
0x68: {  	_ =	shalt  }
0x69: {  	_ =	shalt  }
0x6a: {  	_ =	shalt  }
0x6b: {  	_ =	shalt  }
0x6c: {  	_ =	shalt  }
0x6d: {  	_ =	shalt  }
0x6e: {  	_ =	shalt  }
0x6f: {  	_ =	shalt  }
0x70: {  	_ =	shalt  }
0x71: {  	_ =	shalt  }
0x72: {  	_ =	shalt  }
0x73: {  	_ =	shalt  }
0x74: {  	_ =	shalt  }
0x75: {  	_ =	shalt  }
0x76: {  	_ =	shalt  }
0x77: {  	_ =	shalt  }
0x78: {  	_ =	shalt  }
0x79: {  	_ =	shalt  }
0x7a: {  	_ =	shalt  }
0x7b: {  	_ =	shalt  }
0x7c: {  	_ =	shalt  }
0x7d: {  	_ =	shalt  }
0x7e: {  	_ =	shalt  }
0x7f: {  	_ =	shalt  }
0x80: {  	_ =	shalt  }
0x81: {  	_ =	shalt  }
0x82: {  	_ =	shalt  }
0x83: {  	_ =	shalt  }
0x84: {  	_ =	shalt  }
0x85: {  	_ =	shalt  }
0x86: {  	_ =	shalt  }
0x87: {  	_ =	shalt  }
.Lfunc_end0:
.L_simem_size_0:
called_computation.1_lowered:
.L_overlay_start_0:
0x88: {  	s2 =	sld [smem:$0x3FD9]  }
0x89: {  	s3 =	sld [smem:$0x3FFE];
	_ =	sdelay $0x1  }
0x8a: {  	s1 =	srdreg.scid  }
0x8b: {  	s0 =	sand.u32 $0x1, s1  }
0x8c: {  	s17 =	sshll.u32 s0, $0xA;
	s2 =	sadd.s32 s3, s2  }
0x8d: {  	s2 =	sadd.s32 s2, s17  }
0x8e: {  	[smem:$0x3FC6] =	sst s2  }
0x8f: {  	_ = 	snop  }
0x90: {  	s2 =	sld [smem:$0x3FD0];
	(tm) =	ssettm $0x1  }
0x91: {  	s18 =	sld [smem:$0x3FFB];
	_ =	sdelay $0x3  }
0x92: {  	_ =	strace s18  }
0x93: {  	s3 =	sld [smem:$0x3FFC];
	_ =	sdelay $0x3  }
0x94: {  	_ =	strace s3  }
0x95: {  	s3 =	sld [smem:$0x3FFD];
	_ =	sdelay $0x3  }
0x96: {  	_ =	strace s3  }
0x97: {  	_ =	strace $0x8FFFFFFF  }
0x98: {  	s19 =	sld [smem:$0x3FDB];
	_ =	sdelay $0x1  }
0x99: {  	s4 =	simm.s32 $_scs_section_size  }
0x9a: {  	s5 =	simm.s32 $_size__tile_overlayer_lowered;
	s6 =	simm.s32 $_tile_overlayer_lowered  }
0x9b: {  	s22 =	simm.s32 $0x1BFF;
	s21 =	sshll.u32 s6, $0x1;
	s3 =	sadd.s32 s4, s19  }
0x9c: {  	s7 =	simm.s32 $0x0;
	s20 =	sshll.u32 s5, $0x1;
	s5 =	sadd.s32 s21, s3  }
0x9d: {  	[timem:s7], [sflag:s22] =	dma.local [hbm:s5], s20  }
0x9e: {  	_ =	swait.ge [sflag:s22], s20  }
0x9f: {  	s4 =	ssub.s32 $0x0, s20;
	[sflag:s22] =	ssyncset.done $0x0  }
0xa0: {  	[sflag:s22] =	ssyncadd.s32 s4;
	_ =	sdelay $0x1  }
0xa1: {  	s23 =	simm.s32 $0x1B8B  }
0xa2: {  	_ =	swait.ge [sflag:s23], $0x1  }
0xa3: {  	[sflag:s23] =	ssyncset.done $0x0  }
0xa4: {  	s25 =	simm.s32 $0x1B8E;
	s24 =	sld [smem:$0x3FFE];
	[sflag:s23] =	ssyncadd.s32 $0xFFFFFFFF  }
0xa5: {  	s26 =	simm.s32 $execute0_lowered;
	[smem:$0x3FD2] =	sst s25  }
0xa6: {  	s5 =	sshll.u32 s26, $0x1;
	_ =	strace $0x80000046;
	[dreg:$0x1] =	wrdreg $0xFFFFFFFF  }
0xa7: {  	s28 =	simm.s32 $_size_execute0_lowered;
	s3 =	sadd.s32 s3, s5;
	[dreg:$0x0] =	wrdreg $0x0  }
0xa8: {  	s5 =	sshll.u32 s28, $0x1;
	[dreg:$0x2] =	wrdreg s3  }
0xa9: {  	[dreg:$0x3] =	wrdreg s5  }
0xaa: {  	[dreg:$0x4] =	wrdreg $0xC0  }
0xab: {  	_ =	task [dreg:s7], $0x5FFFF  }
0xac: {  	[dreg:$0x1] =	wrdreg $0xFFFFFFFF  }
0xad: {  	[dreg:$0x0] =	wrdreg $0x60  }
0xae: {  	[dreg:$0x2] =	wrdreg s2  }
0xaf: {  	[dreg:$0x3] =	wrdreg s24  }
0xb0: {  	[dreg:$0x4] =	wrdreg $0x9  }
0xb1: {  	_ =	task.clear_ibuf [dreg:s7], $0x5FFFF;
	_ =	strace $0x90000046  }
0xb2: {  	s29 =	simm.s32 $0x9;
	_ =	strace $0x80000048  }
0xb3: {  	_ =	swait.ge [sflag:s29], $0x1  }
0xb4: {  	[sflag:s29] =	ssyncadd.s32 $0xFFFFFFFF  }
0xb5: {  	_ =	strace $0x90000048  }
0xb6: {  	_ =	sfence  }
0xb7: {  	s30 =	sld [smem:$0x0];
	_ =	sdelay $0x2  }
0xb8: {  	s31 =	sshll.u32 s1, $0xD;
	s1 =	sshrl.u32 s1, $0x2  }
0xb9: {  	s3 =	sand.u32 $0x4000, s31;
	s1 =	sadd.s32 s1, s30  }
0xba: {  	s0 =	sor.u32 s3, s0;
	s1 =	sshll.u32 s1, $0x11  }
0xbb: {  	s0 =	sor.u32 s1, s0  }
0xbc: {  	s0 =	sadd.s32 $0x8F2B, s0  }
0xbd: {  	[sflag:s0] =	ssyncadd.remote.s32 $0x1  }
0xbe: {  	_ =	sfence.sel $0xFFFF  }
0xbf: {  	[dreg:$0x0] =	wrdreg $0xFFFFFFFF;
	(pc) =	sbr.abs _section_cstart, $3  }
0xc0: {  	[dreg:$0x1] =	wrdreg $0xFFFFFFFF  }
0xc1: {  	_ =	task.clear_ibuf [dreg:s7], $0x2FFFF;
	_ =	strace $0x9FFFFFFF  }
0xc2: {  	(tm) =	ssettm $0x7FFFFFFF  }
0xc3: {  	_ =	shalt  }
tec
execute0_lowered:
.L_overlay_start_1:
0x0: {  	(tag) =	ssettag $0x1  }
0x1: {  	s3 =	rddreg [dreg:$0x0]  }
0x2: {  	s4 =	rddreg [dreg:$0x1]  }
0x3: {  	s0 =	rddreg [dreg:$0x2]  }
0x4: {  	s5 =	srdreg.scid;
	s1 =	stileid.u32  }
0x5: {  	s2 =	simm.s32 $0x0;
	s5 =	sand.u32 $0x1, s5;
	s6 =	sshll.u32 s1, $0x1  }
0x6: {  	[smem:$0x7FF] =	sst s2;
	s6 =	sor.u32 s5, s6;
	s5 =	ssub.s32 $0x2, s5  }
0x7: {  	_ =	strace $0x80000047;
	s7 =	sshll.u32 s6, $0xC;
	s8 =	sshrl.u32 s5, $0x1  }
0x8: {  	s6 =	sshll.u32 s6, $0xD;
	s4 =	sadd.s32 s7, s4;
	s5 =	ssub.s32 s5, s8  }
0x9: {  	v0 =	vlaneseq.u32;
	s3 =	sadd.s32 s3, s6;
	s6 =	simm.s32 $0x1;
	s7 =	simm.s32 $0x10000  }
0xa: {  	v1 =	vor.u32 $0x10, v0;
	v2 =	vor.u32 $0x20, v0;
	v3 =	vadd.s32 $0x22, v0;
	s8 =	simm.s32 $0x0;
	s4 =	sadd.s32 $0xC00, s4;
	s5 =	smax.u32 s5, $0x1  }
.LBB2_1:
0xb: {  	s9 =	simm.s32 $0x0  }
0xc: {  	v4 =	vor.u32 s9, v0  }
0xd: {  	[tilespmem:s2], [sflag:$0x1] =	stream.linear.gather [hbm4b:s3+s2], $0x10000, $0x38;
	[tilespmem:$0x18000] =	vst v63  }
0xe: {  	s10 =	simm.s32 $0x0;
	_ =	swait.ge [sflag:s6], $0x10000  }
0xf: {  	s11 =	sand.u32 $0x40, s2;
	s10 =	sand.u32 $0xFFFFFF80, s10;
	[sflag:s6] =	ssyncset.done $0x0  }
0x10: {  	s11 =	sor.u32 s10, s11;
	[sflag:s6] =	ssyncadd.s32 $0xFFFF0000  }
0x11: {  	v5 =	vor.u32 s11, v0;
	v4 =	vld.idx.msk [tilespmem:v4+s2+$0x0], $0xffff  }
0x12: {  	v6 =	vor.u32 s9, v1;
	_ =	sdelay $0x3  }
0x13: {  	s10 =	sor.u32 $0x10, s11;
	[tilespmem:v5+s7+$0x0] =	vst.idx.msk $0xffff, v4  }
0x14: {  	v5 =	vor.u32 s10, v0;
	v4 =	vld.idx.msk [tilespmem:v6+s2+$0x0], $0xffff  }
0x15: {  	v6 =	vor.u32 s9, v2;
	_ =	sdelay $0x3  }
0x16: {  	s31 =	sor.u32 $0x20, s11;
	[tilespmem:v5+s7+$0x0] =	vst.idx.msk $0xffff, v4  }
0x17: {  	v5 =	vor.u32 s31, v0;
	v4 =	vld.idx.msk [tilespmem:v6+s2+$0x0], $0xffff  }
0x18: {  	v6 =	vor.u32 s9, v3;
	_ =	sdelay $0x3  }
0x19: {  	s12 =	simm.s32 $0x2;
	s11 =	sor.u32 $0x22, s11;
	[tilespmem:v5+s7+$0x0] =	vst.idx.msk $0xffff, v4  }
0x1a: {  	s10 =	simm.s32 $0x1;
	s9 =	simm.s32 $0x80;
	v5 =	vadd.s32 s11, v0;
	s11 =	simm.s32 $0x0;
	v4 =	vld.idx.msk [tilespmem:v6+s2+$0x0], $0xffff  }
.LBB2_2:
0x1b: {  	p0 =	sne.s32 s12, $0x1FF;
	v6 =	vor.u32 s9, v0;
	_ =	sdelay $0x2  }
0x1c: {  	s13 =	sshll.u32 s10, $0x6;
	s11 =	sadd.s32 $0x40, s11;
	s10 =	smov.u32 s12  }
0x1d: {  	s14 =	sand.u32 $0x40, s11;
	s13 =	sand.u32 $0xFFFFFF80, s13;
	[tilespmem:v5+s7+$0x0] =	vst.idx.msk $0xffff, v4  }
0x1e: {  	s13 =	sor.u32 s13, s14;
	v4 =	vld.idx.msk [tilespmem:v6+s2+$0x0], $0xffff  }
0x1f: {  	v5 =	vor.u32 s13, v0  }
0x20: {  	v6 =	vor.u32 s9, v1;
	_ =	sdelay $0x3  }
0x21: {  	[tilespmem:v5+s7+$0x0] =	vst.idx.msk $0xffff, v4  }
0x22: {  	s14 =	sor.u32 $0x10, s13;
	v4 =	vld.idx.msk [tilespmem:v6+s2+$0x0], $0xffff  }
0x23: {  	v5 =	vor.u32 s14, v0  }
0x24: {  	v6 =	vor.u32 s9, v2;
	_ =	sdelay $0x3  }
0x25: {  	[tilespmem:v5+s7+$0x0] =	vst.idx.msk $0xffff, v4  }
0x26: {  	s14 =	sor.u32 $0x20, s13;
	v4 =	vld.idx.msk [tilespmem:v6+s2+$0x0], $0xffff  }
0x27: {  	v5 =	vor.u32 s14, v0  }
0x28: {  	v6 =	vor.u32 s9, v3;
	_ =	sdelay $0x1  }
.Ltmp0:
0x29: {  	(pc) =	sbr.rel @p0 .LBB2_2-.Ltmp0, $4  }
0x2a: {  	_ = 	snop  }
0x2b: {  	[tilespmem:v5+s7+$0x0] =	vst.idx.msk $0xffff, v4  }
0x2c: {  	s13 =	sor.u32 $0x22, s13;
	v4 =	vld.idx.msk [tilespmem:v6+s2+$0x0], $0xffff  }
0x2d: {  	s12 =	sadd.s32 $0x1, s12;
	s9 =	sshll.u32 s10, $0x7;
	v5 =	vadd.s32 s13, v0  }
0x2e: {  	v6 =	vor.u32 s9, v0;
	_ =	sdelay $0x1  }
0x2f: {  	s10 =	sshll.u32 s10, $0x6;
	s11 =	sadd.s32 $0x40, s11  }
0x30: {  	s11 =	sand.u32 $0x40, s11;
	s10 =	sand.u32 $0xFFFFFF80, s10  }
0x31: {  	s10 =	sor.u32 s10, s11;
	[tilespmem:v5+s7+$0x0] =	vst.idx.msk $0xffff, v4  }
0x32: {  	v5 =	vor.u32 s10, v0;
	v4 =	vld.idx.msk [tilespmem:v6+s2+$0x0], $0xffff  }
0x33: {  	v61 =	vor.u32 s9, v1;
	_ =	sdelay $0x3  }
0x34: {  	s11 =	sor.u32 $0x10, s10;
	[tilespmem:v5+s7+$0x0] =	vst.idx.msk $0xffff, v4  }
0x35: {  	v5 =	vor.u32 s11, v0;
	v4 =	vld.idx.msk [tilespmem:v61+s2+$0x0], $0xffff  }
0x36: {  	v62 =	vor.u32 s9, v2;
	_ =	sdelay $0x3  }
0x37: {  	s30 =	sor.u32 $0x20, s10;
	[tilespmem:v5+s7+$0x0] =	vst.idx.msk $0xffff, v4  }
0x38: {  	v5 =	vor.u32 s30, v0;
	v4 =	vld.idx.msk [tilespmem:v62+s2+$0x0], $0xffff  }
0x39: {  	v63 =	vor.u32 s9, v3;
	_ =	sdelay $0x3  }
0x3a: {  	s31 =	sor.u32 $0x22, s10;
	[tilespmem:v5+s7+$0x0] =	vst.idx.msk $0xffff, v4  }
0x3b: {  	v5 =	vadd.s32 s31, v0;
	v4 =	vld.idx.msk [tilespmem:v63+s2+$0x0], $0xffff;
	_ =	sdelay $0x2  }
0x3c: {  	s8 =	sadd.s32 $0x1, s8  }
0x3d: {  	p0 =	sne.s32 s8, s5  }
.Ltmp1:
0x3e: {  	[tilespmem:v5+s7+$0x0] =	vst.idx.msk $0xffff, v4;
	(pc) =	sbr.rel @p0 .LBB2_1-.Ltmp1, $4  }
0x3f: {  	[hbm4b:s4+s2] =	stream.linear.scatter [tilespmem:s7], [sflag:$0x1], $0x8000, $0x38;
	[tilespmem:$0x18000] =	vst v63  }
0x40: {  	_ =	swait.ge [sflag:s6], $0x8000  }
0x41: {  	[sflag:s6] =	ssyncset.done $0x0  }
0x42: {  	[sflag:s6] =	ssyncadd.s32 $0xFFFF8000  }
0x43: {  	_ =	sfence.sel $0x180000  }
0x44: {  	[bflag:$0x0] =	sbarrier.arrive $0xFFFF  }
0x45: {  	p0 =	sne.s32 s1, $0x0;
	_ =	strace $0x90000047  }
0x46: {  	s0 =	sadd.s32 @!p0 $0x100000, s0;
	[bflag:$0x2] =	sbarrier.arrive $0xFFFF  }
0x47: {  	[sflag:s0] =	ssyncadd.tile.s32 @!p0 $0x1;
	_ =	shalt  }
.Lfunc_end2:
_tile_overlayer_lowered:
.L_overlay_start_2:
0x48: {  	(tag) =	ssettag $0x2  }
0x49: {  	s0 =	rddreg [dreg:$0x0];
	s2 =	stileid.u32  }
0x4a: {  	s1 =	rddreg [dreg:$0x1];
	p0 =	sne.s32 s2, $0x0  }
0x4b: {  	s3 =	rddreg [dreg:$0x2];
	[bflag:$0x3] =	sbarrier.arrive $0xFFFF;
	s2 =	simm.s32 @!p0 $0x1C01  }
0x4c: {  	[timem:s3], [sflag:s2] =	dma.local @!p0 [hbm:s0], s1  }
0x4d: {  	s0 =	simm.s32 @!p0 $0x1  }
0x4e: {  	_ =	swait.ge @!p0 [sflag:s0], s1  }
0x4f: {  	s1 =	ssub.s32 @!p0 $0x0, s1;
	[sflag:s0] =	ssyncset.done @!p0 $0x0  }
0x50: {  	[sflag:s0] =	ssyncadd.s32 @!p0 s1  }
0x51: {  	[bflag:$0x3] =	sbarrier.arrive $0xFFFF  }
0x52: {  	_ =	shalt  }

// kernel: kernel.7.cloned.1.call-start
scs
__scs_entry_jumppad:
0x0: {  	(pc) =	sbr.rel $0x88, $3  }
0x1: {  	(tag) =	ssettag $0x0;
	lr =	simm.s32 $0x1  }
0x2: {  	[smem:$0x3F9F] =	sst lr;
	_ =	strace $0xD0000000  }
0x3: {  	_ = 	snop  }
0x4: {  	_ = 	snop  }
0x5: {  	_ = 	snop  }
0x6: {  	_ = 	snop  }
0x7: {  	_ = 	snop  }
__scs_overlays_trampoline_lowered:
0x8: {  	[smem:$0x3FAE] =	sst s0  }
0x9: {  	[smem:$0x3FAF] =	sst s1  }
0xa: {  	[smem:$0x3FB0] =	sst s2  }
0xb: {  	[smem:$0x3FB1] =	sst s3  }
0xc: {  	[smem:$0x3FB2] =	sst s4  }
0xd: {  	[smem:$0x3FB3] =	sst s5  }
0xe: {  	[smem:$0x3FB4] =	sst s6  }
0xf: {  	[smem:$0x3FB5] =	sst s7  }
0x10: {  	[smem:$0x3FB6] =	sst s8  }
0x11: {  	[smem:$0x3FB7] =	sst s9;
	s0 =	simm.s32 @!p0 $0x0  }
0x12: {  	s1 =	sld [smem:$0x3F9D];
	s0 =	simm.s32 @p0 $0x1  }
0x13: {  	[smem:$0x3FB8] =	sst s0;
	s0 =	simm.s32 @!p1 $0x0  }
0x14: {  	s2 =	sld [smem:$0x3F9C];
	s0 =	simm.s32 @p1 $0x1  }
0x15: {  	[smem:$0x3FB9] =	sst s0;
	s0 =	simm.s32 @!p2 $0x0  }
0x16: {  	s3 =	sld [smem:$0x3FDB];
	s0 =	simm.s32 @p2 $0x1  }
0x17: {  	s4 =	simm.s32 $0x1BF5;
	[smem:$0x3FBB] =	sst s0  }
0x18: {  	s0 =	sld [smem:$0x3F9E];
	_ =	swait.ge [sflag:s4], $0x0  }
0x19: {  	s7 =	sld [smem:$0x3F9F]  }
0x1a: {  	s8 =	sadd.s32 $0xFFFFE003, lr  }
0x1b: {  	s9 =	sadd.s32 $0xFFFFFEF7, lr;
	s5 =	simm.s32 $0xFFFFFFFF;
	p2 =	slt.u32 s8, $0xFFFFF086  }
0x1c: {  	p1 =	slt.u32 s9, $0xF7A;
	s5 =	simm.s32 @!p2 $0x0  }
0x1d: {  	s5 =	simm.s32 @p1 $0x1;
	p0 =	seq.s32 s7, s2  }
0x1e: {  	s7 =	smul.u32 @!p0 $0xF7A, s2;
	p2 =	seq.s32 @!p0 s5, $0x0  }
0x1f: {  	s9 =	smul.u32 $0xF7A, s1;
	s8 =	simm.s32 @!p0 $0x1BF5;
	p2 =	por !p2, p0  }
0x20: {  	[sflag:s8] =	ssyncset.s32 @!p0 $0xFFFFF086;
	s6 =	sadd.s32 @!p0 s3, s7;
	s7 =	simm.s32 @!p0 $0x108  }
0x21: {  	s3 =	sadd.s32 s3, s9;
	s6 =	sadd.s32 @!p0 $0x88, s6;
	s7 =	simm.s32 @p2 $0x1082  }
0x22: {  	[simem:s7], [sflag:s8] =	dma.local @!p0 [hbm:s6], $0xF7A  }
0x23: {  	s9 =	sor.u32 $0xD0000000, s2;
	s6 =	simm.s32 $0x108;
	_ =	swait.ge @!p0 [sflag:s8], $0x0  }
0x24: {  	s3 =	sadd.s32 $0x88, s3;
	s6 =	simm.s32 @!p1 $0x1082;
	[sflag:s4] =	ssyncset.s32 $0xFFFFF086  }
0x25: {  	[simem:s6], [sflag:s4] =	dma.local [hbm:s3], $0xF7A  }
0x26: {  	[smem:$0x3F9F] =	sst s1;
	(tag) =	ssettag s2;
	_ =	strace s9  }
0x27: {  	s1 =	sld [smem:$0x3FAF]  }
0x28: {  	s2 =	sld [smem:$0x3FB0]  }
0x29: {  	s4 =	sld [smem:$0x3FB2]  }
0x2a: {  	p0 =	seq.s32 s5, $0x0;
	s5 =	sld [smem:$0x3FB3]  }
0x2b: {  	s6 =	sld [smem:$0x3FB4]  }
0x2c: {  	s7 =	sld [smem:$0x3FB5]  }
0x2d: {  	s3 =	simm.s32 $0x108;
	s8 =	sld [smem:$0x3FB6]  }
0x2e: {  	s3 =	simm.s32 @!p0 $0x1082;
	s9 =	sld [smem:$0x3FB7]  }
0x2f: {  	lr =	sadd.s32 s0, s3;
	s0 =	sld [smem:$0x3FAE]  }
0x30: {  	s3 =	sld [smem:$0x3FB1]  }
0x31: {  	[smem:$0x3FBA] =	sst s10  }
0x32: {  	s10 =	sld [smem:$0x3FB8];
	_ =	sdelay $0x3  }
0x33: {  	p0 =	seq.s32 s10, $0x1;
	s10 =	sld [smem:$0x3FBA];
	_ =	sdelay $0x3  }
0x34: {  	[smem:$0x3FBA] =	sst s10  }
0x35: {  	s10 =	sld [smem:$0x3FB9];
	_ =	sdelay $0x3  }
0x36: {  	p1 =	seq.s32 s10, $0x1;
	s10 =	sld [smem:$0x3FBA];
	_ =	sdelay $0x3  }
0x37: {  	[smem:$0x3FBA] =	sst s10  }
0x38: {  	s10 =	sld [smem:$0x3FBB]  }
0x39: {  	_ = 	snop;
	(pc) =	sbr.ind lr, $3  }
0x3a: {  	_ = 	snop  }
0x3b: {  	_ = 	snop  }
0x3c: {  	p2 =	seq.s32 s10, $0x1;
	s10 =	sld [smem:$0x3FBA]  }
0x3d: {  	_ =	shalt  }
0x3e: {  	_ =	shalt  }
0x3f: {  	_ =	shalt  }
0x40: {  	_ =	shalt  }
0x41: {  	_ =	shalt  }
0x42: {  	_ =	shalt  }
0x43: {  	_ =	shalt  }
0x44: {  	_ =	shalt  }
0x45: {  	_ =	shalt  }
0x46: {  	_ =	shalt  }
0x47: {  	_ =	shalt  }
0x48: {  	_ =	shalt  }
0x49: {  	_ =	shalt  }
0x4a: {  	_ =	shalt  }
0x4b: {  	_ =	shalt  }
0x4c: {  	_ =	shalt  }
0x4d: {  	_ =	shalt  }
0x4e: {  	_ =	shalt  }
0x4f: {  	_ =	shalt  }
0x50: {  	_ =	shalt  }
0x51: {  	_ =	shalt  }
0x52: {  	_ =	shalt  }
0x53: {  	_ =	shalt  }
0x54: {  	_ =	shalt  }
0x55: {  	_ =	shalt  }
0x56: {  	_ =	shalt  }
0x57: {  	_ =	shalt  }
0x58: {  	_ =	shalt  }
0x59: {  	_ =	shalt  }
0x5a: {  	_ =	shalt  }
0x5b: {  	_ =	shalt  }
0x5c: {  	_ =	shalt  }
0x5d: {  	_ =	shalt  }
0x5e: {  	_ =	shalt  }
0x5f: {  	_ =	shalt  }
0x60: {  	_ =	shalt  }
0x61: {  	_ =	shalt  }
0x62: {  	_ =	shalt  }
0x63: {  	_ =	shalt  }
0x64: {  	_ =	shalt  }
0x65: {  	_ =	shalt  }
0x66: {  	_ =	shalt  }
0x67: {  	_ =	shalt  }
0x68: {  	_ =	shalt  }
0x69: {  	_ =	shalt  }
0x6a: {  	_ =	shalt  }
0x6b: {  	_ =	shalt  }
0x6c: {  	_ =	shalt  }
0x6d: {  	_ =	shalt  }
0x6e: {  	_ =	shalt  }
0x6f: {  	_ =	shalt  }
0x70: {  	_ =	shalt  }
0x71: {  	_ =	shalt  }
0x72: {  	_ =	shalt  }
0x73: {  	_ =	shalt  }
0x74: {  	_ =	shalt  }
0x75: {  	_ =	shalt  }
0x76: {  	_ =	shalt  }
0x77: {  	_ =	shalt  }
0x78: {  	_ =	shalt  }
0x79: {  	_ =	shalt  }
0x7a: {  	_ =	shalt  }
0x7b: {  	_ =	shalt  }
0x7c: {  	_ =	shalt  }
0x7d: {  	_ =	shalt  }
0x7e: {  	_ =	shalt  }
0x7f: {  	_ =	shalt  }
0x80: {  	_ =	shalt  }
0x81: {  	_ =	shalt  }
0x82: {  	_ =	shalt  }
0x83: {  	_ =	shalt  }
0x84: {  	_ =	shalt  }
0x85: {  	_ =	shalt  }
0x86: {  	_ =	shalt  }
0x87: {  	_ =	shalt  }
.Lfunc_end0:
.L_simem_size_0:
called_computation.2_lowered:
.L_overlay_start_0:
0x88: {  	s2 =	sld [smem:$0x3FD9]  }
0x89: {  	s3 =	sld [smem:$0x3FFE];
	_ =	sdelay $0x1  }
0x8a: {  	s1 =	srdreg.scid  }
0x8b: {  	s0 =	sand.u32 $0x1, s1  }
0x8c: {  	s17 =	sshll.u32 s0, $0xA;
	s2 =	sadd.s32 s3, s2  }
0x8d: {  	s2 =	sadd.s32 s2, s17  }
0x8e: {  	[smem:$0x3FC6] =	sst s2  }
0x8f: {  	_ = 	snop  }
0x90: {  	s2 =	sld [smem:$0x3FD0];
	(tm) =	ssettm $0x1  }
0x91: {  	s18 =	sld [smem:$0x3FFB];
	_ =	sdelay $0x3  }
0x92: {  	_ =	strace s18  }
0x93: {  	s3 =	sld [smem:$0x3FFC];
	_ =	sdelay $0x3  }
0x94: {  	_ =	strace s3  }
0x95: {  	s3 =	sld [smem:$0x3FFD];
	_ =	sdelay $0x3  }
0x96: {  	_ =	strace s3  }
0x97: {  	_ =	strace $0x8FFFFFFF  }
0x98: {  	s19 =	sld [smem:$0x3FDB];
	_ =	sdelay $0x1  }
0x99: {  	s4 =	simm.s32 $_scs_section_size  }
0x9a: {  	s5 =	simm.s32 $_size__tile_overlayer_lowered;
	s6 =	simm.s32 $_tile_overlayer_lowered  }
0x9b: {  	s22 =	simm.s32 $0x1BFF;
	s21 =	sshll.u32 s6, $0x1;
	s3 =	sadd.s32 s4, s19  }
0x9c: {  	s7 =	simm.s32 $0x0;
	s20 =	sshll.u32 s5, $0x1;
	s5 =	sadd.s32 s21, s3  }
0x9d: {  	[timem:s7], [sflag:s22] =	dma.local [hbm:s5], s20  }
0x9e: {  	_ =	swait.ge [sflag:s22], s20  }
0x9f: {  	s4 =	ssub.s32 $0x0, s20;
	[sflag:s22] =	ssyncset.done $0x0  }
0xa0: {  	[sflag:s22] =	ssyncadd.s32 s4;
	_ =	sdelay $0x1  }
0xa1: {  	s23 =	simm.s32 $0x1B8B  }
0xa2: {  	_ =	swait.ge [sflag:s23], $0x1  }
0xa3: {  	[sflag:s23] =	ssyncset.done $0x0  }
0xa4: {  	s25 =	simm.s32 $0x1B8E;
	s24 =	sld [smem:$0x3FFE];
	[sflag:s23] =	ssyncadd.s32 $0xFFFFFFFF  }
0xa5: {  	s26 =	simm.s32 $execute0_lowered;
	[smem:$0x3FD2] =	sst s25  }
0xa6: {  	s5 =	sshll.u32 s26, $0x1;
	_ =	strace $0x80000049;
	[dreg:$0x1] =	wrdreg $0xFFFFFFFF  }
0xa7: {  	s28 =	simm.s32 $_size_execute0_lowered;
	s3 =	sadd.s32 s3, s5;
	[dreg:$0x0] =	wrdreg $0x0  }
0xa8: {  	s5 =	sshll.u32 s28, $0x1;
	[dreg:$0x2] =	wrdreg s3  }
0xa9: {  	[dreg:$0x3] =	wrdreg s5  }
0xaa: {  	[dreg:$0x4] =	wrdreg $0xC0  }
0xab: {  	_ =	task [dreg:s7], $0x5FFFF  }
0xac: {  	[dreg:$0x1] =	wrdreg $0xFFFFFFFF  }
0xad: {  	[dreg:$0x0] =	wrdreg $0x60  }
0xae: {  	[dreg:$0x2] =	wrdreg s24  }
0xaf: {  	[dreg:$0x3] =	wrdreg s2  }
0xb0: {  	[dreg:$0x4] =	wrdreg $0x9  }
0xb1: {  	_ =	task.clear_ibuf [dreg:s7], $0x5FFFF;
	_ =	strace $0x90000049  }
0xb2: {  	s29 =	simm.s32 $0x9;
	_ =	strace $0x8000004B  }
0xb3: {  	_ =	swait.ge [sflag:s29], $0x1  }
0xb4: {  	[sflag:s29] =	ssyncadd.s32 $0xFFFFFFFF  }
0xb5: {  	_ =	strace $0x9000004B  }
0xb6: {  	_ =	sfence  }
0xb7: {  	s30 =	sld [smem:$0x0];
	_ =	sdelay $0x2  }
0xb8: {  	s31 =	sshll.u32 s1, $0xD;
	s1 =	sshrl.u32 s1, $0x2  }
0xb9: {  	s3 =	sand.u32 $0x4000, s31;
	s1 =	sadd.s32 s1, s30  }
0xba: {  	s0 =	sor.u32 s3, s0;
	s1 =	sshll.u32 s1, $0x11  }
0xbb: {  	s0 =	sor.u32 s1, s0  }
0xbc: {  	s0 =	sadd.s32 $0x8F2B, s0  }
0xbd: {  	[sflag:s0] =	ssyncadd.remote.s32 $0x1  }
0xbe: {  	_ =	sfence.sel $0xFFFF  }
0xbf: {  	[dreg:$0x0] =	wrdreg $0xFFFFFFFF;
	(pc) =	sbr.abs _section_cstart, $3  }
0xc0: {  	[dreg:$0x1] =	wrdreg $0xFFFFFFFF  }
0xc1: {  	_ =	task.clear_ibuf [dreg:s7], $0x2FFFF;
	_ =	strace $0x9FFFFFFF  }
0xc2: {  	(tm) =	ssettm $0x7FFFFFFF  }
0xc3: {  	_ =	shalt  }
tec
execute0_lowered:
.L_overlay_start_1:
0x0: {  	(tag) =	ssettag $0x1  }
0x1: {  	s0 =	rddreg [dreg:$0x0]  }
0x2: {  	s1 =	rddreg [dreg:$0x1];
	s2 =	simm.s32 $0x0  }
0x3: {  	s3 =	srdreg.scid;
	s6 =	stileid.u32;
	s10 =	simm.s32 $0x940  }
0x4: {  	s11 =	simm.s32 $0x16740;
	s12 =	simm.s32 $0x980;
	s13 =	simm.s32 $0x16D80  }
0x5: {  	s14 =	simm.s32 $0x9C0;
	s15 =	simm.s32 $0x173C0;
	s16 =	simm.s32 $0x1  }
0x6: {  	s17 =	simm.s32 $0x2;
	s18 =	simm.s32 $0x0;
	[smem:$0x7FF] =	sst s2  }
0x7: {  	s3 =	sand.u32 $0x1, s3;
	s4 =	sshll.u32 s6, $0xD;
	s6 =	smul.u32 $0x32000, s6  }
0x8: {  	_ =	strace $0x8000004A;
	s5 =	sshll.u32 s3, $0xC;
	s30 =	ssub.s32 $0x2, s3  }
0x9: {  	s8 =	smul.u32 $0x19000, s3;
	s3 =	sadd.s32 $0xF63000, s0;
	s4 =	sor.u32 s5, s4  }
0xa: {  	s7 =	sshrl.u32 s30, $0x1;
	s1 =	sadd.s32 s6, s1;
	s4 =	sadd.s32 s4, s0  }
0xb: {  	s31 =	ssub.s32 s30, s7;
	s6 =	sadd.s32 s8, s1;
	s7 =	simm.s32 $0x3  }
0xc: {  	s8 =	simm.s32 $0x32;
	s4 =	sadd.s32 $0xC00, s4;
	s5 =	smax.u32 s31, $0x1  }
.LBB2_1:
0xd: {  	[tilespmem:s2], [sflag:$0x3] =	stream.linear.gather [hbm4b:s4+s2], $0x8000, $0x38;
	[tilespmem:$0x1AC00] =	vst v63  }
0xe: {  	_ =	swait.ge [sflag:s7], $0x8000  }
0xf: {  	[sflag:s7] =	ssyncset.done $0x0  }
0x10: {  	s0 =	simm.s32 $0x8000;
	[sflag:s7] =	ssyncadd.s32 $0xFFFF8000  }
0x11: {  	[tilespmem:s0], [sflag:$0x1] =	stream.indirect.gather [hbm4b:s3+s8], $0x20, s2, s8, $0xb8;
	[tilespmem:$0x1AC00] =	vst v63  }
0x12: {  	s31 =	simm.s32 $0x40;
	s1 =	simm.s32 $0x8640  }
0x13: {  	[tilespmem:s1], [sflag:$0x1] =	stream.indirect.gather [hbm4b:s3+s8], $0x20, s31, s8, $0xb8;
	[tilespmem:$0x1AC00] =	vst v63  }
0x14: {  	s9 =	simm.s32 $0x8C80;
	s1 =	simm.s32 $0x80  }
0x15: {  	[tilespmem:s9], [sflag:$0x1] =	stream.indirect.gather [hbm4b:s3+s8], $0x20, s1, s8, $0xb8;
	[tilespmem:$0x1AC00] =	vst v63  }
0x16: {  	s19 =	simm.s32 $0xC0;
	s20 =	simm.s32 $0x92C0  }
0x17: {  	[tilespmem:s20], [sflag:$0x1] =	stream.indirect.gather [hbm4b:s3+s8], $0x20, s19, s8, $0xb8;
	[tilespmem:$0x1AC00] =	vst v63  }
0x18: {  	s21 =	simm.s32 $0x100;
	s22 =	simm.s32 $0x9900  }
0x19: {  	[tilespmem:s22], [sflag:$0x1] =	stream.indirect.gather [hbm4b:s3+s8], $0x20, s21, s8, $0xb8;
	[tilespmem:$0x1AC00] =	vst v63  }
0x1a: {  	s23 =	simm.s32 $0x140;
	s24 =	simm.s32 $0x9F40  }
0x1b: {  	[tilespmem:s24], [sflag:$0x1] =	stream.indirect.gather [hbm4b:s3+s8], $0x20, s23, s8, $0xb8;
	[tilespmem:$0x1AC00] =	vst v63  }
0x1c: {  	s25 =	simm.s32 $0x180;
	s26 =	simm.s32 $0xA580  }
0x1d: {  	[tilespmem:s26], [sflag:$0x1] =	stream.indirect.gather [hbm4b:s3+s8], $0x20, s25, s8, $0xb8;
	[tilespmem:$0x1AC00] =	vst v63  }
0x1e: {  	s28 =	simm.s32 $0x1C0;
	s29 =	simm.s32 $0xABC0  }
0x1f: {  	[tilespmem:s29], [sflag:$0x1] =	stream.indirect.gather [hbm4b:s3+s8], $0x20, s28, s8, $0xb8;
	[tilespmem:$0x1AC00] =	vst v63  }
0x20: {  	s30 =	simm.s32 $0x200;
	s31 =	simm.s32 $0xB200  }
0x21: {  	[tilespmem:s31], [sflag:$0x1] =	stream.indirect.gather [hbm4b:s3+s8], $0x20, s30, s8, $0xb8;
	[tilespmem:$0x1AC00] =	vst v63  }
0x22: {  	s1 =	simm.s32 $0x240;
	s9 =	simm.s32 $0xB840  }
0x23: {  	[tilespmem:s9], [sflag:$0x1] =	stream.indirect.gather [hbm4b:s3+s8], $0x20, s1, s8, $0xb8;
	[tilespmem:$0x1AC00] =	vst v63  }
0x24: {  	s19 =	simm.s32 $0x280;
	s20 =	simm.s32 $0xBE80  }
0x25: {  	[tilespmem:s20], [sflag:$0x1] =	stream.indirect.gather [hbm4b:s3+s8], $0x20, s19, s8, $0xb8;
	[tilespmem:$0x1AC00] =	vst v63  }
0x26: {  	s21 =	simm.s32 $0x2C0;
	s22 =	simm.s32 $0xC4C0  }
0x27: {  	[tilespmem:s22], [sflag:$0x1] =	stream.indirect.gather [hbm4b:s3+s8], $0x20, s21, s8, $0xb8;
	[tilespmem:$0x1AC00] =	vst v63  }
0x28: {  	s23 =	simm.s32 $0x300;
	s24 =	simm.s32 $0xCB00  }
0x29: {  	[tilespmem:s24], [sflag:$0x1] =	stream.indirect.gather [hbm4b:s3+s8], $0x20, s23, s8, $0xb8;
	[tilespmem:$0x1AC00] =	vst v63  }
0x2a: {  	s25 =	simm.s32 $0x340;
	s26 =	simm.s32 $0xD140  }
0x2b: {  	[tilespmem:s26], [sflag:$0x1] =	stream.indirect.gather [hbm4b:s3+s8], $0x20, s25, s8, $0xb8;
	[tilespmem:$0x1AC00] =	vst v63  }
0x2c: {  	s28 =	simm.s32 $0x380;
	s29 =	simm.s32 $0xD780  }
0x2d: {  	[tilespmem:s29], [sflag:$0x1] =	stream.indirect.gather [hbm4b:s3+s8], $0x20, s28, s8, $0xb8;
	[tilespmem:$0x1AC00] =	vst v63  }
0x2e: {  	s30 =	simm.s32 $0x3C0;
	s31 =	simm.s32 $0xDDC0  }
0x2f: {  	[tilespmem:s31], [sflag:$0x1] =	stream.indirect.gather [hbm4b:s3+s8], $0x20, s30, s8, $0xb8;
	[tilespmem:$0x1AC00] =	vst v63  }
0x30: {  	s1 =	simm.s32 $0x400;
	s9 =	simm.s32 $0xE400  }
0x31: {  	[tilespmem:s9], [sflag:$0x1] =	stream.indirect.gather [hbm4b:s3+s8], $0x20, s1, s8, $0xb8;
	[tilespmem:$0x1AC00] =	vst v63  }
0x32: {  	s19 =	simm.s32 $0x440;
	s20 =	simm.s32 $0xEA40  }
0x33: {  	[tilespmem:s20], [sflag:$0x1] =	stream.indirect.gather [hbm4b:s3+s8], $0x20, s19, s8, $0xb8;
	[tilespmem:$0x1AC00] =	vst v63  }
0x34: {  	s21 =	simm.s32 $0x480;
	s22 =	simm.s32 $0xF080  }
0x35: {  	[tilespmem:s22], [sflag:$0x1] =	stream.indirect.gather [hbm4b:s3+s8], $0x20, s21, s8, $0xb8;
	[tilespmem:$0x1AC00] =	vst v63  }
0x36: {  	s23 =	simm.s32 $0x4C0;
	s24 =	simm.s32 $0xF6C0  }
0x37: {  	[tilespmem:s24], [sflag:$0x1] =	stream.indirect.gather [hbm4b:s3+s8], $0x20, s23, s8, $0xb8;
	[tilespmem:$0x1AC00] =	vst v63  }
0x38: {  	s25 =	simm.s32 $0x500;
	s26 =	simm.s32 $0xFD00  }
0x39: {  	[tilespmem:s26], [sflag:$0x1] =	stream.indirect.gather [hbm4b:s3+s8], $0x20, s25, s8, $0xb8;
	[tilespmem:$0x1AC00] =	vst v63  }
0x3a: {  	s28 =	simm.s32 $0x540;
	s29 =	simm.s32 $0x10340  }
0x3b: {  	[tilespmem:s29], [sflag:$0x1] =	stream.indirect.gather [hbm4b:s3+s8], $0x20, s28, s8, $0xb8;
	[tilespmem:$0x1AC00] =	vst v63  }
0x3c: {  	s30 =	simm.s32 $0x580;
	s31 =	simm.s32 $0x10980  }
0x3d: {  	[tilespmem:s31], [sflag:$0x1] =	stream.indirect.gather [hbm4b:s3+s8], $0x20, s30, s8, $0xb8;
	[tilespmem:$0x1AC00] =	vst v63  }
0x3e: {  	s1 =	simm.s32 $0x5C0;
	s9 =	simm.s32 $0x10FC0  }
0x3f: {  	[tilespmem:s9], [sflag:$0x1] =	stream.indirect.gather [hbm4b:s3+s8], $0x20, s1, s8, $0xb8;
	[tilespmem:$0x1AC00] =	vst v63  }
0x40: {  	s19 =	simm.s32 $0x600;
	s20 =	simm.s32 $0x11600  }
0x41: {  	[tilespmem:s20], [sflag:$0x1] =	stream.indirect.gather [hbm4b:s3+s8], $0x20, s19, s8, $0xb8;
	[tilespmem:$0x1AC00] =	vst v63  }
0x42: {  	s21 =	simm.s32 $0x640;
	s22 =	simm.s32 $0x11C40  }
0x43: {  	[tilespmem:s22], [sflag:$0x1] =	stream.indirect.gather [hbm4b:s3+s8], $0x20, s21, s8, $0xb8;
	[tilespmem:$0x1AC00] =	vst v63  }
0x44: {  	s23 =	simm.s32 $0x680;
	s24 =	simm.s32 $0x12280  }
0x45: {  	[tilespmem:s24], [sflag:$0x1] =	stream.indirect.gather [hbm4b:s3+s8], $0x20, s23, s8, $0xb8;
	[tilespmem:$0x1AC00] =	vst v63  }
0x46: {  	s25 =	simm.s32 $0x6C0;
	s26 =	simm.s32 $0x128C0  }
0x47: {  	[tilespmem:s26], [sflag:$0x1] =	stream.indirect.gather [hbm4b:s3+s8], $0x20, s25, s8, $0xb8;
	[tilespmem:$0x1AC00] =	vst v63  }
0x48: {  	s28 =	simm.s32 $0x700;
	s29 =	simm.s32 $0x12F00  }
0x49: {  	[tilespmem:s29], [sflag:$0x1] =	stream.indirect.gather [hbm4b:s3+s8], $0x20, s28, s8, $0xb8;
	[tilespmem:$0x1AC00] =	vst v63  }
0x4a: {  	s30 =	simm.s32 $0x740;
	s31 =	simm.s32 $0x13540  }
0x4b: {  	[tilespmem:s31], [sflag:$0x1] =	stream.indirect.gather [hbm4b:s3+s8], $0x20, s30, s8, $0xb8;
	[tilespmem:$0x1AC00] =	vst v63  }
0x4c: {  	s1 =	simm.s32 $0x780;
	s9 =	simm.s32 $0x13B80  }
0x4d: {  	[tilespmem:s9], [sflag:$0x1] =	stream.indirect.gather [hbm4b:s3+s8], $0x20, s1, s8, $0xb8;
	[tilespmem:$0x1AC00] =	vst v63  }
0x4e: {  	s19 =	simm.s32 $0x7C0;
	s20 =	simm.s32 $0x141C0  }
0x4f: {  	[tilespmem:s20], [sflag:$0x1] =	stream.indirect.gather [hbm4b:s3+s8], $0x20, s19, s8, $0xb8;
	[tilespmem:$0x1AC00] =	vst v63  }
0x50: {  	s21 =	simm.s32 $0x800;
	s22 =	simm.s32 $0x14800  }
0x51: {  	[tilespmem:s22], [sflag:$0x1] =	stream.indirect.gather [hbm4b:s3+s8], $0x20, s21, s8, $0xb8;
	[tilespmem:$0x1AC00] =	vst v63  }
0x52: {  	s23 =	simm.s32 $0x840;
	s24 =	simm.s32 $0x14E40  }
0x53: {  	[tilespmem:s24], [sflag:$0x1] =	stream.indirect.gather [hbm4b:s3+s8], $0x20, s23, s8, $0xb8;
	[tilespmem:$0x1AC00] =	vst v63  }
0x54: {  	s25 =	simm.s32 $0x880;
	s26 =	simm.s32 $0x15480  }
0x55: {  	[tilespmem:s26], [sflag:$0x1] =	stream.indirect.gather [hbm4b:s3+s8], $0x20, s25, s8, $0xb8;
	[tilespmem:$0x1AC00] =	vst v63  }
0x56: {  	s28 =	simm.s32 $0x8C0;
	s29 =	simm.s32 $0x15AC0  }
0x57: {  	[tilespmem:s29], [sflag:$0x1] =	stream.indirect.gather [hbm4b:s3+s8], $0x20, s28, s8, $0xb8;
	[tilespmem:$0x1AC00] =	vst v63  }
0x58: {  	s30 =	simm.s32 $0x900;
	s31 =	simm.s32 $0x16100  }
0x59: {  	[tilespmem:s31], [sflag:$0x1] =	stream.indirect.gather [hbm4b:s3+s8], $0x20, s30, s8, $0xb8;
	[tilespmem:$0x1AC00] =	vst v63  }
0x5a: {  	_ = 	snop  }
0x5b: {  	[tilespmem:s11], [sflag:$0x1] =	stream.indirect.gather [hbm4b:s3+s8], $0x20, s10, s8, $0xb8;
	[tilespmem:$0x1AC00] =	vst v63  }
0x5c: {  	_ = 	snop  }
0x5d: {  	[tilespmem:s13], [sflag:$0x1] =	stream.indirect.gather [hbm4b:s3+s8], $0x20, s12, s8, $0xb8;
	[tilespmem:$0x1AC00] =	vst v63  }
0x5e: {  	_ = 	snop  }
0x5f: {  	[tilespmem:s15], [sflag:$0x1] =	stream.indirect.gather [hbm4b:s3+s8], $0x20, s14, s8, $0xb8;
	[tilespmem:$0x1AC00] =	vst v63  }
0x60: {  	_ =	swait.ge [sflag:s16], $0x640  }
0x61: {  	[sflag:s16] =	ssyncset.done $0x0  }
0x62: {  	[sflag:s16] =	ssyncadd.s32 $0xFFFFF9C0  }
0x63: {  	_ =	swait.ge [sflag:s16], $0x640  }
0x64: {  	[sflag:s16] =	ssyncset.done $0x0  }
0x65: {  	[sflag:s16] =	ssyncadd.s32 $0xFFFFF9C0  }
0x66: {  	_ =	swait.ge [sflag:s16], $0x640  }
0x67: {  	[sflag:s16] =	ssyncset.done $0x0  }
0x68: {  	[sflag:s16] =	ssyncadd.s32 $0xFFFFF9C0  }
0x69: {  	_ =	swait.ge [sflag:s16], $0x640  }
0x6a: {  	[sflag:s16] =	ssyncset.done $0x0  }
0x6b: {  	s19 =	simm.s32 $0x0;
	[sflag:s16] =	ssyncadd.s32 $0xFFFFF9C0  }
0x6c: {  	s19 =	smul.u32 $0xAB, s19;
	_ =	swait.ge [sflag:s16], $0x640  }
0x6d: {  	p0 =	por $0x0, $0x0;
	[sflag:s16] =	ssyncset.done $0x0  }
0x6e: {  	s20 =	simm.s32 $0x5;
	s19 =	sshrl.u32 s19, $0xA;
	[sflag:s16] =	ssyncadd.s32 $0xFFFFF9C0  }
0x6f: {  	s20 =	smul.u32 @!p0 $0xAB, s20;
	s19 =	sand.u32 $0x3F, s19;
	_ =	swait.ge [sflag:s16], $0x640  }
0x70: {  	s19 =	smul.u32 $0x6, s19;
	[sflag:s16] =	ssyncset.done $0x0  }
0x71: {  	p1 =	por @!p0 $0x1, $0x1;
	s20 =	sshrl.u32 @!p0 s20, $0xA;
	[sflag:s16] =	ssyncadd.s32 $0xFFFFF9C0  }
0x72: {  	s20 =	sand.u32 @!p0 $0x3F, s20;
	s19 =	ssub.s32 $0x0, s19;
	_ =	swait.ge [sflag:s16], $0x640  }
0x73: {  	s20 =	smul.u32 @!p0 $0x6, s20;
	s19 =	sand.u32 $0xFF, s19;
	[sflag:s16] =	ssyncset.done $0x0  }
0x74: {  	p1 =	por p1, p0;
	s19 =	smul.u32 $0xC800, s19;
	[sflag:s16] =	ssyncadd.s32 $0xFFFFF9C0  }
0x75: {  	s21 =	simm.s32 @!p1 $0x2;
	s20 =	ssub.s32 @!p0 $0x5, s20;
	_ =	swait.ge [sflag:s16], $0x640  }
0x76: {  	s20 =	sand.u32 @!p0 $0xFF, s20;
	s19 =	sshrl.u32 s19, $0x2;
	[sflag:s16] =	ssyncset.done $0x0  }
0x77: {  	s20 =	smul.u32 @!p0 $0xC800, s20;
	s19 =	sadd.s32 $0x8000, s19;
	[sflag:s16] =	ssyncadd.s32 $0xFFFFF9C0  }
0x78: {  	[hbm4b:s6+s2] =	stream.linear.scatter [tilespmem:s19], [sflag:$0x2], $0x3200, $0x38;
	[tilespmem:$0x1AC00] =	vst v63  }
0x79: {  	_ =	swait.ge @!p1 [sflag:s21], $0x3200  }
0x7a: {  	s22 =	simm.s32 @!p0 $0x32;
	s20 =	sshrl.u32 @!p0 s20, $0x2;
	[sflag:s21] =	ssyncset.done @!p1 $0x0  }
0x7b: {  	s23 =	sadd.s32 @!p0 $0x8000, s20;
	s19 =	simm.s32 @!p0 $0xA00;
	[sflag:s21] =	ssyncadd.s32 @!p1 $0xFFFFCE00  }
0x7c: {  	[tilespmem:s23], [sflag:$0x1] =	stream.indirect.gather @!p0 [hbm4b:s3+s22], $0x20, s19, s22, $0xb8;
	[tilespmem:$0x1AC00] =	vst v63  }
0x7d: {  	s21 =	sadd.s32 @!p0 $0x8640, s20;
	s19 =	simm.s32 @!p0 $0xA40  }
0x7e: {  	[tilespmem:s21], [sflag:$0x1] =	stream.indirect.gather @!p0 [hbm4b:s3+s22], $0x20, s19, s22, $0xb8;
	[tilespmem:$0x1AC00] =	vst v63  }
0x7f: {  	s26 =	simm.s32 @!p0 $0xB80;
	s19 =	simm.s32 @!p0 $0xA80;
	s21 =	sadd.s32 @!p0 $0x8C80, s20  }
0x80: {  	[tilespmem:s21], [sflag:$0x1] =	stream.indirect.gather @!p0 [hbm4b:s3+s22], $0x20, s19, s22, $0xb8;
	[tilespmem:$0x1AC00] =	vst v63  }
0x81: {  	s24 =	sadd.s32 @!p0 $0xA580, s20;
	s19 =	sadd.s32 @!p0 $0x92C0, s20;
	s21 =	simm.s32 @!p0 $0xAC0  }
0x82: {  	[tilespmem:s19], [sflag:$0x1] =	stream.indirect.gather @!p0 [hbm4b:s3+s22], $0x20, s21, s22, $0xb8;
	[tilespmem:$0x1AC00] =	vst v63  }
0x83: {  	s25 =	sadd.s32 @!p0 $0xABC0, s20;
	s19 =	sadd.s32 @!p0 $0x9900, s20;
	s21 =	simm.s32 @!p0 $0xB00  }
0x84: {  	[tilespmem:s19], [sflag:$0x1] =	stream.indirect.gather @!p0 [hbm4b:s3+s22], $0x20, s21, s22, $0xb8;
	[tilespmem:$0x1AC00] =	vst v63  }
0x85: {  	s23 =	simm.s32 @!p0 $0xB40;
	s19 =	simm.s32 $0x800;
	s21 =	sadd.s32 @!p0 $0x9F40, s20  }
0x86: {  	[tilespmem:s21], [sflag:$0x1] =	stream.indirect.gather @!p0 [hbm4b:s3+s22], $0x20, s23, s22, $0xb8;
	[tilespmem:$0x1AC00] =	vst v63  }
0x87: {  	s20 =	simm.s32 $0x6;
	s23 =	simm.s32 @!p0 $0xBC0;
	s21 =	sadd.s32 $0x640, s6  }
.LBB2_2:
0x88: {  	[tilespmem:s24], [sflag:$0x1] =	stream.indirect.gather @!p0 [hbm4b:s3+s22], $0x20, s26, s22, $0xb8;
	[tilespmem:$0x1AC00] =	vst v63  }
0x89: {  	s24 =	smov.u32 s19;
	s19 =	sadd.s32 $0x800, s19  }
0x8a: {  	[tilespmem:s25], [sflag:$0x1] =	stream.indirect.gather @!p0 [hbm4b:s3+s22], $0x20, s23, s22, $0xb8;
	[tilespmem:$0x1AC00] =	vst v63  }
0x8b: {  	p1 =	sne.s32 s19, $0x20000;
	_ =	swait.ge [sflag:s16], $0x640  }
0x8c: {  	[sflag:s16] =	ssyncset.done $0x0  }
0x8d: {  	[sflag:s16] =	ssyncadd.s32 $0xFFFFF9C0  }
0x8e: {  	_ =	swait.ge [sflag:s16], $0x640  }
0x8f: {  	[sflag:s16] =	ssyncset.done $0x0  }
0x90: {  	[sflag:s16] =	ssyncadd.s32 $0xFFFFF9C0  }
0x91: {  	_ =	swait.ge [sflag:s16], $0x640  }
0x92: {  	[sflag:s16] =	ssyncset.done $0x0  }
0x93: {  	[sflag:s16] =	ssyncadd.s32 $0xFFFFF9C0  }
0x94: {  	s22 =	sadd.s32 $0xFFFFFFFB, s20;
	_ =	swait.ge [sflag:s16], $0x640  }
0x95: {  	s23 =	smul.u32 $0xAB, s22;
	[sflag:s16] =	ssyncset.done $0x0  }
0x96: {  	[sflag:s16] =	ssyncadd.s32 $0xFFFFF9C0  }
0x97: {  	s23 =	sshrl.u32 s23, $0xA;
	_ =	swait.ge [sflag:s16], $0x640  }
0x98: {  	p0 =	sgt.u32 s22, $0x3A;
	s23 =	sand.u32 $0x3F, s23;
	[sflag:s16] =	ssyncset.done $0x0  }
0x99: {  	p2 =	seq.s32 @!p0 s24, $0x0;
	s25 =	smul.u32 $0x6, s23;
	[sflag:s16] =	ssyncadd.s32 $0xFFFFF9C0  }
0x9a: {  	s26 =	smul.u32 @!p0 $0xAB, s20;
	s23 =	sshra.s32 @!p0 s24, $0x2;
	_ =	swait.ge [sflag:s16], $0x640  }
0x9b: {  	s24 =	sadd.s32 @!p0 $0xA00, s23;
	s22 =	ssub.s32 s22, s25;
	[sflag:s16] =	ssyncset.done $0x0  }
0x9c: {  	s25 =	sshrl.u32 @!p0 s26, $0xA;
	s22 =	sand.u32 $0xFF, s22;
	[sflag:s16] =	ssyncadd.s32 $0xFFFFF9C0  }
0x9d: {  	s25 =	sand.u32 @!p0 $0x3F, s25;
	s22 =	smul.u32 $0xC800, s22;
	_ =	swait.ge [sflag:s16], $0x640  }
0x9e: {  	s26 =	sadd.s32 @!p0 $0xA40, s23;
	s25 =	smul.u32 @!p0 $0x6, s25;
	[sflag:s16] =	ssyncset.done $0x0  }
0x9f: {  	p2 =	por p2, p0;
	s22 =	sshrl.u32 s22, $0x2;
	[sflag:s16] =	ssyncadd.s32 $0xFFFFF9C0  }
0xa0: {  	s25 =	ssub.s32 @!p0 s20, s25;
	s22 =	sadd.s32 $0x8000, s22;
	_ =	swait.ge [sflag:s16], $0x640  }
0xa1: {  	s28 =	simm.s32 @!p2 $0x2;
	s25 =	sand.u32 @!p0 $0xFF, s25;
	[sflag:s16] =	ssyncset.done $0x0  }
0xa2: {  	s29 =	sadd.s32 @!p0 $0xA80, s23;
	s25 =	smul.u32 @!p0 $0xC800, s25;
	[sflag:s16] =	ssyncadd.s32 $0xFFFFF9C0  }
0xa3: {  	[hbm4b:s21+s2] =	stream.linear.scatter [tilespmem:s22], [sflag:$0x2], $0x3200, $0x38;
	[tilespmem:$0x1AC00] =	vst v63  }
0xa4: {  	s25 =	sshrl.u32 @!p0 s25, $0x2;
	s22 =	simm.s32 @!p0 $0x32;
	_ =	swait.ge @!p2 [sflag:s28], $0x3200  }
0xa5: {  	s30 =	sadd.s32 @!p0 $0x8000, s25;
	s31 =	sadd.s32 @!p0 $0x8640, s25;
	[sflag:s28] =	ssyncset.done @!p2 $0x0  }
0xa6: {  	s0 =	sadd.s32 @!p0 $0x92C0, s25;
	[sflag:s28] =	ssyncadd.s32 @!p2 $0xFFFFCE00;
	s28 =	sadd.s32 @!p0 $0x8C80, s25  }
0xa7: {  	[tilespmem:s30], [sflag:$0x1] =	stream.indirect.gather @!p0 [hbm4b:s3+s22], $0x20, s24, s22, $0xb8;
	[tilespmem:$0x1AC00] =	vst v63  }
0xa8: {  	s1 =	sadd.s32 @!p0 $0x9F40, s25;
	s30 =	sadd.s32 @!p0 $0x9900, s25;
	s24 =	sadd.s32 @!p0 $0xA580, s25  }
0xa9: {  	[tilespmem:s31], [sflag:$0x1] =	stream.indirect.gather @!p0 [hbm4b:s3+s22], $0x20, s26, s22, $0xb8;
	[tilespmem:$0x1AC00] =	vst v63  }
0xaa: {  	s9 =	sadd.s32 @!p0 $0xB00, s23;
	s25 =	sadd.s32 @!p0 $0xABC0, s25;
	s31 =	sadd.s32 @!p0 $0xAC0, s23  }
0xab: {  	[tilespmem:s28], [sflag:$0x1] =	stream.indirect.gather @!p0 [hbm4b:s3+s22], $0x20, s29, s22, $0xb8;
	[tilespmem:$0x1AC00] =	vst v63  }
0xac: {  	s26 =	sadd.s32 @!p0 $0xB80, s23;
	s28 =	sadd.s32 @!p0 $0xB40, s23;
	s23 =	sadd.s32 @!p0 $0xBC0, s23  }
0xad: {  	[tilespmem:s0], [sflag:$0x1] =	stream.indirect.gather @!p0 [hbm4b:s3+s22], $0x20, s31, s22, $0xb8;
	[tilespmem:$0x1AC00] =	vst v63  }
.Ltmp0:
0xae: {  	(pc) =	sbr.rel @p1 .LBB2_2-.Ltmp0, $4  }
0xaf: {  	[tilespmem:s30], [sflag:$0x1] =	stream.indirect.gather @!p0 [hbm4b:s3+s22], $0x20, s9, s22, $0xb8;
	[tilespmem:$0x1AC00] =	vst v63  }
0xb0: {  	_ = 	snop  }
0xb1: {  	[tilespmem:s1], [sflag:$0x1] =	stream.indirect.gather @!p0 [hbm4b:s3+s22], $0x20, s28, s22, $0xb8;
	[tilespmem:$0x1AC00] =	vst v63  }
0xb2: {  	s20 =	sadd.s32 $0x1, s20;
	s21 =	sadd.s32 $0x640, s21  }
0xb3: {  	[tilespmem:s24], [sflag:$0x1] =	stream.indirect.gather @!p0 [hbm4b:s3+s22], $0x20, s26, s22, $0xb8;
	[tilespmem:$0x1AC00] =	vst v63  }
0xb4: {  	_ = 	snop  }
0xb5: {  	[tilespmem:s25], [sflag:$0x1] =	stream.indirect.gather @!p0 [hbm4b:s3+s22], $0x20, s23, s22, $0xb8;
	[tilespmem:$0x1AC00] =	vst v63  }
0xb6: {  	_ =	swait.ge [sflag:s17], $0x3200  }
0xb7: {  	[sflag:s17] =	ssyncset.done $0x0  }
0xb8: {  	[sflag:s17] =	ssyncadd.s32 $0xFFFFCE00  }
0xb9: {  	_ =	swait.ge [sflag:s17], $0x3200  }
0xba: {  	[sflag:s17] =	ssyncset.done $0x0  }
0xbb: {  	[sflag:s17] =	ssyncadd.s32 $0xFFFFCE00  }
0xbc: {  	_ =	swait.ge [sflag:s17], $0x3200  }
0xbd: {  	[sflag:s17] =	ssyncset.done $0x0  }
0xbe: {  	[sflag:s17] =	ssyncadd.s32 $0xFFFFCE00  }
0xbf: {  	_ =	swait.ge [sflag:s17], $0x3200  }
0xc0: {  	[sflag:s17] =	ssyncset.done $0x0  }
0xc1: {  	s18 =	sadd.s32 $0x1, s18;
	[sflag:s17] =	ssyncadd.s32 $0xFFFFCE00  }
0xc2: {  	p0 =	sne.s32 s18, s5;
	_ =	swait.ge [sflag:s17], $0x3200  }
.Ltmp1:
0xc3: {  	[sflag:s17] =	ssyncset.done $0x0;
	(pc) =	sbr.rel @p0 .LBB2_1-.Ltmp1, $4  }
0xc4: {  	[sflag:s17] =	ssyncadd.s32 $0xFFFFCE00  }
0xc5: {  	_ =	swait.ge [sflag:s17], $0x3200  }
0xc6: {  	[sflag:s17] =	ssyncset.done $0x0  }
0xc7: {  	[sflag:s17] =	ssyncadd.s32 $0xFFFFCE00  }
0xc8: {  	_ =	sfence.sel $0x180000  }
0xc9: {  	[bflag:$0x0] =	sbarrier.arrive $0xFFFF  }
0xca: {  	_ =	strace $0x9000004A  }
0xcb: {  	s0 =	stileid.u32;
	[bflag:$0x2] =	sbarrier.arrive $0xFFFF  }
0xcc: {  	p0 =	sne.s32 s0, $0x0;
	s0 =	rddreg [dreg:$0x2]  }
0xcd: {  	s0 =	sadd.s32 @!p0 $0x100000, s0  }
0xce: {  	[sflag:s0] =	ssyncadd.tile.s32 @!p0 $0x1;
	_ =	shalt  }
.Lfunc_end2:
_tile_overlayer_lowered:
.L_overlay_start_2:
0xcf: {  	(tag) =	ssettag $0x2  }
0xd0: {  	s0 =	rddreg [dreg:$0x0];
	s2 =	stileid.u32  }
0xd1: {  	s1 =	rddreg [dreg:$0x1];
	p0 =	sne.s32 s2, $0x0  }
0xd2: {  	s3 =	rddreg [dreg:$0x2];
	[bflag:$0x3] =	sbarrier.arrive $0xFFFF;
	s2 =	simm.s32 @!p0 $0x1C03  }
0xd3: {  	[timem:s3], [sflag:s2] =	dma.local @!p0 [hbm:s0], s1  }
0xd4: {  	s0 =	simm.s32 @!p0 $0x3  }
0xd5: {  	_ =	swait.ge @!p0 [sflag:s0], s1  }
0xd6: {  	s1 =	ssub.s32 @!p0 $0x0, s1;
	[sflag:s0] =	ssyncset.done @!p0 $0x0  }
0xd7: {  	[sflag:s0] =	ssyncadd.s32 @!p0 s1  }
0xd8: {  	[bflag:$0x3] =	sbarrier.arrive $0xFFFF  }
0xd9: {  	_ =	shalt  }

// kernel: sparse-core-data-format-call.cloned.1.call-start
scs
called_computation_lowered:
.L_overlay_start_0:
0x0: {  	s2 =	sld [smem:$0x3FD9]  }
0x1: {  	s3 =	sld [smem:$0x3FFE];
	_ =	sdelay $0x1  }
0x2: {  	s1 =	srdreg.scid  }
0x3: {  	s0 =	sand.u32 $0x1, s1  }
0x4: {  	s18 =	sshll.u32 s0, $0xA;
	s2 =	sadd.s32 s3, s2  }
0x5: {  	s2 =	sadd.s32 s2, s18  }
0x6: {  	[smem:$0x3FC6] =	sst s2  }
0x7: {  	_ = 	snop  }
0x8: {  	s2 =	sld [smem:$0x3FD0];
	(tm) =	ssettm $0x1  }
0x9: {  	s19 =	sld [smem:$0x3FFB];
	_ =	sdelay $0x3  }
0xa: {  	_ =	strace s19  }
0xb: {  	s3 =	sld [smem:$0x3FFC];
	_ =	sdelay $0x3  }
0xc: {  	_ =	strace s3  }
0xd: {  	s3 =	sld [smem:$0x3FFD];
	_ =	sdelay $0x3  }
0xe: {  	_ =	strace s3  }
0xf: {  	_ =	strace $0x8FFFFFFF  }
0x10: {  	s20 =	sld [smem:$0x3FDB];
	_ =	sdelay $0x1  }
0x11: {  	s4 =	simm.s32 $_scs_section_size  }
0x12: {  	s5 =	simm.s32 $_size__tile_overlayer_lowered;
	s6 =	simm.s32 $_tile_overlayer_lowered  }
0x13: {  	s23 =	simm.s32 $0x1BFF;
	s22 =	sshll.u32 s6, $0x1;
	s3 =	sadd.s32 s4, s20  }
0x14: {  	s7 =	simm.s32 $0x0;
	s21 =	sshll.u32 s5, $0x1;
	s5 =	sadd.s32 s22, s3  }
0x15: {  	[timem:s7], [sflag:s23] =	dma.local [hbm:s5], s21  }
0x16: {  	_ =	swait.ge [sflag:s23], s21  }
0x17: {  	s4 =	ssub.s32 $0x0, s21;
	[sflag:s23] =	ssyncset.done $0x0  }
0x18: {  	[sflag:s23] =	ssyncadd.s32 s4;
	_ =	sdelay $0x1  }
0x19: {  	s24 =	simm.s32 $0x1B8B  }
0x1a: {  	_ =	swait.ge [sflag:s24], $0x1  }
0x1b: {  	[sflag:s24] =	ssyncset.done $0x0  }
0x1c: {  	s26 =	simm.s32 $0x1B8E;
	s25 =	sld [smem:$0x3FFE];
	[sflag:s24] =	ssyncadd.s32 $0xFFFFFFFF  }
0x1d: {  	s27 =	simm.s32 $execute0_lowered;
	[smem:$0x3FD2] =	sst s26  }
0x1e: {  	s5 =	sshll.u32 s27, $0x1;
	_ =	strace $0x8000004C;
	[dreg:$0x1] =	wrdreg $0xFFFFFFFF  }
0x1f: {  	s28 =	simm.s32 $_size_execute0_lowered;
	s3 =	sadd.s32 s3, s5;
	[dreg:$0x0] =	wrdreg $0x0  }
0x20: {  	s5 =	sshll.u32 s28, $0x1;
	[dreg:$0x2] =	wrdreg s3  }
0x21: {  	[dreg:$0x3] =	wrdreg s5  }
0x22: {  	[dreg:$0x4] =	wrdreg $0xC0  }
0x23: {  	_ =	task [dreg:s7], $0x5FFFF  }
0x24: {  	[dreg:$0x1] =	wrdreg $0xFFFFFFFF  }
0x25: {  	[dreg:$0x0] =	wrdreg $0x60  }
0x26: {  	[dreg:$0x2] =	wrdreg s25  }
0x27: {  	[dreg:$0x3] =	wrdreg s2  }
0x28: {  	[dreg:$0x4] =	wrdreg $0x9  }
0x29: {  	_ =	task.clear_ibuf [dreg:s7], $0x5FFFF;
	_ =	strace $0x9000004C  }
0x2a: {  	s29 =	simm.s32 $0x9;
	_ =	strace $0x8000004E  }
0x2b: {  	_ =	swait.ge [sflag:s29], $0x1  }
0x2c: {  	[sflag:s29] =	ssyncadd.s32 $0xFFFFFFFF  }
0x2d: {  	_ =	strace $0x9000004E  }
0x2e: {  	_ =	sfence  }
0x2f: {  	s30 =	sld [smem:$0x0];
	_ =	sdelay $0x2  }
0x30: {  	s31 =	sshll.u32 s1, $0xD;
	s1 =	sshrl.u32 s1, $0x2  }
0x31: {  	s3 =	sand.u32 $0x4000, s31;
	s1 =	sadd.s32 s1, s30  }
0x32: {  	s0 =	sor.u32 s3, s0;
	s1 =	sshll.u32 s1, $0x11  }
0x33: {  	s0 =	sor.u32 s1, s0  }
0x34: {  	s0 =	sadd.s32 $0x8F2B, s0  }
0x35: {  	[sflag:s0] =	ssyncadd.remote.s32 $0x1  }
0x36: {  	_ =	sfence.sel $0xFFFF  }
0x37: {  	[dreg:$0x0] =	wrdreg $0xFFFFFFFF;
	(pc) =	sbr.abs _section_cstart, $3  }
0x38: {  	[dreg:$0x1] =	wrdreg $0xFFFFFFFF  }
0x39: {  	_ =	task.clear_ibuf [dreg:s7], $0x2FFFF;
	_ =	strace $0x9FFFFFFF  }
0x3a: {  	(tm) =	ssettm $0x7FFFFFFF  }
0x3b: {  	_ =	shalt  }
tec
execute0_lowered:
.L_overlay_start_1:
0x0: {  	(tag) =	ssettag $0x1  }
0x1: {  	s0 =	srdreg.scid  }
0x2: {  	s1 =	sshll.u32 s0, $0x4  }
0x3: {  	s0 =	stileid.u32;
	s1 =	sand.u32 $0x10, s1  }
0x4: {  	s1 =	sor.u32 s0, s1  }
0x5: {  	s6 =	rddreg [dreg:$0x0];
	s4 =	simm.s32 $0x1;
	s2 =	sshll.u32 s1, $0x7  }
0x6: {  	s7 =	simm.s32 $0x2;
	s12 =	simm.s32 $0x0;
	s1 =	ssub.s32 $0x4000, s2  }
0x7: {  	s8 =	simm.s32 $0x20000;
	s13 =	simm.s32 $0x0;
	s3 =	sand.u32 $0xF80, s1  }
0x8: {  	s9 =	simm.s32 $0x0;
	s5 =	sshrl.u32 s1, $0xC;
	p0 =	sne.s32 s3, $0x0  }
.Ltmp0:
0x9: {  	s1 =	rddreg [dreg:$0x2];
	s4 =	simm.s32 @!p0 $0x0;
	(pc) =	sbr.rel .LBB1_1-.Ltmp0, $4  }
0xa: {  	s11 =	simm.s32 $0x0;
	s3 =	rddreg [dreg:$0x1];
	s5 =	sadd.s32 s4, s5  }
0xb: {  	_ =	strace $0x8000004D;
	s4 =	simm.s32 $0x1;
	s5 =	smul.u32 $0x32, s5  }
0xc: {  	s6 =	sadd.s32 $0xC00, s6;
	s10 =	smov.u32 s2;
	[sflag:s4] =	ssyncpa.u1 $0x0  }
0xd: {  	p0 =	por $0x0, $0x0;
	[sflag:s7] =	ssyncpa.u1 $0x0;
	s7 =	sor.u32 $0x1, s5  }
.LBB1_4:
0xe: {  	s16 =	sshll.u32 s13, $0x3;
	s17 =	sand.u32 $0x78, s13  }
0xf: {  	s30 =	sand.u32 $0xF800, s13;
	s12 =	sshll.u32 s12, $0x10;
	s16 =	sand.u32 $0x3C00, s16  }
0x10: {  	s31 =	sand.u32 $0x7, s13;
	s16 =	sor.u32 s17, s16;
	s17 =	sadd.s32 s3, s30  }
0x11: {  	s13 =	sshll.u32 s31, $0x12;
	s16 =	sshrl.u32 s16, $0x3;
	s12 =	sadd.s32 s12, s17  }
0x12: {  	[tilespmem:s15+$0x0 ss:$0x81] =	vst.msk $0xffff, v0;
	s13 =	sor.u32 $0x400, s13;
	s12 =	sadd.s32 s16, s12  }
0x13: {  	[hbm4b:s12+s13] =	stream.strided.scatter [tilespmem:s14], [sflag:$0x2], $0x1000, s8, s13, $0x20;
	[tilespmem:$0x4040] =	vst v63  }
.LBB1_5:
0x14: {  	s14 =	sadd.s32 $0x1, s9  }
0x15: {  	s12 =	sadd.s32 $0x1000, s10;
	s16 =	smov.u32 s10;
	p2 =	sgt.s32 s14, $0x31  }
0x16: {  	s16 =	smov.u32 @p2 s12  }
0x17: {  	s14 =	simm.s32 @p2 $0x0;
	p2 =	sgt.s32 s16, $0x3FFF  }
0x18: {  	s16 =	smov.u32 @p2 s2;
	p2 =	sne.s32 s11, s7  }
.Ltmp1:
0x19: {  	p1 =	slt.u32 s11, $0x2;
	(pc) =	sbr.rel @!p2 .LBB1_6-.Ltmp1, $4  }
0x1a: {  	s15 =	simm.s32 @!p1 $0x2  }
0x1b: {  	s13 =	smov.u32 s10;
	p0 =	por !p0, !p0;
	_ =	swait.ge @!p1 [sflag:s15], $0x1000  }
0x1c: {  	s12 =	smov.u32 s9;
	[sflag:s15] =	ssyncset.done @!p1 $0x0;
	s9 =	smov.u32 s14  }
0x1d: {  	s11 =	sadd.s32 $0x1, s11;
	[sflag:s15] =	ssyncadd.s32 @!p1 $0xFFFFF000;
	s10 =	smov.u32 s16  }
.LBB1_1:
0x1e: {  	p1 =	sge.u32 s11, s5  }
0x1f: {  	s14 =	sand.u32 @!p1 $0x1FFFFFF, s9  }
0x20: {  	s15 =	smulhi.u32 @!p1 $0x4924925, s14;
	_ =	sdelay $0x1  }
0x21: {  	s15 =	smul.u32 @!p1 $0x38, s15  }
0x22: {  	s16 =	sxor.u32 @!p1 $0xFFFFFFFF, s11;
	s17 =	smul.u32 @!p1 $0x380, s10  }
0x23: {  	s31 =	sadd.s32 $0xFFFFFFFF, s11;
	s16 =	sshll.u32 @!p1 s16, $0xC;
	s14 =	ssub.s32 @!p1 s14, s15  }
0x24: {  	s15 =	sand.u32 @!p1 $0x1000, s16;
	s16 =	sadd.s32 @!p1 s6, s17;
	s14 =	sshll.u32 @!p1 s14, $0x4  }
0x25: {  	s17 =	simm.s32 @!p1 $0x1C00;
	s14 =	sadd.s32 @!p1 s14, s16;
	s16 =	simm.s32 @!p1 $0x20  }
0x26: {  	[tilespmem:s15], [sflag:$0x1] =	stream.strided.gather @!p1 [hbm4b:s14+s16], $0x1000, s17, s16, $0x38;
	[tilespmem:$0x4040] =	vst v63  }
0x27: {  	p1 =	sge.u32 s31, s5  }
.Ltmp2:
0x28: {  	_ = 	snop;
	(pc) =	sbr.rel @p1 .LBB1_5-.Ltmp2, $1  }
0x29: {  	_ =	sdelay $0x3  }
0x2a: {  	s14 =	simm.s32 $0x1  }
0x2b: {  	_ =	swait.ge [sflag:s4], $0x1000;
	s14 =	simm.s32 @!p0 $0x0  }
0x2c: {  	[sflag:s4] =	ssyncset.done $0x0;
	s15 =	sshll.u32 s14, $0xC  }
0x2d: {  	[sflag:s4] =	ssyncadd.s32 $0xFFFFF000;
	s18 =	sor.u32 $0x10, s15  }
0x2e: {  	s14 =	smul.u32 $0x4080, s14;
	v1 =	vld [tilespmem:s18+$0x0]  }
0x2f: {  	s30 =	sand.u32 $0x1, s11;
	v0 =	vld [tilespmem:s18+$0xFFFFFFF0]  }
0x30: {  	s15 =	smul.u32 $0x4080, s30;
	s14 =	sshrl.u32 s14, $0x2  }
0x31: {  	s16 =	sor.u32 $0x2000, s14  }
0x32: {  	s31 =	sshrl.u32 s15, $0x2;
	s15 =	sadd.s32 $0x0, s16  }
0x33: {  	s17 =	simm.s32 $0x4;
	s18 =	sadd.s32 $0x20, s18;
	s14 =	sor.u32 $0x2000, s31;
	[tilespmem:s15+$0x810 ss:$0x81] =	vst.msk $0xffff, v1  }
.LBB1_3:
0x34: {  	v1 =	vld [tilespmem:s18+$0x0];
	p1 =	sne.s32 s17, $0x1FC;
	[tilespmem:s15+$0x0 ss:$0x81] =	vst.msk $0xffff, v0;
	s15 =	smov.u32 s17;
	s17 =	sadd.s32 $0x4, s17  }
.Ltmp3:
0x35: {  	v0 =	vld [tilespmem:s18+$0xFFFFFFF0];
	(pc) =	sbr.rel @p1 .LBB1_3-.Ltmp3, $4  }
0x36: {  	_ = 	snop  }
0x37: {  	s15 =	sshra.s32 s15, $0x2  }
0x38: {  	s15 =	sadd.s32 s15, s16  }
0x39: {  	s18 =	sadd.s32 $0x20, s18;
	[tilespmem:s15+$0x810 ss:$0x81] =	vst.msk $0xffff, v1  }
.Ltmp4:
0x3a: {  	_ = 	snop;
	(pc) =	sbr.rel .LBB1_4-.Ltmp4, $1  }
0x3b: {  	_ =	sdelay $0x3  }
.LBB1_6:
0x3c: {  	_ =	sfence.sel $0x180000  }
0x3d: {  	s2 =	simm.s32 $0x1;
	[bflag:$0x0] =	sbarrier.arrive $0xFFFF  }
0x3e: {  	s31 =	simm.s32 $0x2;
	[sflag:s2] =	ssyncpa.u1 $0x1  }
0x3f: {  	[sflag:s31] =	ssyncpa.u1 $0x1  }
0x40: {  	p0 =	sne.s32 s0, $0x0;
	_ =	strace $0x9000004D  }
0x41: {  	s0 =	sadd.s32 @!p0 $0x100000, s1;
	[bflag:$0x2] =	sbarrier.arrive $0xFFFF  }
0x42: {  	[sflag:s0] =	ssyncadd.tile.s32 @!p0 $0x1;
	_ =	shalt  }
.Lfunc_end1:
_tile_overlayer_lowered:
.L_overlay_start_2:
0x43: {  	(tag) =	ssettag $0x2  }
0x44: {  	s0 =	rddreg [dreg:$0x0];
	s2 =	stileid.u32  }
0x45: {  	s1 =	rddreg [dreg:$0x1];
	p0 =	sne.s32 s2, $0x0  }
0x46: {  	s3 =	rddreg [dreg:$0x2];
	[bflag:$0x3] =	sbarrier.arrive $0xFFFF;
	s2 =	simm.s32 @!p0 $0x1C01  }
0x47: {  	[timem:s3], [sflag:s2] =	dma.local @!p0 [hbm:s0], s1  }
0x48: {  	s0 =	simm.s32 @!p0 $0x1  }
0x49: {  	_ =	swait.ge @!p0 [sflag:s0], s1  }
0x4a: {  	s1 =	ssub.s32 @!p0 $0x0, s1;
	[sflag:s0] =	ssyncset.done @!p0 $0x0  }
0x4b: {  	[sflag:s0] =	ssyncadd.s32 @!p0 s1  }
0x4c: {  	[bflag:$0x3] =	sbarrier.arrive $0xFFFF  }
0x4d: {  	_ =	shalt  }

</sc_bundles>
